<compile_context>
chip_gen: v7x
topology: tpu7x:2x2x1
jax: 0.10.2.dev20260603
libtpu: 0.0.44.dev20260713+nightly
codegen_flags: <defaults>
</compile_context>

<pallas_src>
import functools
import math

import jax
import jax.numpy as jnp
from jax import lax
from jax.experimental import pallas as pl
from jax.experimental.pallas import tpu as pltpu
from jax.experimental.pallas import tpu_sc as plsc

VOCAB = 100000
EMB = 128
SCALE = math.sqrt(float(EMB))

NC = 2
NS = 16
NW = NC * NS
LANES = 16

NSEQ = 4096
SEQ = 50
SPW = NSEQ // NW
SEQ_PER_CHUNK = 2
CHUNK_ROWS = SEQ_PER_CHUNK * SEQ
NCHUNK = SPW // SEQ_PER_CHUNK
EMB_VREGS = EMB // LANES
NBUF = 8


@functools.partial(
    pl.kernel,
    out_type=jax.ShapeDtypeStruct((NSEQ, SEQ, EMB), jnp.float32),
    mesh=plsc.VectorSubcoreMesh(core_axis_name="c", subcore_axis_name="s"),
    scratch_types=[
        pltpu.VMEM((NCHUNK, CHUNK_ROWS), jnp.int32),
    ] + [pltpu.VMEM((CHUNK_ROWS, EMB), jnp.float32)] * NBUF
      + [pltpu.SemaphoreType.DMA] * (2 * NBUF),
)
def _sc_gather(idx_hbm, table_hbm, out_hbm, idx_v, *rest):
    bufs = rest[:NBUF]
    gsem = rest[NBUF:2 * NBUF]
    wsem = rest[2 * NBUF:]

    wid = lax.axis_index("s") * NC + lax.axis_index("c")
    pltpu.sync_copy(idx_hbm.at[wid], idx_v)

    def start_gather(g, buf, sem):
        pltpu.async_copy(table_hbm.at[idx_v.at[g]], buf, sem)

    def wait_gather(g, buf, sem):
        pltpu.make_async_copy(table_hbm.at[idx_v.at[g]], buf, sem).wait()

    def scale_rows(buf):
        def row_body(r, carry):
            for c in range(EMB_VREGS):
                sl = pl.ds(c * LANES, LANES)
                buf[r, sl] = buf[r, sl] * SCALE
            return carry

        lax.fori_loop(0, CHUNK_ROWS, row_body, 0)

    def start_write(g, buf, sem):
        b = wid * SPW + g * SEQ_PER_CHUNK
        pltpu.async_copy(buf.at[pl.ds(0, SEQ)], out_hbm.at[b], sem)
        pltpu.async_copy(buf.at[pl.ds(SEQ, SEQ)], out_hbm.at[b + 1], sem)

    def wait_write(g, buf, sem):
        b = wid * SPW + g * SEQ_PER_CHUNK
        pltpu.make_async_copy(buf.at[pl.ds(0, SEQ)], out_hbm.at[b], sem).wait()
        pltpu.make_async_copy(buf.at[pl.ds(SEQ, SEQ)], out_hbm.at[b + 1], sem).wait()

    for j in range(NBUF - 1):
        start_gather(j, bufs[j], gsem[j])

    def body(h, carry):
        for j in range(NBUF):
            g = NBUF * h + j
            jp = (j + NBUF - 1) % NBUF
            wait_gather(g, bufs[j], gsem[j])
            scale_rows(bufs[j])
            start_write(g, bufs[j], wsem[j])

            @pl.when(g + NBUF - 1 < NCHUNK)
            def _():
                @pl.when(g >= 1)
                def _():
                    wait_write(g - 1, bufs[jp], wsem[jp])

                start_gather(g + NBUF - 1, bufs[jp], gsem[jp])
        return carry

    lax.fori_loop(0, NCHUNK // NBUF, body, 0)
    for j in range(NBUF):
        wait_write(NCHUNK - NBUF + j, bufs[j], wsem[j])


def kernel(tokens, table):
    idx = tokens.reshape(NW, NCHUNK, CHUNK_ROWS).astype(jnp.int32)
    return _sc_gather(idx, table)

# --- scband reference (transcript-rebuilt; emitter-appended) ---
"""Pipeline reference for scband-alphabet-embedding-21036749816427 (READ-ONLY COPY).

The authoritative reference and input builder live on the scoring server;
editing this copy changes nothing except your own understanding.
"""

import math
import jax, jax.numpy as jnp
import numpy as np

VOCAB = 100000
EMB = 128
PAD_IDX = 0

def setup_inputs(seed: int = 0) -> dict:
    key = jax.random.key(seed)
    k1, k2 = jax.random.split(key)
    tokens = jax.random.randint(k1, (4096, 50), 0, VOCAB, dtype=jnp.int64) if jax.config.jax_enable_x64 else jax.random.randint(k1, (4096, 50), 0, VOCAB, dtype=jnp.int32)
    table = jax.random.normal(k2, (VOCAB, EMB), dtype=jnp.float32)
    # padding_idx row is initialized to zero in nn.Embedding
    table = table.at[PAD_IDX].set(0.0)
    return {"tokens": tokens, "table": table}

def reference(tokens, table):
    # nn.Embedding(padding_idx=PAD_IDX): ensure pad row contributes zeros
    tbl = table.at[PAD_IDX].set(0.0)
    emb = jnp.take(tbl, tokens, axis=0)
    return emb * math.sqrt(EMB)

if __name__ == "__main__":
    import jax
    _d = setup_inputs()
    print(jax.jit(kernel)(*tuple(_d.values())))

</pallas_src>

<mosaic_0001>
#map = affine_map<(d0, d1) -> (0, 0, 0)>
#map1 = affine_map<(d0, d1) -> (0, 0)>
module attributes {stable_mosaic.version = 14 : i64} {
  func.func @_sc_gather(%arg0: i32, %arg1: i32, %arg2: memref<32x64x100xi32, #tpu.memory_space<hbm>>, %arg3: memref<100000x128xf32, #tpu.memory_space<hbm>>, %arg4: memref<4096x50x128xf32, #tpu.memory_space<hbm>>, %arg5: memref<64x100xi32, #tpu.memory_space<vmem>>, %arg6: memref<100x128xf32, #tpu.memory_space<vmem>>, %arg7: memref<100x128xf32, #tpu.memory_space<vmem>>, %arg8: memref<100x128xf32, #tpu.memory_space<vmem>>, %arg9: memref<100x128xf32, #tpu.memory_space<vmem>>, %arg10: memref<100x128xf32, #tpu.memory_space<vmem>>, %arg11: memref<100x128xf32, #tpu.memory_space<vmem>>, %arg12: memref<100x128xf32, #tpu.memory_space<vmem>>, %arg13: memref<100x128xf32, #tpu.memory_space<vmem>>, %arg14: memref<!tpu.dma_semaphore, #tpu.memory_space<semaphore_mem>>, %arg15: memref<!tpu.dma_semaphore, #tpu.memory_space<semaphore_mem>>, %arg16: memref<!tpu.dma_semaphore, #tpu.memory_space<semaphore_mem>>, %arg17: memref<!tpu.dma_semaphore, #tpu.memory_space<semaphore_mem>>, %arg18: memref<!tpu.dma_semaphore, #tpu.memory_space<semaphore_mem>>, %arg19: memref<!tpu.dma_semaphore, #tpu.memory_space<semaphore_mem>>, %arg20: memref<!tpu.dma_semaphore, #tpu.memory_space<semaphore_mem>>, %arg21: memref<!tpu.dma_semaphore, #tpu.memory_space<semaphore_mem>>, %arg22: memref<!tpu.dma_semaphore, #tpu.memory_space<semaphore_mem>>, %arg23: memref<!tpu.dma_semaphore, #tpu.memory_space<semaphore_mem>>, %arg24: memref<!tpu.dma_semaphore, #tpu.memory_space<semaphore_mem>>, %arg25: memref<!tpu.dma_semaphore, #tpu.memory_space<semaphore_mem>>, %arg26: memref<!tpu.dma_semaphore, #tpu.memory_space<semaphore_mem>>, %arg27: memref<!tpu.dma_semaphore, #tpu.memory_space<semaphore_mem>>, %arg28: memref<!tpu.dma_semaphore, #tpu.memory_space<semaphore_mem>>, %arg29: memref<!tpu.dma_semaphore, #tpu.memory_space<semaphore_mem>>) attributes {dimension_semantics = [#tpu.dimension_semantics<core_parallel>, #tpu.dimension_semantics<subcore_parallel>], iteration_bounds = array<i64: 2, 16>, scalar_prefetch = 0 : i64, scratch_operands = 25 : i64, tpu.core_type = #tpu.core_type<sc_vector_subcore>, window_params = [{transform_indices = #map}, {transform_indices = #map1}, {transform_indices = #map}]} {
    %mul3A = arith.constant 2 : i32
    %mul3A_0 = arith.muli %arg1, %mul3A : i32
    %add3A = arith.addi %mul3A_0, %arg0 : i32
    "tpu.region"() ({
      %run_scoped3A = tpu.sem_alloc : memref<!tpu.dma_semaphore, #tpu.memory_space<semaphore_mem>>
      %dma_start3A_325 = arith.constant 0 : i32
      %dma_start3A_326 = arith.constant 0 : i32
      %dma_start3A_327 = tpu.memref_slice %arg2[%add3A, %dma_start3A_325, %dma_start3A_326] : memref<32x64x100xi32, #tpu.memory_space<hbm>> -> memref<1x64x100xi32, #tpu.memory_space<hbm>>
      %dma_start3A_328 = tpu.memref_squeeze %dma_start3A_327 : memref<1x64x100xi32, #tpu.memory_space<hbm>> -> memref<64x100xi32, #tpu.memory_space<hbm>>
      %dma_start3A_329 = arith.constant 0 : i32
      %dma_start3A_330 = arith.constant 0 : i32
      %dma_start3A_331 = tpu.memref_slice %arg2[%add3A, %dma_start3A_329, %dma_start3A_330] : memref<32x64x100xi32, #tpu.memory_space<hbm>> -> memref<1x64x100xi32, #tpu.memory_space<hbm>>
      %dma_start3A_332 = tpu.memref_squeeze %dma_start3A_331 : memref<1x64x100xi32, #tpu.memory_space<hbm>> -> memref<64x100xi32, #tpu.memory_space<hbm>>
      tpu.enqueue_dma source(%dma_start3A_332 : memref<64x100xi32, #tpu.memory_space<hbm>>) target(%arg5 : memref<64x100xi32, #tpu.memory_space<vmem>>) target_semaphore(%run_scoped3A : memref<!tpu.dma_semaphore, #tpu.memory_space<semaphore_mem>>)
      %dma_wait3A_333 = arith.constant 0 : i32
      %dma_wait3A_334 = arith.constant 0 : i32
      %dma_wait3A_335 = tpu.memref_slice %arg2[%add3A, %dma_wait3A_333, %dma_wait3A_334] : memref<32x64x100xi32, #tpu.memory_space<hbm>> -> memref<1x64x100xi32, #tpu.memory_space<hbm>>
      %dma_wait3A_336 = tpu.memref_squeeze %dma_wait3A_335 : memref<1x64x100xi32, #tpu.memory_space<hbm>> -> memref<64x100xi32, #tpu.memory_space<hbm>>
      %dma_wait3A_337 = arith.constant 0 : i32
      %dma_wait3A_338 = arith.constant 0 : i32
      %dma_wait3A_339 = tpu.memref_slice %arg2[%add3A, %dma_wait3A_337, %dma_wait3A_338] : memref<32x64x100xi32, #tpu.memory_space<hbm>> -> memref<1x64x100xi32, #tpu.memory_space<hbm>>
      %dma_wait3A_340 = tpu.memref_squeeze %dma_wait3A_339 : memref<1x64x100xi32, #tpu.memory_space<hbm>> -> memref<64x100xi32, #tpu.memory_space<hbm>>
      tpu.wait_dma2 semaphore(%run_scoped3A : memref<!tpu.dma_semaphore, #tpu.memory_space<semaphore_mem>>) src(%dma_wait3A_340 : memref<64x100xi32, #tpu.memory_space<hbm>>) dst(%arg5 : memref<64x100xi32, #tpu.memory_space<vmem>>)
      tpu.yield
    }) : () -> ()
    %dma_start3A = arith.constant 0 : i32
    %dma_start3A_1 = arith.constant 0 : i32
    %dma_start3A_2 = tpu.memref_slice %arg5[%dma_start3A, %dma_start3A_1] : memref<64x100xi32, #tpu.memory_space<vmem>> -> memref<1x100xi32, #tpu.memory_space<vmem>>
    %dma_start3A_3 = tpu.memref_squeeze %dma_start3A_2 : memref<1x100xi32, #tpu.memory_space<vmem>> -> memref<100xi32, #tpu.memory_space<vmem>>
    %dma_start3A_4 = arith.constant 0 : i32
    %dma_start3A_5 = arith.constant 0 : i32
    %dma_start3A_6 = tpu.memref_slice %arg3[%dma_start3A_4, %dma_start3A_5] : memref<100000x128xf32, #tpu.memory_space<hbm>> -> memref<100000x128xf32, #tpu.memory_space<hbm>>
    tpu.enqueue_indirect_dma source(%dma_start3A_6 : memref<100000x128xf32, #tpu.memory_space<hbm>>) target(%arg6 : memref<100x128xf32, #tpu.memory_space<vmem>>) offsets(%dma_start3A_3 : memref<100xi32, #tpu.memory_space<vmem>>) semaphore(%arg14 : memref<!tpu.dma_semaphore, #tpu.memory_space<semaphore_mem>>)
    %dma_start3A_7 = arith.constant 1 : i32
    %dma_start3A_8 = arith.constant 0 : i32
    %dma_start3A_9 = tpu.memref_slice %arg5[%dma_start3A_7, %dma_start3A_8] : memref<64x100xi32, #tpu.memory_space<vmem>> -> memref<1x100xi32, #tpu.memory_space<vmem>>
    %dma_start3A_10 = tpu.memref_squeeze %dma_start3A_9 : memref<1x100xi32, #tpu.memory_space<vmem>> -> memref<100xi32, #tpu.memory_space<vmem>>
    %dma_start3A_11 = arith.constant 0 : i32
    %dma_start3A_12 = arith.constant 0 : i32
    %dma_start3A_13 = tpu.memref_slice %arg3[%dma_start3A_11, %dma_start3A_12] : memref<100000x128xf32, #tpu.memory_space<hbm>> -> memref<100000x128xf32, #tpu.memory_space<hbm>>
    tpu.enqueue_indirect_dma source(%dma_start3A_13 : memref<100000x128xf32, #tpu.memory_space<hbm>>) target(%arg7 : memref<100x128xf32, #tpu.memory_space<vmem>>) offsets(%dma_start3A_10 : memref<100xi32, #tpu.memory_space<vmem>>) semaphore(%arg15 : memref<!tpu.dma_semaphore, #tpu.memory_space<semaphore_mem>>)
    %dma_start3A_14 = arith.constant 2 : i32
    %dma_start3A_15 = arith.constant 0 : i32
    %dma_start3A_16 = tpu.memref_slice %arg5[%dma_start3A_14, %dma_start3A_15] : memref<64x100xi32, #tpu.memory_space<vmem>> -> memref<1x100xi32, #tpu.memory_space<vmem>>
    %dma_start3A_17 = tpu.memref_squeeze %dma_start3A_16 : memref<1x100xi32, #tpu.memory_space<vmem>> -> memref<100xi32, #tpu.memory_space<vmem>>
    %dma_start3A_18 = arith.constant 0 : i32
    %dma_start3A_19 = arith.constant 0 : i32
    %dma_start3A_20 = tpu.memref_slice %arg3[%dma_start3A_18, %dma_start3A_19] : memref<100000x128xf32, #tpu.memory_space<hbm>> -> memref<100000x128xf32, #tpu.memory_space<hbm>>
    tpu.enqueue_indirect_dma source(%dma_start3A_20 : memref<100000x128xf32, #tpu.memory_space<hbm>>) target(%arg8 : memref<100x128xf32, #tpu.memory_space<vmem>>) offsets(%dma_start3A_17 : memref<100xi32, #tpu.memory_space<vmem>>) semaphore(%arg16 : memref<!tpu.dma_semaphore, #tpu.memory_space<semaphore_mem>>)
    %dma_start3A_21 = arith.constant 3 : i32
    %dma_start3A_22 = arith.constant 0 : i32
    %dma_start3A_23 = tpu.memref_slice %arg5[%dma_start3A_21, %dma_start3A_22] : memref<64x100xi32, #tpu.memory_space<vmem>> -> memref<1x100xi32, #tpu.memory_space<vmem>>
    %dma_start3A_24 = tpu.memref_squeeze %dma_start3A_23 : memref<1x100xi32, #tpu.memory_space<vmem>> -> memref<100xi32, #tpu.memory_space<vmem>>
    %dma_start3A_25 = arith.constant 0 : i32
    %dma_start3A_26 = arith.constant 0 : i32
    %dma_start3A_27 = tpu.memref_slice %arg3[%dma_start3A_25, %dma_start3A_26] : memref<100000x128xf32, #tpu.memory_space<hbm>> -> memref<100000x128xf32, #tpu.memory_space<hbm>>
    tpu.enqueue_indirect_dma source(%dma_start3A_27 : memref<100000x128xf32, #tpu.memory_space<hbm>>) target(%arg9 : memref<100x128xf32, #tpu.memory_space<vmem>>) offsets(%dma_start3A_24 : memref<100xi32, #tpu.memory_space<vmem>>) semaphore(%arg17 : memref<!tpu.dma_semaphore, #tpu.memory_space<semaphore_mem>>)
    %dma_start3A_28 = arith.constant 4 : i32
    %dma_start3A_29 = arith.constant 0 : i32
    %dma_start3A_30 = tpu.memref_slice %arg5[%dma_start3A_28, %dma_start3A_29] : memref<64x100xi32, #tpu.memory_space<vmem>> -> memref<1x100xi32, #tpu.memory_space<vmem>>
    %dma_start3A_31 = tpu.memref_squeeze %dma_start3A_30 : memref<1x100xi32, #tpu.memory_space<vmem>> -> memref<100xi32, #tpu.memory_space<vmem>>
    %dma_start3A_32 = arith.constant 0 : i32
    %dma_start3A_33 = arith.constant 0 : i32
    %dma_start3A_34 = tpu.memref_slice %arg3[%dma_start3A_32, %dma_start3A_33] : memref<100000x128xf32, #tpu.memory_space<hbm>> -> memref<100000x128xf32, #tpu.memory_space<hbm>>
    tpu.enqueue_indirect_dma source(%dma_start3A_34 : memref<100000x128xf32, #tpu.memory_space<hbm>>) target(%arg10 : memref<100x128xf32, #tpu.memory_space<vmem>>) offsets(%dma_start3A_31 : memref<100xi32, #tpu.memory_space<vmem>>) semaphore(%arg18 : memref<!tpu.dma_semaphore, #tpu.memory_space<semaphore_mem>>)
    %dma_start3A_35 = arith.constant 5 : i32
    %dma_start3A_36 = arith.constant 0 : i32
    %dma_start3A_37 = tpu.memref_slice %arg5[%dma_start3A_35, %dma_start3A_36] : memref<64x100xi32, #tpu.memory_space<vmem>> -> memref<1x100xi32, #tpu.memory_space<vmem>>
    %dma_start3A_38 = tpu.memref_squeeze %dma_start3A_37 : memref<1x100xi32, #tpu.memory_space<vmem>> -> memref<100xi32, #tpu.memory_space<vmem>>
    %dma_start3A_39 = arith.constant 0 : i32
    %dma_start3A_40 = arith.constant 0 : i32
    %dma_start3A_41 = tpu.memref_slice %arg3[%dma_start3A_39, %dma_start3A_40] : memref<100000x128xf32, #tpu.memory_space<hbm>> -> memref<100000x128xf32, #tpu.memory_space<hbm>>
    tpu.enqueue_indirect_dma source(%dma_start3A_41 : memref<100000x128xf32, #tpu.memory_space<hbm>>) target(%arg11 : memref<100x128xf32, #tpu.memory_space<vmem>>) offsets(%dma_start3A_38 : memref<100xi32, #tpu.memory_space<vmem>>) semaphore(%arg19 : memref<!tpu.dma_semaphore, #tpu.memory_space<semaphore_mem>>)
    %dma_start3A_42 = arith.constant 6 : i32
    %dma_start3A_43 = arith.constant 0 : i32
    %dma_start3A_44 = tpu.memref_slice %arg5[%dma_start3A_42, %dma_start3A_43] : memref<64x100xi32, #tpu.memory_space<vmem>> -> memref<1x100xi32, #tpu.memory_space<vmem>>
    %dma_start3A_45 = tpu.memref_squeeze %dma_start3A_44 : memref<1x100xi32, #tpu.memory_space<vmem>> -> memref<100xi32, #tpu.memory_space<vmem>>
    %dma_start3A_46 = arith.constant 0 : i32
    %dma_start3A_47 = arith.constant 0 : i32
    %dma_start3A_48 = tpu.memref_slice %arg3[%dma_start3A_46, %dma_start3A_47] : memref<100000x128xf32, #tpu.memory_space<hbm>> -> memref<100000x128xf32, #tpu.memory_space<hbm>>
    tpu.enqueue_indirect_dma source(%dma_start3A_48 : memref<100000x128xf32, #tpu.memory_space<hbm>>) target(%arg12 : memref<100x128xf32, #tpu.memory_space<vmem>>) offsets(%dma_start3A_45 : memref<100xi32, #tpu.memory_space<vmem>>) semaphore(%arg20 : memref<!tpu.dma_semaphore, #tpu.memory_space<semaphore_mem>>)
    %scan3A = arith.constant 0 : i32
    %scan3A_49 = arith.constant 0 : i32
    %scan3A_50 = arith.constant 8 : i32
    %scan3A_51 = arith.addi %scan3A_49, %scan3A_50 : i32
    %scan3A_52 = arith.constant 1 : i32
    scf.for %scan3A_325 = %scan3A_49 to %scan3A_51 step %scan3A_52  : i32 {
      %mul3A_326 = arith.constant 8 : i32
      %mul3A_327 = arith.muli %mul3A_326, %scan3A_325 : i32
      %add3A_328 = arith.constant 0 : i32
      %add3A_329 = arith.addi %mul3A_327, %add3A_328 : i32
      %dma_wait3A_330 = arith.constant 0 : i32
      %dma_wait3A_331 = tpu.memref_slice %arg5[%add3A_329, %dma_wait3A_330] : memref<64x100xi32, #tpu.memory_space<vmem>> -> memref<1x100xi32, #tpu.memory_space<vmem>>
      %dma_wait3A_332 = tpu.memref_squeeze %dma_wait3A_331 : memref<1x100xi32, #tpu.memory_space<vmem>> -> memref<100xi32, #tpu.memory_space<vmem>>
      %dma_wait3A_333 = arith.constant 0 : i32
      %dma_wait3A_334 = arith.constant 0 : i32
      %dma_wait3A_335 = tpu.memref_slice %arg3[%dma_wait3A_333, %dma_wait3A_334] : memref<100000x128xf32, #tpu.memory_space<hbm>> -> memref<100000x128xf32, #tpu.memory_space<hbm>>
      tpu.wait_indirect_dma semaphore(%arg14 : memref<!tpu.dma_semaphore, #tpu.memory_space<semaphore_mem>>) src(%dma_wait3A_335 : memref<100000x128xf32, #tpu.memory_space<hbm>>) dst(%arg6 : memref<100x128xf32, #tpu.memory_space<vmem>>)
      %scan3A_336 = arith.constant 0 : i32
      %scan3A_337 = arith.constant 0 : i32
      %scan3A_338 = arith.constant 100 : i32
      %scan3A_339 = arith.addi %scan3A_337, %scan3A_338 : i32
      %scan3A_340 = arith.constant 1 : i32
      scf.for %scan3A_802 = %scan3A_337 to %scan3A_339 step %scan3A_340  : i32 {
        %get3A = arith.index_cast %scan3A_802 : i32 to index
        %get3A_803 = arith.constant 0 : index
        %get3A_804 = tpu.vector_load %arg6[%get3A, %get3A_803] {strides = array<i32>} : memref<100x128xf32, #tpu.memory_space<vmem>>, vector<1x16xf32>,
        %get3A_805 = vector.shape_cast %get3A_804 : vector<1x16xf32> to vector<16xf32>
        %mul3A_806 = arith.constant 11.3137083 : f32
        %mul3A_807 = vector.broadcast %mul3A_806 : f32 to vector<16xf32>
        %mul3A_808 = arith.mulf %get3A_805, %mul3A_807 : vector<16xf32>
        %swap3A = arith.index_cast %scan3A_802 : i32 to index
        %swap3A_809 = arith.constant 0 : index
        %swap3A_810 = tpu.vector_load %arg6[%swap3A, %swap3A_809] {strides = array<i32>} : memref<100x128xf32, #tpu.memory_space<vmem>>, vector<1x16xf32>,
        %swap3A_811 = vector.shape_cast %swap3A_810 : vector<1x16xf32> to vector<16xf32>
        %swap3A_812 = vector.shape_cast %mul3A_808 : vector<16xf32> to vector<1x16xf32>
        tpu.vector_store %arg6[%swap3A, %swap3A_809], %swap3A_812 {strides = array<i32>} : memref<100x128xf32, #tpu.memory_space<vmem>>, vector<1x16xf32>,
        %get3A_813 = arith.index_cast %scan3A_802 : i32 to index
        %get3A_814 = arith.constant 16 : index
        %get3A_815 = tpu.vector_load %arg6[%get3A_813, %get3A_814] {strides = array<i32>} : memref<100x128xf32, #tpu.memory_space<vmem>>, vector<1x16xf32>,
        %get3A_816 = vector.shape_cast %get3A_815 : vector<1x16xf32> to vector<16xf32>
        %mul3A_817 = arith.constant 11.3137083 : f32
        %mul3A_818 = vector.broadcast %mul3A_817 : f32 to vector<16xf32>
        %mul3A_819 = arith.mulf %get3A_816, %mul3A_818 : vector<16xf32>
        %swap3A_820 = arith.index_cast %scan3A_802 : i32 to index
        %swap3A_821 = arith.constant 16 : index
        %swap3A_822 = tpu.vector_load %arg6[%swap3A_820, %swap3A_821] {strides = array<i32>} : memref<100x128xf32, #tpu.memory_space<vmem>>, vector<1x16xf32>,
        %swap3A_823 = vector.shape_cast %swap3A_822 : vector<1x16xf32> to vector<16xf32>
        %swap3A_824 = vector.shape_cast %mul3A_819 : vector<16xf32> to vector<1x16xf32>
        tpu.vector_store %arg6[%swap3A_820, %swap3A_821], %swap3A_824 {strides = array<i32>} : memref<100x128xf32, #tpu.memory_space<vmem>>, vector<1x16xf32>,
        %get3A_825 = arith.index_cast %scan3A_802 : i32 to index
        %get3A_826 = arith.constant 32 : index
        %get3A_827 = tpu.vector_load %arg6[%get3A_825, %get3A_826] {strides = array<i32>} : memref<100x128xf32, #tpu.memory_space<vmem>>, vector<1x16xf32>,
        %get3A_828 = vector.shape_cast %get3A_827 : vector<1x16xf32> to vector<16xf32>
        %mul3A_829 = arith.constant 11.3137083 : f32
        %mul3A_830 = vector.broadcast %mul3A_829 : f32 to vector<16xf32>
        %mul3A_831 = arith.mulf %get3A_828, %mul3A_830 : vector<16xf32>
        %swap3A_832 = arith.index_cast %scan3A_802 : i32 to index
        %swap3A_833 = arith.constant 32 : index
        %swap3A_834 = tpu.vector_load %arg6[%swap3A_832, %swap3A_833] {strides = array<i32>} : memref<100x128xf32, #tpu.memory_space<vmem>>, vector<1x16xf32>,
        %swap3A_835 = vector.shape_cast %swap3A_834 : vector<1x16xf32> to vector<16xf32>
        %swap3A_836 = vector.shape_cast %mul3A_831 : vector<16xf32> to vector<1x16xf32>
        tpu.vector_store %arg6[%swap3A_832, %swap3A_833], %swap3A_836 {strides = array<i32>} : memref<100x128xf32, #tpu.memory_space<vmem>>, vector<1x16xf32>,
        %get3A_837 = arith.index_cast %scan3A_802 : i32 to index
        %get3A_838 = arith.constant 48 : index
        %get3A_839 = tpu.vector_load %arg6[%get3A_837, %get3A_838] {strides = array<i32>} : memref<100x128xf32, #tpu.memory_space<vmem>>, vector<1x16xf32>,
        %get3A_840 = vector.shape_cast %get3A_839 : vector<1x16xf32> to vector<16xf32>
        %mul3A_841 = arith.constant 11.3137083 : f32
        %mul3A_842 = vector.broadcast %mul3A_841 : f32 to vector<16xf32>
        %mul3A_843 = arith.mulf %get3A_840, %mul3A_842 : vector<16xf32>
        %swap3A_844 = arith.index_cast %scan3A_802 : i32 to index
        %swap3A_845 = arith.constant 48 : index
        %swap3A_846 = tpu.vector_load %arg6[%swap3A_844, %swap3A_845] {strides = array<i32>} : memref<100x128xf32, #tpu.memory_space<vmem>>, vector<1x16xf32>,
        %swap3A_847 = vector.shape_cast %swap3A_846 : vector<1x16xf32> to vector<16xf32>
        %swap3A_848 = vector.shape_cast %mul3A_843 : vector<16xf32> to vector<1x16xf32>
        tpu.vector_store %arg6[%swap3A_844, %swap3A_845], %swap3A_848 {strides = array<i32>} : memref<100x128xf32, #tpu.memory_space<vmem>>, vector<1x16xf32>,
        %get3A_849 = arith.index_cast %scan3A_802 : i32 to index
        %get3A_850 = arith.constant 64 : index
        %get3A_851 = tpu.vector_load %arg6[%get3A_849, %get3A_850] {strides = array<i32>} : memref<100x128xf32, #tpu.memory_space<vmem>>, vector<1x16xf32>,
        %get3A_852 = vector.shape_cast %get3A_851 : vector<1x16xf32> to vector<16xf32>
        %mul3A_853 = arith.constant 11.3137083 : f32
        %mul3A_854 = vector.broadcast %mul3A_853 : f32 to vector<16xf32>
        %mul3A_855 = arith.mulf %get3A_852, %mul3A_854 : vector<16xf32>
        %swap3A_856 = arith.index_cast %scan3A_802 : i32 to index
        %swap3A_857 = arith.constant 64 : index
        %swap3A_858 = tpu.vector_load %arg6[%swap3A_856, %swap3A_857] {strides = array<i32>} : memref<100x128xf32, #tpu.memory_space<vmem>>, vector<1x16xf32>,
        %swap3A_859 = vector.shape_cast %swap3A_858 : vector<1x16xf32> to vector<16xf32>
        %swap3A_860 = vector.shape_cast %mul3A_855 : vector<16xf32> to vector<1x16xf32>
        tpu.vector_store %arg6[%swap3A_856, %swap3A_857], %swap3A_860 {strides = array<i32>} : memref<100x128xf32, #tpu.memory_space<vmem>>, vector<1x16xf32>,
        %get3A_861 = arith.index_cast %scan3A_802 : i32 to index
        %get3A_862 = arith.constant 80 : index
        %get3A_863 = tpu.vector_load %arg6[%get3A_861, %get3A_862] {strides = array<i32>} : memref<100x128xf32, #tpu.memory_space<vmem>>, vector<1x16xf32>,
        %get3A_864 = vector.shape_cast %get3A_863 : vector<1x16xf32> to vector<16xf32>
        %mul3A_865 = arith.constant 11.3137083 : f32
        %mul3A_866 = vector.broadcast %mul3A_865 : f32 to vector<16xf32>
        %mul3A_867 = arith.mulf %get3A_864, %mul3A_866 : vector<16xf32>
        %swap3A_868 = arith.index_cast %scan3A_802 : i32 to index
        %swap3A_869 = arith.constant 80 : index
        %swap3A_870 = tpu.vector_load %arg6[%swap3A_868, %swap3A_869] {strides = array<i32>} : memref<100x128xf32, #tpu.memory_space<vmem>>, vector<1x16xf32>,
        %swap3A_871 = vector.shape_cast %swap3A_870 : vector<1x16xf32> to vector<16xf32>
        %swap3A_872 = vector.shape_cast %mul3A_867 : vector<16xf32> to vector<1x16xf32>
        tpu.vector_store %arg6[%swap3A_868, %swap3A_869], %swap3A_872 {strides = array<i32>} : memref<100x128xf32, #tpu.memory_space<vmem>>, vector<1x16xf32>,
        %get3A_873 = arith.index_cast %scan3A_802 : i32 to index
        %get3A_874 = arith.constant 96 : index
        %get3A_875 = tpu.vector_load %arg6[%get3A_873, %get3A_874] {strides = array<i32>} : memref<100x128xf32, #tpu.memory_space<vmem>>, vector<1x16xf32>,
        %get3A_876 = vector.shape_cast %get3A_875 : vector<1x16xf32> to vector<16xf32>
        %mul3A_877 = arith.constant 11.3137083 : f32
        %mul3A_878 = vector.broadcast %mul3A_877 : f32 to vector<16xf32>
        %mul3A_879 = arith.mulf %get3A_876, %mul3A_878 : vector<16xf32>
        %swap3A_880 = arith.index_cast %scan3A_802 : i32 to index
        %swap3A_881 = arith.constant 96 : index
        %swap3A_882 = tpu.vector_load %arg6[%swap3A_880, %swap3A_881] {strides = array<i32>} : memref<100x128xf32, #tpu.memory_space<vmem>>, vector<1x16xf32>,
        %swap3A_883 = vector.shape_cast %swap3A_882 : vector<1x16xf32> to vector<16xf32>
        %swap3A_884 = vector.shape_cast %mul3A_879 : vector<16xf32> to vector<1x16xf32>
        tpu.vector_store %arg6[%swap3A_880, %swap3A_881], %swap3A_884 {strides = array<i32>} : memref<100x128xf32, #tpu.memory_space<vmem>>, vector<1x16xf32>,
        %get3A_885 = arith.index_cast %scan3A_802 : i32 to index
        %get3A_886 = arith.constant 112 : index
        %get3A_887 = tpu.vector_load %arg6[%get3A_885, %get3A_886] {strides = array<i32>} : memref<100x128xf32, #tpu.memory_space<vmem>>, vector<1x16xf32>,
        %get3A_888 = vector.shape_cast %get3A_887 : vector<1x16xf32> to vector<16xf32>
        %mul3A_889 = arith.constant 11.3137083 : f32
        %mul3A_890 = vector.broadcast %mul3A_889 : f32 to vector<16xf32>
        %mul3A_891 = arith.mulf %get3A_888, %mul3A_890 : vector<16xf32>
        %swap3A_892 = arith.index_cast %scan3A_802 : i32 to index
        %swap3A_893 = arith.constant 112 : index
        %swap3A_894 = tpu.vector_load %arg6[%swap3A_892, %swap3A_893] {strides = array<i32>} : memref<100x128xf32, #tpu.memory_space<vmem>>, vector<1x16xf32>,
        %swap3A_895 = vector.shape_cast %swap3A_894 : vector<1x16xf32> to vector<16xf32>
        %swap3A_896 = vector.shape_cast %mul3A_891 : vector<16xf32> to vector<1x16xf32>
        tpu.vector_store %arg6[%swap3A_892, %swap3A_893], %swap3A_896 {strides = array<i32>} : memref<100x128xf32, #tpu.memory_space<vmem>>, vector<1x16xf32>,
      }
      %scan3A_341 = arith.constant 100 : i32
      %mul3A_342 = arith.constant 128 : i32
      %mul3A_343 = arith.muli %add3A, %mul3A_342 : i32
      %mul3A_344 = arith.constant 2 : i32
      %mul3A_345 = arith.muli %add3A_329, %mul3A_344 : i32
      %add3A_346 = arith.addi %mul3A_343, %mul3A_345 : i32
      %dma_start3A_347 = arith.constant 0 : i32
      %dma_start3A_348 = arith.constant 0 : i32
      %dma_start3A_349 = tpu.memref_slice %arg6[%dma_start3A_347, %dma_start3A_348] : memref<100x128xf32, #tpu.memory_space<vmem>> -> memref<50x128xf32, #tpu.memory_space<vmem>>
      %dma_start3A_350 = arith.constant 0 : i32
      %dma_start3A_351 = arith.constant 0 : i32
      %dma_start3A_352 = tpu.memref_slice %arg4[%add3A_346, %dma_start3A_350, %dma_start3A_351] : memref<4096x50x128xf32, #tpu.memory_space<hbm>> -> memref<1x50x128xf32, #tpu.memory_space<hbm>>
      %dma_start3A_353 = tpu.memref_squeeze %dma_start3A_352 : memref<1x50x128xf32, #tpu.memory_space<hbm>> -> memref<50x128xf32, #tpu.memory_space<hbm>>
      %dma_start3A_354 = arith.constant 0 : i32
      %dma_start3A_355 = arith.constant 0 : i32
      %dma_start3A_356 = tpu.memref_slice %arg4[%add3A_346, %dma_start3A_354, %dma_start3A_355] : memref<4096x50x128xf32, #tpu.memory_space<hbm>> -> memref<1x50x128xf32, #tpu.memory_space<hbm>>
      %dma_start3A_357 = tpu.memref_squeeze %dma_start3A_356 : memref<1x50x128xf32, #tpu.memory_space<hbm>> -> memref<50x128xf32, #tpu.memory_space<hbm>>
      %dma_start3A_358 = arith.constant 0 : i32
      %dma_start3A_359 = arith.constant 0 : i32
      %dma_start3A_360 = tpu.memref_slice %arg6[%dma_start3A_358, %dma_start3A_359] : memref<100x128xf32, #tpu.memory_space<vmem>> -> memref<50x128xf32, #tpu.memory_space<vmem>>
      tpu.enqueue_dma source(%dma_start3A_360 : memref<50x128xf32, #tpu.memory_space<vmem>>) target(%dma_start3A_357 : memref<50x128xf32, #tpu.memory_space<hbm>>) target_semaphore(%arg22 : memref<!tpu.dma_semaphore, #tpu.memory_space<semaphore_mem>>)
      %add3A_361 = arith.constant 1 : i32
      %add3A_362 = arith.addi %add3A_346, %add3A_361 : i32
      %dma_start3A_363 = arith.constant 50 : i32
      %dma_start3A_364 = arith.constant 0 : i32
      %dma_start3A_365 = tpu.memref_slice %arg6[%dma_start3A_363, %dma_start3A_364] : memref<100x128xf32, #tpu.memory_space<vmem>> -> memref<50x128xf32, #tpu.memory_space<vmem>>
      %dma_start3A_366 = arith.constant 0 : i32
      %dma_start3A_367 = arith.constant 0 : i32
      %dma_start3A_368 = tpu.memref_slice %arg4[%add3A_362, %dma_start3A_366, %dma_start3A_367] : memref<4096x50x128xf32, #tpu.memory_space<hbm>> -> memref<1x50x128xf32, #tpu.memory_space<hbm>>
      %dma_start3A_369 = tpu.memref_squeeze %dma_start3A_368 : memref<1x50x128xf32, #tpu.memory_space<hbm>> -> memref<50x128xf32, #tpu.memory_space<hbm>>
      %dma_start3A_370 = arith.constant 0 : i32
      %dma_start3A_371 = arith.constant 0 : i32
      %dma_start3A_372 = tpu.memref_slice %arg4[%add3A_362, %dma_start3A_370, %dma_start3A_371] : memref<4096x50x128xf32, #tpu.memory_space<hbm>> -> memref<1x50x128xf32, #tpu.memory_space<hbm>>
      %dma_start3A_373 = tpu.memref_squeeze %dma_start3A_372 : memref<1x50x128xf32, #tpu.memory_space<hbm>> -> memref<50x128xf32, #tpu.memory_space<hbm>>
      %dma_start3A_374 = arith.constant 50 : i32
      %dma_start3A_375 = arith.constant 0 : i32
      %dma_start3A_376 = tpu.memref_slice %arg6[%dma_start3A_374, %dma_start3A_375] : memref<100x128xf32, #tpu.memory_space<vmem>> -> memref<50x128xf32, #tpu.memory_space<vmem>>
      tpu.enqueue_dma source(%dma_start3A_376 : memref<50x128xf32, #tpu.memory_space<vmem>>) target(%dma_start3A_373 : memref<50x128xf32, #tpu.memory_space<hbm>>) target_semaphore(%arg22 : memref<!tpu.dma_semaphore, #tpu.memory_space<semaphore_mem>>)
      %add3A_377 = arith.constant 8 : i32
      %add3A_378 = arith.addi %add3A_329, %add3A_377 : i32
      %sub3A = arith.constant 1 : i32
      %sub3A_379 = arith.subi %add3A_378, %sub3A : i32
      %lt3A = arith.constant 64 : i32
      %lt3A_380 = arith.cmpi slt, %sub3A_379, %lt3A : i32
      %convert_element_type3A = arith.extui %lt3A_380 : i1 to i32
      %cond3A = arith.constant 0 : i32
      %cond3A_381 = arith.cmpi ne, %convert_element_type3A, %cond3A : i32
      scf.if %cond3A_381 {
        %ge3A = arith.constant 1 : i32
        %ge3A_802 = arith.cmpi sge, %add3A_329, %ge3A : i32
        %convert_element_type3A_803 = arith.extui %ge3A_802 : i1 to i32
        %cond3A_804 = arith.constant 0 : i32
        %cond3A_805 = arith.cmpi ne, %convert_element_type3A_803, %cond3A_804 : i32
        scf.if %cond3A_805 {
          %sub3A_816 = arith.constant 1 : i32
          %sub3A_817 = arith.subi %add3A_329, %sub3A_816 : i32
          %mul3A_818 = arith.constant 128 : i32
          %mul3A_819 = arith.muli %add3A, %mul3A_818 : i32
          %mul3A_820 = arith.constant 2 : i32
          %mul3A_821 = arith.muli %sub3A_817, %mul3A_820 : i32
          %add3A_822 = arith.addi %mul3A_819, %mul3A_821 : i32
          %dma_wait3A_823 = arith.constant 0 : i32
          %dma_wait3A_824 = arith.constant 0 : i32
          %dma_wait3A_825 = tpu.memref_slice %arg13[%dma_wait3A_823, %dma_wait3A_824] : memref<100x128xf32, #tpu.memory_space<vmem>> -> memref<50x128xf32, #tpu.memory_space<vmem>>
          %dma_wait3A_826 = arith.constant 0 : i32
          %dma_wait3A_827 = arith.constant 0 : i32
          %dma_wait3A_828 = tpu.memref_slice %arg4[%add3A_822, %dma_wait3A_826, %dma_wait3A_827] : memref<4096x50x128xf32, #tpu.memory_space<hbm>> -> memref<1x50x128xf32, #tpu.memory_space<hbm>>
          %dma_wait3A_829 = tpu.memref_squeeze %dma_wait3A_828 : memref<1x50x128xf32, #tpu.memory_space<hbm>> -> memref<50x128xf32, #tpu.memory_space<hbm>>
          %dma_wait3A_830 = arith.constant 0 : i32
          %dma_wait3A_831 = arith.constant 0 : i32
          %dma_wait3A_832 = tpu.memref_slice %arg4[%add3A_822, %dma_wait3A_830, %dma_wait3A_831] : memref<4096x50x128xf32, #tpu.memory_space<hbm>> -> memref<1x50x128xf32, #tpu.memory_space<hbm>>
          %dma_wait3A_833 = tpu.memref_squeeze %dma_wait3A_832 : memref<1x50x128xf32, #tpu.memory_space<hbm>> -> memref<50x128xf32, #tpu.memory_space<hbm>>
          %dma_wait3A_834 = arith.constant 0 : i32
          %dma_wait3A_835 = arith.constant 0 : i32
          %dma_wait3A_836 = tpu.memref_slice %arg13[%dma_wait3A_834, %dma_wait3A_835] : memref<100x128xf32, #tpu.memory_space<vmem>> -> memref<50x128xf32, #tpu.memory_space<vmem>>
          tpu.wait_dma2 semaphore(%arg29 : memref<!tpu.dma_semaphore, #tpu.memory_space<semaphore_mem>>) src(%dma_wait3A_836 : memref<50x128xf32, #tpu.memory_space<vmem>>) dst(%dma_wait3A_833 : memref<50x128xf32, #tpu.memory_space<hbm>>)
          %add3A_837 = arith.constant 1 : i32
          %add3A_838 = arith.addi %add3A_822, %add3A_837 : i32
          %dma_wait3A_839 = arith.constant 50 : i32
          %dma_wait3A_840 = arith.constant 0 : i32
          %dma_wait3A_841 = tpu.memref_slice %arg13[%dma_wait3A_839, %dma_wait3A_840] : memref<100x128xf32, #tpu.memory_space<vmem>> -> memref<50x128xf32, #tpu.memory_space<vmem>>
          %dma_wait3A_842 = arith.constant 0 : i32
          %dma_wait3A_843 = arith.constant 0 : i32
          %dma_wait3A_844 = tpu.memref_slice %arg4[%add3A_838, %dma_wait3A_842, %dma_wait3A_843] : memref<4096x50x128xf32, #tpu.memory_space<hbm>> -> memref<1x50x128xf32, #tpu.memory_space<hbm>>
          %dma_wait3A_845 = tpu.memref_squeeze %dma_wait3A_844 : memref<1x50x128xf32, #tpu.memory_space<hbm>> -> memref<50x128xf32, #tpu.memory_space<hbm>>
          %dma_wait3A_846 = arith.constant 0 : i32
          %dma_wait3A_847 = arith.constant 0 : i32
          %dma_wait3A_848 = tpu.memref_slice %arg4[%add3A_838, %dma_wait3A_846, %dma_wait3A_847] : memref<4096x50x128xf32, #tpu.memory_space<hbm>> -> memref<1x50x128xf32, #tpu.memory_space<hbm>>
          %dma_wait3A_849 = tpu.memref_squeeze %dma_wait3A_848 : memref<1x50x128xf32, #tpu.memory_space<hbm>> -> memref<50x128xf32, #tpu.memory_space<hbm>>
          %dma_wait3A_850 = arith.constant 50 : i32
          %dma_wait3A_851 = arith.constant 0 : i32
          %dma_wait3A_852 = tpu.memref_slice %arg13[%dma_wait3A_850, %dma_wait3A_851] : memref<100x128xf32, #tpu.memory_space<vmem>> -> memref<50x128xf32, #tpu.memory_space<vmem>>
          tpu.wait_dma2 semaphore(%arg29 : memref<!tpu.dma_semaphore, #tpu.memory_space<semaphore_mem>>) src(%dma_wait3A_852 : memref<50x128xf32, #tpu.memory_space<vmem>>) dst(%dma_wait3A_849 : memref<50x128xf32, #tpu.memory_space<hbm>>)
        } else {
        }
        %add3A_806 = arith.constant 8 : i32
        %add3A_807 = arith.addi %add3A_329, %add3A_806 : i32
        %sub3A_808 = arith.constant 1 : i32
        %sub3A_809 = arith.subi %add3A_807, %sub3A_808 : i32
        %dma_start3A_810 = arith.constant 0 : i32
        %dma_start3A_811 = tpu.memref_slice %arg5[%sub3A_809, %dma_start3A_810] : memref<64x100xi32, #tpu.memory_space<vmem>> -> memref<1x100xi32, #tpu.memory_space<vmem>>
        %dma_start3A_812 = tpu.memref_squeeze %dma_start3A_811 : memref<1x100xi32, #tpu.memory_space<vmem>> -> memref<100xi32, #tpu.memory_space<vmem>>
        %dma_start3A_813 = arith.constant 0 : i32
        %dma_start3A_814 = arith.constant 0 : i32
        %dma_start3A_815 = tpu.memref_slice %arg3[%dma_start3A_813, %dma_start3A_814] : memref<100000x128xf32, #tpu.memory_space<hbm>> -> memref<100000x128xf32, #tpu.memory_space<hbm>>
        tpu.enqueue_indirect_dma source(%dma_start3A_815 : memref<100000x128xf32, #tpu.memory_space<hbm>>) target(%arg13 : memref<100x128xf32, #tpu.memory_space<vmem>>) offsets(%dma_start3A_812 : memref<100xi32, #tpu.memory_space<vmem>>) semaphore(%arg21 : memref<!tpu.dma_semaphore, #tpu.memory_space<semaphore_mem>>)
      } else {
      }
      %mul3A_382 = arith.constant 8 : i32
      %mul3A_383 = arith.muli %mul3A_382, %scan3A_325 : i32
      %add3A_384 = arith.constant 1 : i32
      %add3A_385 = arith.addi %mul3A_383, %add3A_384 : i32
      %dma_wait3A_386 = arith.constant 0 : i32
      %dma_wait3A_387 = tpu.memref_slice %arg5[%add3A_385, %dma_wait3A_386] : memref<64x100xi32, #tpu.memory_space<vmem>> -> memref<1x100xi32, #tpu.memory_space<vmem>>
      %dma_wait3A_388 = tpu.memref_squeeze %dma_wait3A_387 : memref<1x100xi32, #tpu.memory_space<vmem>> -> memref<100xi32, #tpu.memory_space<vmem>>
      %dma_wait3A_389 = arith.constant 0 : i32
      %dma_wait3A_390 = arith.constant 0 : i32
      %dma_wait3A_391 = tpu.memref_slice %arg3[%dma_wait3A_389, %dma_wait3A_390] : memref<100000x128xf32, #tpu.memory_space<hbm>> -> memref<100000x128xf32, #tpu.memory_space<hbm>>
      tpu.wait_indirect_dma semaphore(%arg15 : memref<!tpu.dma_semaphore, #tpu.memory_space<semaphore_mem>>) src(%dma_wait3A_391 : memref<100000x128xf32, #tpu.memory_space<hbm>>) dst(%arg7 : memref<100x128xf32, #tpu.memory_space<vmem>>)
      %scan3A_392 = arith.constant 0 : i32
      %scan3A_393 = arith.constant 0 : i32
      %scan3A_394 = arith.constant 100 : i32
      %scan3A_395 = arith.addi %scan3A_393, %scan3A_394 : i32
      %scan3A_396 = arith.constant 1 : i32
      scf.for %scan3A_802 = %scan3A_393 to %scan3A_395 step %scan3A_396  : i32 {
        %get3A = arith.index_cast %scan3A_802 : i32 to index
        %get3A_803 = arith.constant 0 : index
        %get3A_804 = tpu.vector_load %arg7[%get3A, %get3A_803] {strides = array<i32>} : memref<100x128xf32, #tpu.memory_space<vmem>>, vector<1x16xf32>,
        %get3A_805 = vector.shape_cast %get3A_804 : vector<1x16xf32> to vector<16xf32>
        %mul3A_806 = arith.constant 11.3137083 : f32
        %mul3A_807 = vector.broadcast %mul3A_806 : f32 to vector<16xf32>
        %mul3A_808 = arith.mulf %get3A_805, %mul3A_807 : vector<16xf32>
        %swap3A = arith.index_cast %scan3A_802 : i32 to index
        %swap3A_809 = arith.constant 0 : index
        %swap3A_810 = tpu.vector_load %arg7[%swap3A, %swap3A_809] {strides = array<i32>} : memref<100x128xf32, #tpu.memory_space<vmem>>, vector<1x16xf32>,
        %swap3A_811 = vector.shape_cast %swap3A_810 : vector<1x16xf32> to vector<16xf32>
        %swap3A_812 = vector.shape_cast %mul3A_808 : vector<16xf32> to vector<1x16xf32>
        tpu.vector_store %arg7[%swap3A, %swap3A_809], %swap3A_812 {strides = array<i32>} : memref<100x128xf32, #tpu.memory_space<vmem>>, vector<1x16xf32>,
        %get3A_813 = arith.index_cast %scan3A_802 : i32 to index
        %get3A_814 = arith.constant 16 : index
        %get3A_815 = tpu.vector_load %arg7[%get3A_813, %get3A_814] {strides = array<i32>} : memref<100x128xf32, #tpu.memory_space<vmem>>, vector<1x16xf32>,
        %get3A_816 = vector.shape_cast %get3A_815 : vector<1x16xf32> to vector<16xf32>
        %mul3A_817 = arith.constant 11.3137083 : f32
        %mul3A_818 = vector.broadcast %mul3A_817 : f32 to vector<16xf32>
        %mul3A_819 = arith.mulf %get3A_816, %mul3A_818 : vector<16xf32>
        %swap3A_820 = arith.index_cast %scan3A_802 : i32 to index
        %swap3A_821 = arith.constant 16 : index
        %swap3A_822 = tpu.vector_load %arg7[%swap3A_820, %swap3A_821] {strides = array<i32>} : memref<100x128xf32, #tpu.memory_space<vmem>>, vector<1x16xf32>,
        %swap3A_823 = vector.shape_cast %swap3A_822 : vector<1x16xf32> to vector<16xf32>
        %swap3A_824 = vector.shape_cast %mul3A_819 : vector<16xf32> to vector<1x16xf32>
        tpu.vector_store %arg7[%swap3A_820, %swap3A_821], %swap3A_824 {strides = array<i32>} : memref<100x128xf32, #tpu.memory_space<vmem>>, vector<1x16xf32>,
        %get3A_825 = arith.index_cast %scan3A_802 : i32 to index
        %get3A_826 = arith.constant 32 : index
        %get3A_827 = tpu.vector_load %arg7[%get3A_825, %get3A_826] {strides = array<i32>} : memref<100x128xf32, #tpu.memory_space<vmem>>, vector<1x16xf32>,
        %get3A_828 = vector.shape_cast %get3A_827 : vector<1x16xf32> to vector<16xf32>
        %mul3A_829 = arith.constant 11.3137083 : f32
        %mul3A_830 = vector.broadcast %mul3A_829 : f32 to vector<16xf32>
        %mul3A_831 = arith.mulf %get3A_828, %mul3A_830 : vector<16xf32>
        %swap3A_832 = arith.index_cast %scan3A_802 : i32 to index
        %swap3A_833 = arith.constant 32 : index
        %swap3A_834 = tpu.vector_load %arg7[%swap3A_832, %swap3A_833] {strides = array<i32>} : memref<100x128xf32, #tpu.memory_space<vmem>>, vector<1x16xf32>,
        %swap3A_835 = vector.shape_cast %swap3A_834 : vector<1x16xf32> to vector<16xf32>
        %swap3A_836 = vector.shape_cast %mul3A_831 : vector<16xf32> to vector<1x16xf32>
        tpu.vector_store %arg7[%swap3A_832, %swap3A_833], %swap3A_836 {strides = array<i32>} : memref<100x128xf32, #tpu.memory_space<vmem>>, vector<1x16xf32>,
        %get3A_837 = arith.index_cast %scan3A_802 : i32 to index
        %get3A_838 = arith.constant 48 : index
        %get3A_839 = tpu.vector_load %arg7[%get3A_837, %get3A_838] {strides = array<i32>} : memref<100x128xf32, #tpu.memory_space<vmem>>, vector<1x16xf32>,
        %get3A_840 = vector.shape_cast %get3A_839 : vector<1x16xf32> to vector<16xf32>
        %mul3A_841 = arith.constant 11.3137083 : f32
        %mul3A_842 = vector.broadcast %mul3A_841 : f32 to vector<16xf32>
        %mul3A_843 = arith.mulf %get3A_840, %mul3A_842 : vector<16xf32>
        %swap3A_844 = arith.index_cast %scan3A_802 : i32 to index
        %swap3A_845 = arith.constant 48 : index
        %swap3A_846 = tpu.vector_load %arg7[%swap3A_844, %swap3A_845] {strides = array<i32>} : memref<100x128xf32, #tpu.memory_space<vmem>>, vector<1x16xf32>,
        %swap3A_847 = vector.shape_cast %swap3A_846 : vector<1x16xf32> to vector<16xf32>
        %swap3A_848 = vector.shape_cast %mul3A_843 : vector<16xf32> to vector<1x16xf32>
        tpu.vector_store %arg7[%swap3A_844, %swap3A_845], %swap3A_848 {strides = array<i32>} : memref<100x128xf32, #tpu.memory_space<vmem>>, vector<1x16xf32>,
        %get3A_849 = arith.index_cast %scan3A_802 : i32 to index
        %get3A_850 = arith.constant 64 : index
        %get3A_851 = tpu.vector_load %arg7[%get3A_849, %get3A_850] {strides = array<i32>} : memref<100x128xf32, #tpu.memory_space<vmem>>, vector<1x16xf32>,
        %get3A_852 = vector.shape_cast %get3A_851 : vector<1x16xf32> to vector<16xf32>
        %mul3A_853 = arith.constant 11.3137083 : f32
        %mul3A_854 = vector.broadcast %mul3A_853 : f32 to vector<16xf32>
        %mul3A_855 = arith.mulf %get3A_852, %mul3A_854 : vector<16xf32>
        %swap3A_856 = arith.index_cast %scan3A_802 : i32 to index
        %swap3A_857 = arith.constant 64 : index
        %swap3A_858 = tpu.vector_load %arg7[%swap3A_856, %swap3A_857] {strides = array<i32>} : memref<100x128xf32, #tpu.memory_space<vmem>>, vector<1x16xf32>,
        %swap3A_859 = vector.shape_cast %swap3A_858 : vector<1x16xf32> to vector<16xf32>
        %swap3A_860 = vector.shape_cast %mul3A_855 : vector<16xf32> to vector<1x16xf32>
        tpu.vector_store %arg7[%swap3A_856, %swap3A_857], %swap3A_860 {strides = array<i32>} : memref<100x128xf32, #tpu.memory_space<vmem>>, vector<1x16xf32>,
        %get3A_861 = arith.index_cast %scan3A_802 : i32 to index
        %get3A_862 = arith.constant 80 : index
        %get3A_863 = tpu.vector_load %arg7[%get3A_861, %get3A_862] {strides = array<i32>} : memref<100x128xf32, #tpu.memory_space<vmem>>, vector<1x16xf32>,
        %get3A_864 = vector.shape_cast %get3A_863 : vector<1x16xf32> to vector<16xf32>
        %mul3A_865 = arith.constant 11.3137083 : f32
        %mul3A_866 = vector.broadcast %mul3A_865 : f32 to vector<16xf32>
        %mul3A_867 = arith.mulf %get3A_864, %mul3A_866 : vector<16xf32>
        %swap3A_868 = arith.index_cast %scan3A_802 : i32 to index
        %swap3A_869 = arith.constant 80 : index
        %swap3A_870 = tpu.vector_load %arg7[%swap3A_868, %swap3A_869] {strides = array<i32>} : memref<100x128xf32, #tpu.memory_space<vmem>>, vector<1x16xf32>,
        %swap3A_871 = vector.shape_cast %swap3A_870 : vector<1x16xf32> to vector<16xf32>
        %swap3A_872 = vector.shape_cast %mul3A_867 : vector<16xf32> to vector<1x16xf32>
        tpu.vector_store %arg7[%swap3A_868, %swap3A_869], %swap3A_872 {strides = array<i32>} : memref<100x128xf32, #tpu.memory_space<vmem>>, vector<1x16xf32>,
        %get3A_873 = arith.index_cast %scan3A_802 : i32 to index
        %get3A_874 = arith.constant 96 : index
        %get3A_875 = tpu.vector_load %arg7[%get3A_873, %get3A_874] {strides = array<i32>} : memref<100x128xf32, #tpu.memory_space<vmem>>, vector<1x16xf32>,
        %get3A_876 = vector.shape_cast %get3A_875 : vector<1x16xf32> to vector<16xf32>
        %mul3A_877 = arith.constant 11.3137083 : f32
        %mul3A_878 = vector.broadcast %mul3A_877 : f32 to vector<16xf32>
        %mul3A_879 = arith.mulf %get3A_876, %mul3A_878 : vector<16xf32>
        %swap3A_880 = arith.index_cast %scan3A_802 : i32 to index
        %swap3A_881 = arith.constant 96 : index
        %swap3A_882 = tpu.vector_load %arg7[%swap3A_880, %swap3A_881] {strides = array<i32>} : memref<100x128xf32, #tpu.memory_space<vmem>>, vector<1x16xf32>,
        %swap3A_883 = vector.shape_cast %swap3A_882 : vector<1x16xf32> to vector<16xf32>
        %swap3A_884 = vector.shape_cast %mul3A_879 : vector<16xf32> to vector<1x16xf32>
        tpu.vector_store %arg7[%swap3A_880, %swap3A_881], %swap3A_884 {strides = array<i32>} : memref<100x128xf32, #tpu.memory_space<vmem>>, vector<1x16xf32>,
        %get3A_885 = arith.index_cast %scan3A_802 : i32 to index
        %get3A_886 = arith.constant 112 : index
        %get3A_887 = tpu.vector_load %arg7[%get3A_885, %get3A_886] {strides = array<i32>} : memref<100x128xf32, #tpu.memory_space<vmem>>, vector<1x16xf32>,
        %get3A_888 = vector.shape_cast %get3A_887 : vector<1x16xf32> to vector<16xf32>
        %mul3A_889 = arith.constant 11.3137083 : f32
        %mul3A_890 = vector.broadcast %mul3A_889 : f32 to vector<16xf32>
        %mul3A_891 = arith.mulf %get3A_888, %mul3A_890 : vector<16xf32>
        %swap3A_892 = arith.index_cast %scan3A_802 : i32 to index
        %swap3A_893 = arith.constant 112 : index
        %swap3A_894 = tpu.vector_load %arg7[%swap3A_892, %swap3A_893] {strides = array<i32>} : memref<100x128xf32, #tpu.memory_space<vmem>>, vector<1x16xf32>,
        %swap3A_895 = vector.shape_cast %swap3A_894 : vector<1x16xf32> to vector<16xf32>
        %swap3A_896 = vector.shape_cast %mul3A_891 : vector<16xf32> to vector<1x16xf32>
        tpu.vector_store %arg7[%swap3A_892, %swap3A_893], %swap3A_896 {strides = array<i32>} : memref<100x128xf32, #tpu.memory_space<vmem>>, vector<1x16xf32>,
      }
      %scan3A_397 = arith.constant 100 : i32
      %mul3A_398 = arith.constant 128 : i32
      %mul3A_399 = arith.muli %add3A, %mul3A_398 : i32
      %mul3A_400 = arith.constant 2 : i32
      %mul3A_401 = arith.muli %add3A_385, %mul3A_400 : i32
      %add3A_402 = arith.addi %mul3A_399, %mul3A_401 : i32
      %dma_start3A_403 = arith.constant 0 : i32
      %dma_start3A_404 = arith.constant 0 : i32
      %dma_start3A_405 = tpu.memref_slice %arg7[%dma_start3A_403, %dma_start3A_404] : memref<100x128xf32, #tpu.memory_space<vmem>> -> memref<50x128xf32, #tpu.memory_space<vmem>>
      %dma_start3A_406 = arith.constant 0 : i32
      %dma_start3A_407 = arith.constant 0 : i32
      %dma_start3A_408 = tpu.memref_slice %arg4[%add3A_402, %dma_start3A_406, %dma_start3A_407] : memref<4096x50x128xf32, #tpu.memory_space<hbm>> -> memref<1x50x128xf32, #tpu.memory_space<hbm>>
      %dma_start3A_409 = tpu.memref_squeeze %dma_start3A_408 : memref<1x50x128xf32, #tpu.memory_space<hbm>> -> memref<50x128xf32, #tpu.memory_space<hbm>>
      %dma_start3A_410 = arith.constant 0 : i32
      %dma_start3A_411 = arith.constant 0 : i32
      %dma_start3A_412 = tpu.memref_slice %arg4[%add3A_402, %dma_start3A_410, %dma_start3A_411] : memref<4096x50x128xf32, #tpu.memory_space<hbm>> -> memref<1x50x128xf32, #tpu.memory_space<hbm>>
      %dma_start3A_413 = tpu.memref_squeeze %dma_start3A_412 : memref<1x50x128xf32, #tpu.memory_space<hbm>> -> memref<50x128xf32, #tpu.memory_space<hbm>>
      %dma_start3A_414 = arith.constant 0 : i32
      %dma_start3A_415 = arith.constant 0 : i32
      %dma_start3A_416 = tpu.memref_slice %arg7[%dma_start3A_414, %dma_start3A_415] : memref<100x128xf32, #tpu.memory_space<vmem>> -> memref<50x128xf32, #tpu.memory_space<vmem>>
      tpu.enqueue_dma source(%dma_start3A_416 : memref<50x128xf32, #tpu.memory_space<vmem>>) target(%dma_start3A_413 : memref<50x128xf32, #tpu.memory_space<hbm>>) target_semaphore(%arg23 : memref<!tpu.dma_semaphore, #tpu.memory_space<semaphore_mem>>)
      %add3A_417 = arith.constant 1 : i32
      %add3A_418 = arith.addi %add3A_402, %add3A_417 : i32
      %dma_start3A_419 = arith.constant 50 : i32
      %dma_start3A_420 = arith.constant 0 : i32
      %dma_start3A_421 = tpu.memref_slice %arg7[%dma_start3A_419, %dma_start3A_420] : memref<100x128xf32, #tpu.memory_space<vmem>> -> memref<50x128xf32, #tpu.memory_space<vmem>>
      %dma_start3A_422 = arith.constant 0 : i32
      %dma_start3A_423 = arith.constant 0 : i32
      %dma_start3A_424 = tpu.memref_slice %arg4[%add3A_418, %dma_start3A_422, %dma_start3A_423] : memref<4096x50x128xf32, #tpu.memory_space<hbm>> -> memref<1x50x128xf32, #tpu.memory_space<hbm>>
      %dma_start3A_425 = tpu.memref_squeeze %dma_start3A_424 : memref<1x50x128xf32, #tpu.memory_space<hbm>> -> memref<50x128xf32, #tpu.memory_space<hbm>>
      %dma_start3A_426 = arith.constant 0 : i32
      %dma_start3A_427 = arith.constant 0 : i32
      %dma_start3A_428 = tpu.memref_slice %arg4[%add3A_418, %dma_start3A_426, %dma_start3A_427] : memref<4096x50x128xf32, #tpu.memory_space<hbm>> -> memref<1x50x128xf32, #tpu.memory_space<hbm>>
      %dma_start3A_429 = tpu.memref_squeeze %dma_start3A_428 : memref<1x50x128xf32, #tpu.memory_space<hbm>> -> memref<50x128xf32, #tpu.memory_space<hbm>>
      %dma_start3A_430 = arith.constant 50 : i32
      %dma_start3A_431 = arith.constant 0 : i32
      %dma_start3A_432 = tpu.memref_slice %arg7[%dma_start3A_430, %dma_start3A_431] : memref<100x128xf32, #tpu.memory_space<vmem>> -> memref<50x128xf32, #tpu.memory_space<vmem>>
      tpu.enqueue_dma source(%dma_start3A_432 : memref<50x128xf32, #tpu.memory_space<vmem>>) target(%dma_start3A_429 : memref<50x128xf32, #tpu.memory_space<hbm>>) target_semaphore(%arg23 : memref<!tpu.dma_semaphore, #tpu.memory_space<semaphore_mem>>)
      %add3A_433 = arith.constant 8 : i32
      %add3A_434 = arith.addi %add3A_385, %add3A_433 : i32
      %sub3A_435 = arith.constant 1 : i32
      %sub3A_436 = arith.subi %add3A_434, %sub3A_435 : i32
      %lt3A_437 = arith.constant 64 : i32
      %lt3A_438 = arith.cmpi slt, %sub3A_436, %lt3A_437 : i32
      %convert_element_type3A_439 = arith.extui %lt3A_438 : i1 to i32
      %cond3A_440 = arith.constant 0 : i32
      %cond3A_441 = arith.cmpi ne, %convert_element_type3A_439, %cond3A_440 : i32
      scf.if %cond3A_441 {
        %ge3A = arith.constant 1 : i32
        %ge3A_802 = arith.cmpi sge, %add3A_385, %ge3A : i32
        %convert_element_type3A_803 = arith.extui %ge3A_802 : i1 to i32
        %cond3A_804 = arith.constant 0 : i32
        %cond3A_805 = arith.cmpi ne, %convert_element_type3A_803, %cond3A_804 : i32
        scf.if %cond3A_805 {
          %sub3A_816 = arith.constant 1 : i32
          %sub3A_817 = arith.subi %add3A_385, %sub3A_816 : i32
          %mul3A_818 = arith.constant 128 : i32
          %mul3A_819 = arith.muli %add3A, %mul3A_818 : i32
          %mul3A_820 = arith.constant 2 : i32
          %mul3A_821 = arith.muli %sub3A_817, %mul3A_820 : i32
          %add3A_822 = arith.addi %mul3A_819, %mul3A_821 : i32
          %dma_wait3A_823 = arith.constant 0 : i32
          %dma_wait3A_824 = arith.constant 0 : i32
          %dma_wait3A_825 = tpu.memref_slice %arg6[%dma_wait3A_823, %dma_wait3A_824] : memref<100x128xf32, #tpu.memory_space<vmem>> -> memref<50x128xf32, #tpu.memory_space<vmem>>
          %dma_wait3A_826 = arith.constant 0 : i32
          %dma_wait3A_827 = arith.constant 0 : i32
          %dma_wait3A_828 = tpu.memref_slice %arg4[%add3A_822, %dma_wait3A_826, %dma_wait3A_827] : memref<4096x50x128xf32, #tpu.memory_space<hbm>> -> memref<1x50x128xf32, #tpu.memory_space<hbm>>
          %dma_wait3A_829 = tpu.memref_squeeze %dma_wait3A_828 : memref<1x50x128xf32, #tpu.memory_space<hbm>> -> memref<50x128xf32, #tpu.memory_space<hbm>>
          %dma_wait3A_830 = arith.constant 0 : i32
          %dma_wait3A_831 = arith.constant 0 : i32
          %dma_wait3A_832 = tpu.memref_slice %arg4[%add3A_822, %dma_wait3A_830, %dma_wait3A_831] : memref<4096x50x128xf32, #tpu.memory_space<hbm>> -> memref<1x50x128xf32, #tpu.memory_space<hbm>>
          %dma_wait3A_833 = tpu.memref_squeeze %dma_wait3A_832 : memref<1x50x128xf32, #tpu.memory_space<hbm>> -> memref<50x128xf32, #tpu.memory_space<hbm>>
          %dma_wait3A_834 = arith.constant 0 : i32
          %dma_wait3A_835 = arith.constant 0 : i32
          %dma_wait3A_836 = tpu.memref_slice %arg6[%dma_wait3A_834, %dma_wait3A_835] : memref<100x128xf32, #tpu.memory_space<vmem>> -> memref<50x128xf32, #tpu.memory_space<vmem>>
          tpu.wait_dma2 semaphore(%arg22 : memref<!tpu.dma_semaphore, #tpu.memory_space<semaphore_mem>>) src(%dma_wait3A_836 : memref<50x128xf32, #tpu.memory_space<vmem>>) dst(%dma_wait3A_833 : memref<50x128xf32, #tpu.memory_space<hbm>>)
          %add3A_837 = arith.constant 1 : i32
          %add3A_838 = arith.addi %add3A_822, %add3A_837 : i32
          %dma_wait3A_839 = arith.constant 50 : i32
          %dma_wait3A_840 = arith.constant 0 : i32
          %dma_wait3A_841 = tpu.memref_slice %arg6[%dma_wait3A_839, %dma_wait3A_840] : memref<100x128xf32, #tpu.memory_space<vmem>> -> memref<50x128xf32, #tpu.memory_space<vmem>>
          %dma_wait3A_842 = arith.constant 0 : i32
          %dma_wait3A_843 = arith.constant 0 : i32
          %dma_wait3A_844 = tpu.memref_slice %arg4[%add3A_838, %dma_wait3A_842, %dma_wait3A_843] : memref<4096x50x128xf32, #tpu.memory_space<hbm>> -> memref<1x50x128xf32, #tpu.memory_space<hbm>>
          %dma_wait3A_845 = tpu.memref_squeeze %dma_wait3A_844 : memref<1x50x128xf32, #tpu.memory_space<hbm>> -> memref<50x128xf32, #tpu.memory_space<hbm>>
          %dma_wait3A_846 = arith.constant 0 : i32
          %dma_wait3A_847 = arith.constant 0 : i32
          %dma_wait3A_848 = tpu.memref_slice %arg4[%add3A_838, %dma_wait3A_846, %dma_wait3A_847] : memref<4096x50x128xf32, #tpu.memory_space<hbm>> -> memref<1x50x128xf32, #tpu.memory_space<hbm>>
          %dma_wait3A_849 = tpu.memref_squeeze %dma_wait3A_848 : memref<1x50x128xf32, #tpu.memory_space<hbm>> -> memref<50x128xf32, #tpu.memory_space<hbm>>
          %dma_wait3A_850 = arith.constant 50 : i32
          %dma_wait3A_851 = arith.constant 0 : i32
          %dma_wait3A_852 = tpu.memref_slice %arg6[%dma_wait3A_850, %dma_wait3A_851] : memref<100x128xf32, #tpu.memory_space<vmem>> -> memref<50x128xf32, #tpu.memory_space<vmem>>
          tpu.wait_dma2 semaphore(%arg22 : memref<!tpu.dma_semaphore, #tpu.memory_space<semaphore_mem>>) src(%dma_wait3A_852 : memref<50x128xf32, #tpu.memory_space<vmem>>) dst(%dma_wait3A_849 : memref<50x128xf32, #tpu.memory_space<hbm>>)
        } else {
        }
        %add3A_806 = arith.constant 8 : i32
        %add3A_807 = arith.addi %add3A_385, %add3A_806 : i32
        %sub3A_808 = arith.constant 1 : i32
        %sub3A_809 = arith.subi %add3A_807, %sub3A_808 : i32
        %dma_start3A_810 = arith.constant 0 : i32
        %dma_start3A_811 = tpu.memref_slice %arg5[%sub3A_809, %dma_start3A_810] : memref<64x100xi32, #tpu.memory_space<vmem>> -> memref<1x100xi32, #tpu.memory_space<vmem>>
        %dma_start3A_812 = tpu.memref_squeeze %dma_start3A_811 : memref<1x100xi32, #tpu.memory_space<vmem>> -> memref<100xi32, #tpu.memory_space<vmem>>
        %dma_start3A_813 = arith.constant 0 : i32
        %dma_start3A_814 = arith.constant 0 : i32
        %dma_start3A_815 = tpu.memref_slice %arg3[%dma_start3A_813, %dma_start3A_814] : memref<100000x128xf32, #tpu.memory_space<hbm>> -> memref<100000x128xf32, #tpu.memory_space<hbm>>
        tpu.enqueue_indirect_dma source(%dma_start3A_815 : memref<100000x128xf32, #tpu.memory_space<hbm>>) target(%arg6 : memref<100x128xf32, #tpu.memory_space<vmem>>) offsets(%dma_start3A_812 : memref<100xi32, #tpu.memory_space<vmem>>) semaphore(%arg14 : memref<!tpu.dma_semaphore, #tpu.memory_space<semaphore_mem>>)
      } else {
      }
      %mul3A_442 = arith.constant 8 : i32
      %mul3A_443 = arith.muli %mul3A_442, %scan3A_325 : i32
      %add3A_444 = arith.constant 2 : i32
      %add3A_445 = arith.addi %mul3A_443, %add3A_444 : i32
      %dma_wait3A_446 = arith.constant 0 : i32
      %dma_wait3A_447 = tpu.memref_slice %arg5[%add3A_445, %dma_wait3A_446] : memref<64x100xi32, #tpu.memory_space<vmem>> -> memref<1x100xi32, #tpu.memory_space<vmem>>
      %dma_wait3A_448 = tpu.memref_squeeze %dma_wait3A_447 : memref<1x100xi32, #tpu.memory_space<vmem>> -> memref<100xi32, #tpu.memory_space<vmem>>
      %dma_wait3A_449 = arith.constant 0 : i32
      %dma_wait3A_450 = arith.constant 0 : i32
      %dma_wait3A_451 = tpu.memref_slice %arg3[%dma_wait3A_449, %dma_wait3A_450] : memref<100000x128xf32, #tpu.memory_space<hbm>> -> memref<100000x128xf32, #tpu.memory_space<hbm>>
      tpu.wait_indirect_dma semaphore(%arg16 : memref<!tpu.dma_semaphore, #tpu.memory_space<semaphore_mem>>) src(%dma_wait3A_451 : memref<100000x128xf32, #tpu.memory_space<hbm>>) dst(%arg8 : memref<100x128xf32, #tpu.memory_space<vmem>>)
      %scan3A_452 = arith.constant 0 : i32
      %scan3A_453 = arith.constant 0 : i32
      %scan3A_454 = arith.constant 100 : i32
      %scan3A_455 = arith.addi %scan3A_453, %scan3A_454 : i32
      %scan3A_456 = arith.constant 1 : i32
      scf.for %scan3A_802 = %scan3A_453 to %scan3A_455 step %scan3A_456  : i32 {
        %get3A = arith.index_cast %scan3A_802 : i32 to index
        %get3A_803 = arith.constant 0 : index
        %get3A_804 = tpu.vector_load %arg8[%get3A, %get3A_803] {strides = array<i32>} : memref<100x128xf32, #tpu.memory_space<vmem>>, vector<1x16xf32>,
        %get3A_805 = vector.shape_cast %get3A_804 : vector<1x16xf32> to vector<16xf32>
        %mul3A_806 = arith.constant 11.3137083 : f32
        %mul3A_807 = vector.broadcast %mul3A_806 : f32 to vector<16xf32>
        %mul3A_808 = arith.mulf %get3A_805, %mul3A_807 : vector<16xf32>
        %swap3A = arith.index_cast %scan3A_802 : i32 to index
        %swap3A_809 = arith.constant 0 : index
        %swap3A_810 = tpu.vector_load %arg8[%swap3A, %swap3A_809] {strides = array<i32>} : memref<100x128xf32, #tpu.memory_space<vmem>>, vector<1x16xf32>,
        %swap3A_811 = vector.shape_cast %swap3A_810 : vector<1x16xf32> to vector<16xf32>
        %swap3A_812 = vector.shape_cast %mul3A_808 : vector<16xf32> to vector<1x16xf32>
        tpu.vector_store %arg8[%swap3A, %swap3A_809], %swap3A_812 {strides = array<i32>} : memref<100x128xf32, #tpu.memory_space<vmem>>, vector<1x16xf32>,
        %get3A_813 = arith.index_cast %scan3A_802 : i32 to index
        %get3A_814 = arith.constant 16 : index
        %get3A_815 = tpu.vector_load %arg8[%get3A_813, %get3A_814] {strides = array<i32>} : memref<100x128xf32, #tpu.memory_space<vmem>>, vector<1x16xf32>,
        %get3A_816 = vector.shape_cast %get3A_815 : vector<1x16xf32> to vector<16xf32>
        %mul3A_817 = arith.constant 11.3137083 : f32
        %mul3A_818 = vector.broadcast %mul3A_817 : f32 to vector<16xf32>
        %mul3A_819 = arith.mulf %get3A_816, %mul3A_818 : vector<16xf32>
        %swap3A_820 = arith.index_cast %scan3A_802 : i32 to index
        %swap3A_821 = arith.constant 16 : index
        %swap3A_822 = tpu.vector_load %arg8[%swap3A_820, %swap3A_821] {strides = array<i32>} : memref<100x128xf32, #tpu.memory_space<vmem>>, vector<1x16xf32>,
        %swap3A_823 = vector.shape_cast %swap3A_822 : vector<1x16xf32> to vector<16xf32>
        %swap3A_824 = vector.shape_cast %mul3A_819 : vector<16xf32> to vector<1x16xf32>
        tpu.vector_store %arg8[%swap3A_820, %swap3A_821], %swap3A_824 {strides = array<i32>} : memref<100x128xf32, #tpu.memory_space<vmem>>, vector<1x16xf32>,
        %get3A_825 = arith.index_cast %scan3A_802 : i32 to index
        %get3A_826 = arith.constant 32 : index
        %get3A_827 = tpu.vector_load %arg8[%get3A_825, %get3A_826] {strides = array<i32>} : memref<100x128xf32, #tpu.memory_space<vmem>>, vector<1x16xf32>,
        %get3A_828 = vector.shape_cast %get3A_827 : vector<1x16xf32> to vector<16xf32>
        %mul3A_829 = arith.constant 11.3137083 : f32
        %mul3A_830 = vector.broadcast %mul3A_829 : f32 to vector<16xf32>
        %mul3A_831 = arith.mulf %get3A_828, %mul3A_830 : vector<16xf32>
        %swap3A_832 = arith.index_cast %scan3A_802 : i32 to index
        %swap3A_833 = arith.constant 32 : index
        %swap3A_834 = tpu.vector_load %arg8[%swap3A_832, %swap3A_833] {strides = array<i32>} : memref<100x128xf32, #tpu.memory_space<vmem>>, vector<1x16xf32>,
        %swap3A_835 = vector.shape_cast %swap3A_834 : vector<1x16xf32> to vector<16xf32>
        %swap3A_836 = vector.shape_cast %mul3A_831 : vector<16xf32> to vector<1x16xf32>
        tpu.vector_store %arg8[%swap3A_832, %swap3A_833], %swap3A_836 {strides = array<i32>} : memref<100x128xf32, #tpu.memory_space<vmem>>, vector<1x16xf32>,
        %get3A_837 = arith.index_cast %scan3A_802 : i32 to index
        %get3A_838 = arith.constant 48 : index
        %get3A_839 = tpu.vector_load %arg8[%get3A_837, %get3A_838] {strides = array<i32>} : memref<100x128xf32, #tpu.memory_space<vmem>>, vector<1x16xf32>,
        %get3A_840 = vector.shape_cast %get3A_839 : vector<1x16xf32> to vector<16xf32>
        %mul3A_841 = arith.constant 11.3137083 : f32
        %mul3A_842 = vector.broadcast %mul3A_841 : f32 to vector<16xf32>
        %mul3A_843 = arith.mulf %get3A_840, %mul3A_842 : vector<16xf32>
        %swap3A_844 = arith.index_cast %scan3A_802 : i32 to index
        %swap3A_845 = arith.constant 48 : index
        %swap3A_846 = tpu.vector_load %arg8[%swap3A_844, %swap3A_845] {strides = array<i32>} : memref<100x128xf32, #tpu.memory_space<vmem>>, vector<1x16xf32>,
        %swap3A_847 = vector.shape_cast %swap3A_846 : vector<1x16xf32> to vector<16xf32>
        %swap3A_848 = vector.shape_cast %mul3A_843 : vector<16xf32> to vector<1x16xf32>
        tpu.vector_store %arg8[%swap3A_844, %swap3A_845], %swap3A_848 {strides = array<i32>} : memref<100x128xf32, #tpu.memory_space<vmem>>, vector<1x16xf32>,
        %get3A_849 = arith.index_cast %scan3A_802 : i32 to index
        %get3A_850 = arith.constant 64 : index
        %get3A_851 = tpu.vector_load %arg8[%get3A_849, %get3A_850] {strides = array<i32>} : memref<100x128xf32, #tpu.memory_space<vmem>>, vector<1x16xf32>,
        %get3A_852 = vector.shape_cast %get3A_851 : vector<1x16xf32> to vector<16xf32>
        %mul3A_853 = arith.constant 11.3137083 : f32
        %mul3A_854 = vector.broadcast %mul3A_853 : f32 to vector<16xf32>
        %mul3A_855 = arith.mulf %get3A_852, %mul3A_854 : vector<16xf32>
        %swap3A_856 = arith.index_cast %scan3A_802 : i32 to index
        %swap3A_857 = arith.constant 64 : index
        %swap3A_858 = tpu.vector_load %arg8[%swap3A_856, %swap3A_857] {strides = array<i32>} : memref<100x128xf32, #tpu.memory_space<vmem>>, vector<1x16xf32>,
        %swap3A_859 = vector.shape_cast %swap3A_858 : vector<1x16xf32> to vector<16xf32>
        %swap3A_860 = vector.shape_cast %mul3A_855 : vector<16xf32> to vector<1x16xf32>
        tpu.vector_store %arg8[%swap3A_856, %swap3A_857], %swap3A_860 {strides = array<i32>} : memref<100x128xf32, #tpu.memory_space<vmem>>, vector<1x16xf32>,
        %get3A_861 = arith.index_cast %scan3A_802 : i32 to index
        %get3A_862 = arith.constant 80 : index
        %get3A_863 = tpu.vector_load %arg8[%get3A_861, %get3A_862] {strides = array<i32>} : memref<100x128xf32, #tpu.memory_space<vmem>>, vector<1x16xf32>,
        %get3A_864 = vector.shape_cast %get3A_863 : vector<1x16xf32> to vector<16xf32>
        %mul3A_865 = arith.constant 11.3137083 : f32
        %mul3A_866 = vector.broadcast %mul3A_865 : f32 to vector<16xf32>
        %mul3A_867 = arith.mulf %get3A_864, %mul3A_866 : vector<16xf32>
        %swap3A_868 = arith.index_cast %scan3A_802 : i32 to index
        %swap3A_869 = arith.constant 80 : index
        %swap3A_870 = tpu.vector_load %arg8[%swap3A_868, %swap3A_869] {strides = array<i32>} : memref<100x128xf32, #tpu.memory_space<vmem>>, vector<1x16xf32>,
        %swap3A_871 = vector.shape_cast %swap3A_870 : vector<1x16xf32> to vector<16xf32>
        %swap3A_872 = vector.shape_cast %mul3A_867 : vector<16xf32> to vector<1x16xf32>
        tpu.vector_store %arg8[%swap3A_868, %swap3A_869], %swap3A_872 {strides = array<i32>} : memref<100x128xf32, #tpu.memory_space<vmem>>, vector<1x16xf32>,
        %get3A_873 = arith.index_cast %scan3A_802 : i32 to index
        %get3A_874 = arith.constant 96 : index
        %get3A_875 = tpu.vector_load %arg8[%get3A_873, %get3A_874] {strides = array<i32>} : memref<100x128xf32, #tpu.memory_space<vmem>>, vector<1x16xf32>,
        %get3A_876 = vector.shape_cast %get3A_875 : vector<1x16xf32> to vector<16xf32>
        %mul3A_877 = arith.constant 11.3137083 : f32
        %mul3A_878 = vector.broadcast %mul3A_877 : f32 to vector<16xf32>
        %mul3A_879 = arith.mulf %get3A_876, %mul3A_878 : vector<16xf32>
        %swap3A_880 = arith.index_cast %scan3A_802 : i32 to index
        %swap3A_881 = arith.constant 96 : index
        %swap3A_882 = tpu.vector_load %arg8[%swap3A_880, %swap3A_881] {strides = array<i32>} : memref<100x128xf32, #tpu.memory_space<vmem>>, vector<1x16xf32>,
        %swap3A_883 = vector.shape_cast %swap3A_882 : vector<1x16xf32> to vector<16xf32>
        %swap3A_884 = vector.shape_cast %mul3A_879 : vector<16xf32> to vector<1x16xf32>
        tpu.vector_store %arg8[%swap3A_880, %swap3A_881], %swap3A_884 {strides = array<i32>} : memref<100x128xf32, #tpu.memory_space<vmem>>, vector<1x16xf32>,
        %get3A_885 = arith.index_cast %scan3A_802 : i32 to index
        %get3A_886 = arith.constant 112 : index
        %get3A_887 = tpu.vector_load %arg8[%get3A_885, %get3A_886] {strides = array<i32>} : memref<100x128xf32, #tpu.memory_space<vmem>>, vector<1x16xf32>,
        %get3A_888 = vector.shape_cast %get3A_887 : vector<1x16xf32> to vector<16xf32>
        %mul3A_889 = arith.constant 11.3137083 : f32
        %mul3A_890 = vector.broadcast %mul3A_889 : f32 to vector<16xf32>
        %mul3A_891 = arith.mulf %get3A_888, %mul3A_890 : vector<16xf32>
        %swap3A_892 = arith.index_cast %scan3A_802 : i32 to index
        %swap3A_893 = arith.constant 112 : index
        %swap3A_894 = tpu.vector_load %arg8[%swap3A_892, %swap3A_893] {strides = array<i32>} : memref<100x128xf32, #tpu.memory_space<vmem>>, vector<1x16xf32>,
        %swap3A_895 = vector.shape_cast %swap3A_894 : vector<1x16xf32> to vector<16xf32>
        %swap3A_896 = vector.shape_cast %mul3A_891 : vector<16xf32> to vector<1x16xf32>
        tpu.vector_store %arg8[%swap3A_892, %swap3A_893], %swap3A_896 {strides = array<i32>} : memref<100x128xf32, #tpu.memory_space<vmem>>, vector<1x16xf32>,
      }
      %scan3A_457 = arith.constant 100 : i32
      %mul3A_458 = arith.constant 128 : i32
      %mul3A_459 = arith.muli %add3A, %mul3A_458 : i32
      %mul3A_460 = arith.constant 2 : i32
      %mul3A_461 = arith.muli %add3A_445, %mul3A_460 : i32
      %add3A_462 = arith.addi %mul3A_459, %mul3A_461 : i32
      %dma_start3A_463 = arith.constant 0 : i32
      %dma_start3A_464 = arith.constant 0 : i32
      %dma_start3A_465 = tpu.memref_slice %arg8[%dma_start3A_463, %dma_start3A_464] : memref<100x128xf32, #tpu.memory_space<vmem>> -> memref<50x128xf32, #tpu.memory_space<vmem>>
      %dma_start3A_466 = arith.constant 0 : i32
      %dma_start3A_467 = arith.constant 0 : i32
      %dma_start3A_468 = tpu.memref_slice %arg4[%add3A_462, %dma_start3A_466, %dma_start3A_467] : memref<4096x50x128xf32, #tpu.memory_space<hbm>> -> memref<1x50x128xf32, #tpu.memory_space<hbm>>
      %dma_start3A_469 = tpu.memref_squeeze %dma_start3A_468 : memref<1x50x128xf32, #tpu.memory_space<hbm>> -> memref<50x128xf32, #tpu.memory_space<hbm>>
      %dma_start3A_470 = arith.constant 0 : i32
      %dma_start3A_471 = arith.constant 0 : i32
      %dma_start3A_472 = tpu.memref_slice %arg4[%add3A_462, %dma_start3A_470, %dma_start3A_471] : memref<4096x50x128xf32, #tpu.memory_space<hbm>> -> memref<1x50x128xf32, #tpu.memory_space<hbm>>
      %dma_start3A_473 = tpu.memref_squeeze %dma_start3A_472 : memref<1x50x128xf32, #tpu.memory_space<hbm>> -> memref<50x128xf32, #tpu.memory_space<hbm>>
      %dma_start3A_474 = arith.constant 0 : i32
      %dma_start3A_475 = arith.constant 0 : i32
      %dma_start3A_476 = tpu.memref_slice %arg8[%dma_start3A_474, %dma_start3A_475] : memref<100x128xf32, #tpu.memory_space<vmem>> -> memref<50x128xf32, #tpu.memory_space<vmem>>
      tpu.enqueue_dma source(%dma_start3A_476 : memref<50x128xf32, #tpu.memory_space<vmem>>) target(%dma_start3A_473 : memref<50x128xf32, #tpu.memory_space<hbm>>) target_semaphore(%arg24 : memref<!tpu.dma_semaphore, #tpu.memory_space<semaphore_mem>>)
      %add3A_477 = arith.constant 1 : i32
      %add3A_478 = arith.addi %add3A_462, %add3A_477 : i32
      %dma_start3A_479 = arith.constant 50 : i32
      %dma_start3A_480 = arith.constant 0 : i32
      %dma_start3A_481 = tpu.memref_slice %arg8[%dma_start3A_479, %dma_start3A_480] : memref<100x128xf32, #tpu.memory_space<vmem>> -> memref<50x128xf32, #tpu.memory_space<vmem>>
      %dma_start3A_482 = arith.constant 0 : i32
      %dma_start3A_483 = arith.constant 0 : i32
      %dma_start3A_484 = tpu.memref_slice %arg4[%add3A_478, %dma_start3A_482, %dma_start3A_483] : memref<4096x50x128xf32, #tpu.memory_space<hbm>> -> memref<1x50x128xf32, #tpu.memory_space<hbm>>
      %dma_start3A_485 = tpu.memref_squeeze %dma_start3A_484 : memref<1x50x128xf32, #tpu.memory_space<hbm>> -> memref<50x128xf32, #tpu.memory_space<hbm>>
      %dma_start3A_486 = arith.constant 0 : i32
      %dma_start3A_487 = arith.constant 0 : i32
      %dma_start3A_488 = tpu.memref_slice %arg4[%add3A_478, %dma_start3A_486, %dma_start3A_487] : memref<4096x50x128xf32, #tpu.memory_space<hbm>> -> memref<1x50x128xf32, #tpu.memory_space<hbm>>
      %dma_start3A_489 = tpu.memref_squeeze %dma_start3A_488 : memref<1x50x128xf32, #tpu.memory_space<hbm>> -> memref<50x128xf32, #tpu.memory_space<hbm>>
      %dma_start3A_490 = arith.constant 50 : i32
      %dma_start3A_491 = arith.constant 0 : i32
      %dma_start3A_492 = tpu.memref_slice %arg8[%dma_start3A_490, %dma_start3A_491] : memref<100x128xf32, #tpu.memory_space<vmem>> -> memref<50x128xf32, #tpu.memory_space<vmem>>
      tpu.enqueue_dma source(%dma_start3A_492 : memref<50x128xf32, #tpu.memory_space<vmem>>) target(%dma_start3A_489 : memref<50x128xf32, #tpu.memory_space<hbm>>) target_semaphore(%arg24 : memref<!tpu.dma_semaphore, #tpu.memory_space<semaphore_mem>>)
      %add3A_493 = arith.constant 8 : i32
      %add3A_494 = arith.addi %add3A_445, %add3A_493 : i32
      %sub3A_495 = arith.constant 1 : i32
      %sub3A_496 = arith.subi %add3A_494, %sub3A_495 : i32
      %lt3A_497 = arith.constant 64 : i32
      %lt3A_498 = arith.cmpi slt, %sub3A_496, %lt3A_497 : i32
      %convert_element_type3A_499 = arith.extui %lt3A_498 : i1 to i32
      %cond3A_500 = arith.constant 0 : i32
      %cond3A_501 = arith.cmpi ne, %convert_element_type3A_499, %cond3A_500 : i32
      scf.if %cond3A_501 {
        %ge3A = arith.constant 1 : i32
        %ge3A_802 = arith.cmpi sge, %add3A_445, %ge3A : i32
        %convert_element_type3A_803 = arith.extui %ge3A_802 : i1 to i32
        %cond3A_804 = arith.constant 0 : i32
        %cond3A_805 = arith.cmpi ne, %convert_element_type3A_803, %cond3A_804 : i32
        scf.if %cond3A_805 {
          %sub3A_816 = arith.constant 1 : i32
          %sub3A_817 = arith.subi %add3A_445, %sub3A_816 : i32
          %mul3A_818 = arith.constant 128 : i32
          %mul3A_819 = arith.muli %add3A, %mul3A_818 : i32
          %mul3A_820 = arith.constant 2 : i32
          %mul3A_821 = arith.muli %sub3A_817, %mul3A_820 : i32
          %add3A_822 = arith.addi %mul3A_819, %mul3A_821 : i32
          %dma_wait3A_823 = arith.constant 0 : i32
          %dma_wait3A_824 = arith.constant 0 : i32
          %dma_wait3A_825 = tpu.memref_slice %arg7[%dma_wait3A_823, %dma_wait3A_824] : memref<100x128xf32, #tpu.memory_space<vmem>> -> memref<50x128xf32, #tpu.memory_space<vmem>>
          %dma_wait3A_826 = arith.constant 0 : i32
          %dma_wait3A_827 = arith.constant 0 : i32
          %dma_wait3A_828 = tpu.memref_slice %arg4[%add3A_822, %dma_wait3A_826, %dma_wait3A_827] : memref<4096x50x128xf32, #tpu.memory_space<hbm>> -> memref<1x50x128xf32, #tpu.memory_space<hbm>>
          %dma_wait3A_829 = tpu.memref_squeeze %dma_wait3A_828 : memref<1x50x128xf32, #tpu.memory_space<hbm>> -> memref<50x128xf32, #tpu.memory_space<hbm>>
          %dma_wait3A_830 = arith.constant 0 : i32
          %dma_wait3A_831 = arith.constant 0 : i32
          %dma_wait3A_832 = tpu.memref_slice %arg4[%add3A_822, %dma_wait3A_830, %dma_wait3A_831] : memref<4096x50x128xf32, #tpu.memory_space<hbm>> -> memref<1x50x128xf32, #tpu.memory_space<hbm>>
          %dma_wait3A_833 = tpu.memref_squeeze %dma_wait3A_832 : memref<1x50x128xf32, #tpu.memory_space<hbm>> -> memref<50x128xf32, #tpu.memory_space<hbm>>
          %dma_wait3A_834 = arith.constant 0 : i32
          %dma_wait3A_835 = arith.constant 0 : i32
          %dma_wait3A_836 = tpu.memref_slice %arg7[%dma_wait3A_834, %dma_wait3A_835] : memref<100x128xf32, #tpu.memory_space<vmem>> -> memref<50x128xf32, #tpu.memory_space<vmem>>
          tpu.wait_dma2 semaphore(%arg23 : memref<!tpu.dma_semaphore, #tpu.memory_space<semaphore_mem>>) src(%dma_wait3A_836 : memref<50x128xf32, #tpu.memory_space<vmem>>) dst(%dma_wait3A_833 : memref<50x128xf32, #tpu.memory_space<hbm>>)
          %add3A_837 = arith.constant 1 : i32
          %add3A_838 = arith.addi %add3A_822, %add3A_837 : i32
          %dma_wait3A_839 = arith.constant 50 : i32
          %dma_wait3A_840 = arith.constant 0 : i32
          %dma_wait3A_841 = tpu.memref_slice %arg7[%dma_wait3A_839, %dma_wait3A_840] : memref<100x128xf32, #tpu.memory_space<vmem>> -> memref<50x128xf32, #tpu.memory_space<vmem>>
          %dma_wait3A_842 = arith.constant 0 : i32
          %dma_wait3A_843 = arith.constant 0 : i32
          %dma_wait3A_844 = tpu.memref_slice %arg4[%add3A_838, %dma_wait3A_842, %dma_wait3A_843] : memref<4096x50x128xf32, #tpu.memory_space<hbm>> -> memref<1x50x128xf32, #tpu.memory_space<hbm>>
          %dma_wait3A_845 = tpu.memref_squeeze %dma_wait3A_844 : memref<1x50x128xf32, #tpu.memory_space<hbm>> -> memref<50x128xf32, #tpu.memory_space<hbm>>
          %dma_wait3A_846 = arith.constant 0 : i32
          %dma_wait3A_847 = arith.constant 0 : i32
          %dma_wait3A_848 = tpu.memref_slice %arg4[%add3A_838, %dma_wait3A_846, %dma_wait3A_847] : memref<4096x50x128xf32, #tpu.memory_space<hbm>> -> memref<1x50x128xf32, #tpu.memory_space<hbm>>
          %dma_wait3A_849 = tpu.memref_squeeze %dma_wait3A_848 : memref<1x50x128xf32, #tpu.memory_space<hbm>> -> memref<50x128xf32, #tpu.memory_space<hbm>>
          %dma_wait3A_850 = arith.constant 50 : i32
          %dma_wait3A_851 = arith.constant 0 : i32
          %dma_wait3A_852 = tpu.memref_slice %arg7[%dma_wait3A_850, %dma_wait3A_851] : memref<100x128xf32, #tpu.memory_space<vmem>> -> memref<50x128xf32, #tpu.memory_space<vmem>>
          tpu.wait_dma2 semaphore(%arg23 : memref<!tpu.dma_semaphore, #tpu.memory_space<semaphore_mem>>) src(%dma_wait3A_852 : memref<50x128xf32, #tpu.memory_space<vmem>>) dst(%dma_wait3A_849 : memref<50x128xf32, #tpu.memory_space<hbm>>)
        } else {
        }
        %add3A_806 = arith.constant 8 : i32
        %add3A_807 = arith.addi %add3A_445, %add3A_806 : i32
        %sub3A_808 = arith.constant 1 : i32
        %sub3A_809 = arith.subi %add3A_807, %sub3A_808 : i32
        %dma_start3A_810 = arith.constant 0 : i32
        %dma_start3A_811 = tpu.memref_slice %arg5[%sub3A_809, %dma_start3A_810] : memref<64x100xi32, #tpu.memory_space<vmem>> -> memref<1x100xi32, #tpu.memory_space<vmem>>
        %dma_start3A_812 = tpu.memref_squeeze %dma_start3A_811 : memref<1x100xi32, #tpu.memory_space<vmem>> -> memref<100xi32, #tpu.memory_space<vmem>>
        %dma_start3A_813 = arith.constant 0 : i32
        %dma_start3A_814 = arith.constant 0 : i32
        %dma_start3A_815 = tpu.memref_slice %arg3[%dma_start3A_813, %dma_start3A_814] : memref<100000x128xf32, #tpu.memory_space<hbm>> -> memref<100000x128xf32, #tpu.memory_space<hbm>>
        tpu.enqueue_indirect_dma source(%dma_start3A_815 : memref<100000x128xf32, #tpu.memory_space<hbm>>) target(%arg7 : memref<100x128xf32, #tpu.memory_space<vmem>>) offsets(%dma_start3A_812 : memref<100xi32, #tpu.memory_space<vmem>>) semaphore(%arg15 : memref<!tpu.dma_semaphore, #tpu.memory_space<semaphore_mem>>)
      } else {
      }
      %mul3A_502 = arith.constant 8 : i32
      %mul3A_503 = arith.muli %mul3A_502, %scan3A_325 : i32
      %add3A_504 = arith.constant 3 : i32
      %add3A_505 = arith.addi %mul3A_503, %add3A_504 : i32
      %dma_wait3A_506 = arith.constant 0 : i32
      %dma_wait3A_507 = tpu.memref_slice %arg5[%add3A_505, %dma_wait3A_506] : memref<64x100xi32, #tpu.memory_space<vmem>> -> memref<1x100xi32, #tpu.memory_space<vmem>>
      %dma_wait3A_508 = tpu.memref_squeeze %dma_wait3A_507 : memref<1x100xi32, #tpu.memory_space<vmem>> -> memref<100xi32, #tpu.memory_space<vmem>>
      %dma_wait3A_509 = arith.constant 0 : i32
      %dma_wait3A_510 = arith.constant 0 : i32
      %dma_wait3A_511 = tpu.memref_slice %arg3[%dma_wait3A_509, %dma_wait3A_510] : memref<100000x128xf32, #tpu.memory_space<hbm>> -> memref<100000x128xf32, #tpu.memory_space<hbm>>
      tpu.wait_indirect_dma semaphore(%arg17 : memref<!tpu.dma_semaphore, #tpu.memory_space<semaphore_mem>>) src(%dma_wait3A_511 : memref<100000x128xf32, #tpu.memory_space<hbm>>) dst(%arg9 : memref<100x128xf32, #tpu.memory_space<vmem>>)
      %scan3A_512 = arith.constant 0 : i32
      %scan3A_513 = arith.constant 0 : i32
      %scan3A_514 = arith.constant 100 : i32
      %scan3A_515 = arith.addi %scan3A_513, %scan3A_514 : i32
      %scan3A_516 = arith.constant 1 : i32
      scf.for %scan3A_802 = %scan3A_513 to %scan3A_515 step %scan3A_516  : i32 {
        %get3A = arith.index_cast %scan3A_802 : i32 to index
        %get3A_803 = arith.constant 0 : index
        %get3A_804 = tpu.vector_load %arg9[%get3A, %get3A_803] {strides = array<i32>} : memref<100x128xf32, #tpu.memory_space<vmem>>, vector<1x16xf32>,
        %get3A_805 = vector.shape_cast %get3A_804 : vector<1x16xf32> to vector<16xf32>
        %mul3A_806 = arith.constant 11.3137083 : f32
        %mul3A_807 = vector.broadcast %mul3A_806 : f32 to vector<16xf32>
        %mul3A_808 = arith.mulf %get3A_805, %mul3A_807 : vector<16xf32>
        %swap3A = arith.index_cast %scan3A_802 : i32 to index
        %swap3A_809 = arith.constant 0 : index
        %swap3A_810 = tpu.vector_load %arg9[%swap3A, %swap3A_809] {strides = array<i32>} : memref<100x128xf32, #tpu.memory_space<vmem>>, vector<1x16xf32>,
        %swap3A_811 = vector.shape_cast %swap3A_810 : vector<1x16xf32> to vector<16xf32>
        %swap3A_812 = vector.shape_cast %mul3A_808 : vector<16xf32> to vector<1x16xf32>
        tpu.vector_store %arg9[%swap3A, %swap3A_809], %swap3A_812 {strides = array<i32>} : memref<100x128xf32, #tpu.memory_space<vmem>>, vector<1x16xf32>,
        %get3A_813 = arith.index_cast %scan3A_802 : i32 to index
        %get3A_814 = arith.constant 16 : index
        %get3A_815 = tpu.vector_load %arg9[%get3A_813, %get3A_814] {strides = array<i32>} : memref<100x128xf32, #tpu.memory_space<vmem>>, vector<1x16xf32>,
        %get3A_816 = vector.shape_cast %get3A_815 : vector<1x16xf32> to vector<16xf32>
        %mul3A_817 = arith.constant 11.3137083 : f32
        %mul3A_818 = vector.broadcast %mul3A_817 : f32 to vector<16xf32>
        %mul3A_819 = arith.mulf %get3A_816, %mul3A_818 : vector<16xf32>
        %swap3A_820 = arith.index_cast %scan3A_802 : i32 to index
        %swap3A_821 = arith.constant 16 : index
        %swap3A_822 = tpu.vector_load %arg9[%swap3A_820, %swap3A_821] {strides = array<i32>} : memref<100x128xf32, #tpu.memory_space<vmem>>, vector<1x16xf32>,
        %swap3A_823 = vector.shape_cast %swap3A_822 : vector<1x16xf32> to vector<16xf32>
        %swap3A_824 = vector.shape_cast %mul3A_819 : vector<16xf32> to vector<1x16xf32>
        tpu.vector_store %arg9[%swap3A_820, %swap3A_821], %swap3A_824 {strides = array<i32>} : memref<100x128xf32, #tpu.memory_space<vmem>>, vector<1x16xf32>,
        %get3A_825 = arith.index_cast %scan3A_802 : i32 to index
        %get3A_826 = arith.constant 32 : index
        %get3A_827 = tpu.vector_load %arg9[%get3A_825, %get3A_826] {strides = array<i32>} : memref<100x128xf32, #tpu.memory_space<vmem>>, vector<1x16xf32>,
        %get3A_828 = vector.shape_cast %get3A_827 : vector<1x16xf32> to vector<16xf32>
        %mul3A_829 = arith.constant 11.3137083 : f32
        %mul3A_830 = vector.broadcast %mul3A_829 : f32 to vector<16xf32>
        %mul3A_831 = arith.mulf %get3A_828, %mul3A_830 : vector<16xf32>
        %swap3A_832 = arith.index_cast %scan3A_802 : i32 to index
        %swap3A_833 = arith.constant 32 : index
        %swap3A_834 = tpu.vector_load %arg9[%swap3A_832, %swap3A_833] {strides = array<i32>} : memref<100x128xf32, #tpu.memory_space<vmem>>, vector<1x16xf32>,
        %swap3A_835 = vector.shape_cast %swap3A_834 : vector<1x16xf32> to vector<16xf32>
        %swap3A_836 = vector.shape_cast %mul3A_831 : vector<16xf32> to vector<1x16xf32>
        tpu.vector_store %arg9[%swap3A_832, %swap3A_833], %swap3A_836 {strides = array<i32>} : memref<100x128xf32, #tpu.memory_space<vmem>>, vector<1x16xf32>,
        %get3A_837 = arith.index_cast %scan3A_802 : i32 to index
        %get3A_838 = arith.constant 48 : index
        %get3A_839 = tpu.vector_load %arg9[%get3A_837, %get3A_838] {strides = array<i32>} : memref<100x128xf32, #tpu.memory_space<vmem>>, vector<1x16xf32>,
        %get3A_840 = vector.shape_cast %get3A_839 : vector<1x16xf32> to vector<16xf32>
        %mul3A_841 = arith.constant 11.3137083 : f32
        %mul3A_842 = vector.broadcast %mul3A_841 : f32 to vector<16xf32>
        %mul3A_843 = arith.mulf %get3A_840, %mul3A_842 : vector<16xf32>
        %swap3A_844 = arith.index_cast %scan3A_802 : i32 to index
        %swap3A_845 = arith.constant 48 : index
        %swap3A_846 = tpu.vector_load %arg9[%swap3A_844, %swap3A_845] {strides = array<i32>} : memref<100x128xf32, #tpu.memory_space<vmem>>, vector<1x16xf32>,
        %swap3A_847 = vector.shape_cast %swap3A_846 : vector<1x16xf32> to vector<16xf32>
        %swap3A_848 = vector.shape_cast %mul3A_843 : vector<16xf32> to vector<1x16xf32>
        tpu.vector_store %arg9[%swap3A_844, %swap3A_845], %swap3A_848 {strides = array<i32>} : memref<100x128xf32, #tpu.memory_space<vmem>>, vector<1x16xf32>,
        %get3A_849 = arith.index_cast %scan3A_802 : i32 to index
        %get3A_850 = arith.constant 64 : index
        %get3A_851 = tpu.vector_load %arg9[%get3A_849, %get3A_850] {strides = array<i32>} : memref<100x128xf32, #tpu.memory_space<vmem>>, vector<1x16xf32>,
        %get3A_852 = vector.shape_cast %get3A_851 : vector<1x16xf32> to vector<16xf32>
        %mul3A_853 = arith.constant 11.3137083 : f32
        %mul3A_854 = vector.broadcast %mul3A_853 : f32 to vector<16xf32>
        %mul3A_855 = arith.mulf %get3A_852, %mul3A_854 : vector<16xf32>
        %swap3A_856 = arith.index_cast %scan3A_802 : i32 to index
        %swap3A_857 = arith.constant 64 : index
        %swap3A_858 = tpu.vector_load %arg9[%swap3A_856, %swap3A_857] {strides = array<i32>} : memref<100x128xf32, #tpu.memory_space<vmem>>, vector<1x16xf32>,
        %swap3A_859 = vector.shape_cast %swap3A_858 : vector<1x16xf32> to vector<16xf32>
        %swap3A_860 = vector.shape_cast %mul3A_855 : vector<16xf32> to vector<1x16xf32>
        tpu.vector_store %arg9[%swap3A_856, %swap3A_857], %swap3A_860 {strides = array<i32>} : memref<100x128xf32, #tpu.memory_space<vmem>>, vector<1x16xf32>,
        %get3A_861 = arith.index_cast %scan3A_802 : i32 to index
        %get3A_862 = arith.constant 80 : index
        %get3A_863 = tpu.vector_load %arg9[%get3A_861, %get3A_862] {strides = array<i32>} : memref<100x128xf32, #tpu.memory_space<vmem>>, vector<1x16xf32>,
        %get3A_864 = vector.shape_cast %get3A_863 : vector<1x16xf32> to vector<16xf32>
        %mul3A_865 = arith.constant 11.3137083 : f32
        %mul3A_866 = vector.broadcast %mul3A_865 : f32 to vector<16xf32>
        %mul3A_867 = arith.mulf %get3A_864, %mul3A_866 : vector<16xf32>
        %swap3A_868 = arith.index_cast %scan3A_802 : i32 to index
        %swap3A_869 = arith.constant 80 : index
        %swap3A_870 = tpu.vector_load %arg9[%swap3A_868, %swap3A_869] {strides = array<i32>} : memref<100x128xf32, #tpu.memory_space<vmem>>, vector<1x16xf32>,
        %swap3A_871 = vector.shape_cast %swap3A_870 : vector<1x16xf32> to vector<16xf32>
        %swap3A_872 = vector.shape_cast %mul3A_867 : vector<16xf32> to vector<1x16xf32>
        tpu.vector_store %arg9[%swap3A_868, %swap3A_869], %swap3A_872 {strides = array<i32>} : memref<100x128xf32, #tpu.memory_space<vmem>>, vector<1x16xf32>,
        %get3A_873 = arith.index_cast %scan3A_802 : i32 to index
        %get3A_874 = arith.constant 96 : index
        %get3A_875 = tpu.vector_load %arg9[%get3A_873, %get3A_874] {strides = array<i32>} : memref<100x128xf32, #tpu.memory_space<vmem>>, vector<1x16xf32>,
        %get3A_876 = vector.shape_cast %get3A_875 : vector<1x16xf32> to vector<16xf32>
        %mul3A_877 = arith.constant 11.3137083 : f32
        %mul3A_878 = vector.broadcast %mul3A_877 : f32 to vector<16xf32>
        %mul3A_879 = arith.mulf %get3A_876, %mul3A_878 : vector<16xf32>
        %swap3A_880 = arith.index_cast %scan3A_802 : i32 to index
        %swap3A_881 = arith.constant 96 : index
        %swap3A_882 = tpu.vector_load %arg9[%swap3A_880, %swap3A_881] {strides = array<i32>} : memref<100x128xf32, #tpu.memory_space<vmem>>, vector<1x16xf32>,
        %swap3A_883 = vector.shape_cast %swap3A_882 : vector<1x16xf32> to vector<16xf32>
        %swap3A_884 = vector.shape_cast %mul3A_879 : vector<16xf32> to vector<1x16xf32>
        tpu.vector_store %arg9[%swap3A_880, %swap3A_881], %swap3A_884 {strides = array<i32>} : memref<100x128xf32, #tpu.memory_space<vmem>>, vector<1x16xf32>,
        %get3A_885 = arith.index_cast %scan3A_802 : i32 to index
        %get3A_886 = arith.constant 112 : index
        %get3A_887 = tpu.vector_load %arg9[%get3A_885, %get3A_886] {strides = array<i32>} : memref<100x128xf32, #tpu.memory_space<vmem>>, vector<1x16xf32>,
        %get3A_888 = vector.shape_cast %get3A_887 : vector<1x16xf32> to vector<16xf32>
        %mul3A_889 = arith.constant 11.3137083 : f32
        %mul3A_890 = vector.broadcast %mul3A_889 : f32 to vector<16xf32>
        %mul3A_891 = arith.mulf %get3A_888, %mul3A_890 : vector<16xf32>
        %swap3A_892 = arith.index_cast %scan3A_802 : i32 to index
        %swap3A_893 = arith.constant 112 : index
        %swap3A_894 = tpu.vector_load %arg9[%swap3A_892, %swap3A_893] {strides = array<i32>} : memref<100x128xf32, #tpu.memory_space<vmem>>, vector<1x16xf32>,
        %swap3A_895 = vector.shape_cast %swap3A_894 : vector<1x16xf32> to vector<16xf32>
        %swap3A_896 = vector.shape_cast %mul3A_891 : vector<16xf32> to vector<1x16xf32>
        tpu.vector_store %arg9[%swap3A_892, %swap3A_893], %swap3A_896 {strides = array<i32>} : memref<100x128xf32, #tpu.memory_space<vmem>>, vector<1x16xf32>,
      }
      %scan3A_517 = arith.constant 100 : i32
      %mul3A_518 = arith.constant 128 : i32
      %mul3A_519 = arith.muli %add3A, %mul3A_518 : i32
      %mul3A_520 = arith.constant 2 : i32
      %mul3A_521 = arith.muli %add3A_505, %mul3A_520 : i32
      %add3A_522 = arith.addi %mul3A_519, %mul3A_521 : i32
      %dma_start3A_523 = arith.constant 0 : i32
      %dma_start3A_524 = arith.constant 0 : i32
      %dma_start3A_525 = tpu.memref_slice %arg9[%dma_start3A_523, %dma_start3A_524] : memref<100x128xf32, #tpu.memory_space<vmem>> -> memref<50x128xf32, #tpu.memory_space<vmem>>
      %dma_start3A_526 = arith.constant 0 : i32
      %dma_start3A_527 = arith.constant 0 : i32
      %dma_start3A_528 = tpu.memref_slice %arg4[%add3A_522, %dma_start3A_526, %dma_start3A_527] : memref<4096x50x128xf32, #tpu.memory_space<hbm>> -> memref<1x50x128xf32, #tpu.memory_space<hbm>>
      %dma_start3A_529 = tpu.memref_squeeze %dma_start3A_528 : memref<1x50x128xf32, #tpu.memory_space<hbm>> -> memref<50x128xf32, #tpu.memory_space<hbm>>
      %dma_start3A_530 = arith.constant 0 : i32
      %dma_start3A_531 = arith.constant 0 : i32
      %dma_start3A_532 = tpu.memref_slice %arg4[%add3A_522, %dma_start3A_530, %dma_start3A_531] : memref<4096x50x128xf32, #tpu.memory_space<hbm>> -> memref<1x50x128xf32, #tpu.memory_space<hbm>>
      %dma_start3A_533 = tpu.memref_squeeze %dma_start3A_532 : memref<1x50x128xf32, #tpu.memory_space<hbm>> -> memref<50x128xf32, #tpu.memory_space<hbm>>
      %dma_start3A_534 = arith.constant 0 : i32
      %dma_start3A_535 = arith.constant 0 : i32
      %dma_start3A_536 = tpu.memref_slice %arg9[%dma_start3A_534, %dma_start3A_535] : memref<100x128xf32, #tpu.memory_space<vmem>> -> memref<50x128xf32, #tpu.memory_space<vmem>>
      tpu.enqueue_dma source(%dma_start3A_536 : memref<50x128xf32, #tpu.memory_space<vmem>>) target(%dma_start3A_533 : memref<50x128xf32, #tpu.memory_space<hbm>>) target_semaphore(%arg25 : memref<!tpu.dma_semaphore, #tpu.memory_space<semaphore_mem>>)
      %add3A_537 = arith.constant 1 : i32
      %add3A_538 = arith.addi %add3A_522, %add3A_537 : i32
      %dma_start3A_539 = arith.constant 50 : i32
      %dma_start3A_540 = arith.constant 0 : i32
      %dma_start3A_541 = tpu.memref_slice %arg9[%dma_start3A_539, %dma_start3A_540] : memref<100x128xf32, #tpu.memory_space<vmem>> -> memref<50x128xf32, #tpu.memory_space<vmem>>
      %dma_start3A_542 = arith.constant 0 : i32
      %dma_start3A_543 = arith.constant 0 : i32
      %dma_start3A_544 = tpu.memref_slice %arg4[%add3A_538, %dma_start3A_542, %dma_start3A_543] : memref<4096x50x128xf32, #tpu.memory_space<hbm>> -> memref<1x50x128xf32, #tpu.memory_space<hbm>>
      %dma_start3A_545 = tpu.memref_squeeze %dma_start3A_544 : memref<1x50x128xf32, #tpu.memory_space<hbm>> -> memref<50x128xf32, #tpu.memory_space<hbm>>
      %dma_start3A_546 = arith.constant 0 : i32
      %dma_start3A_547 = arith.constant 0 : i32
      %dma_start3A_548 = tpu.memref_slice %arg4[%add3A_538, %dma_start3A_546, %dma_start3A_547] : memref<4096x50x128xf32, #tpu.memory_space<hbm>> -> memref<1x50x128xf32, #tpu.memory_space<hbm>>
      %dma_start3A_549 = tpu.memref_squeeze %dma_start3A_548 : memref<1x50x128xf32, #tpu.memory_space<hbm>> -> memref<50x128xf32, #tpu.memory_space<hbm>>
      %dma_start3A_550 = arith.constant 50 : i32
      %dma_start3A_551 = arith.constant 0 : i32
      %dma_start3A_552 = tpu.memref_slice %arg9[%dma_start3A_550, %dma_start3A_551] : memref<100x128xf32, #tpu.memory_space<vmem>> -> memref<50x128xf32, #tpu.memory_space<vmem>>
      tpu.enqueue_dma source(%dma_start3A_552 : memref<50x128xf32, #tpu.memory_space<vmem>>) target(%dma_start3A_549 : memref<50x128xf32, #tpu.memory_space<hbm>>) target_semaphore(%arg25 : memref<!tpu.dma_semaphore, #tpu.memory_space<semaphore_mem>>)
      %add3A_553 = arith.constant 8 : i32
      %add3A_554 = arith.addi %add3A_505, %add3A_553 : i32
      %sub3A_555 = arith.constant 1 : i32
      %sub3A_556 = arith.subi %add3A_554, %sub3A_555 : i32
      %lt3A_557 = arith.constant 64 : i32
      %lt3A_558 = arith.cmpi slt, %sub3A_556, %lt3A_557 : i32
      %convert_element_type3A_559 = arith.extui %lt3A_558 : i1 to i32
      %cond3A_560 = arith.constant 0 : i32
      %cond3A_561 = arith.cmpi ne, %convert_element_type3A_559, %cond3A_560 : i32
      scf.if %cond3A_561 {
        %ge3A = arith.constant 1 : i32
        %ge3A_802 = arith.cmpi sge, %add3A_505, %ge3A : i32
        %convert_element_type3A_803 = arith.extui %ge3A_802 : i1 to i32
        %cond3A_804 = arith.constant 0 : i32
        %cond3A_805 = arith.cmpi ne, %convert_element_type3A_803, %cond3A_804 : i32
        scf.if %cond3A_805 {
          %sub3A_816 = arith.constant 1 : i32
          %sub3A_817 = arith.subi %add3A_505, %sub3A_816 : i32
          %mul3A_818 = arith.constant 128 : i32
          %mul3A_819 = arith.muli %add3A, %mul3A_818 : i32
          %mul3A_820 = arith.constant 2 : i32
          %mul3A_821 = arith.muli %sub3A_817, %mul3A_820 : i32
          %add3A_822 = arith.addi %mul3A_819, %mul3A_821 : i32
          %dma_wait3A_823 = arith.constant 0 : i32
          %dma_wait3A_824 = arith.constant 0 : i32
          %dma_wait3A_825 = tpu.memref_slice %arg8[%dma_wait3A_823, %dma_wait3A_824] : memref<100x128xf32, #tpu.memory_space<vmem>> -> memref<50x128xf32, #tpu.memory_space<vmem>>
          %dma_wait3A_826 = arith.constant 0 : i32
          %dma_wait3A_827 = arith.constant 0 : i32
          %dma_wait3A_828 = tpu.memref_slice %arg4[%add3A_822, %dma_wait3A_826, %dma_wait3A_827] : memref<4096x50x128xf32, #tpu.memory_space<hbm>> -> memref<1x50x128xf32, #tpu.memory_space<hbm>>
          %dma_wait3A_829 = tpu.memref_squeeze %dma_wait3A_828 : memref<1x50x128xf32, #tpu.memory_space<hbm>> -> memref<50x128xf32, #tpu.memory_space<hbm>>
          %dma_wait3A_830 = arith.constant 0 : i32
          %dma_wait3A_831 = arith.constant 0 : i32
          %dma_wait3A_832 = tpu.memref_slice %arg4[%add3A_822, %dma_wait3A_830, %dma_wait3A_831] : memref<4096x50x128xf32, #tpu.memory_space<hbm>> -> memref<1x50x128xf32, #tpu.memory_space<hbm>>
          %dma_wait3A_833 = tpu.memref_squeeze %dma_wait3A_832 : memref<1x50x128xf32, #tpu.memory_space<hbm>> -> memref<50x128xf32, #tpu.memory_space<hbm>>
          %dma_wait3A_834 = arith.constant 0 : i32
          %dma_wait3A_835 = arith.constant 0 : i32
          %dma_wait3A_836 = tpu.memref_slice %arg8[%dma_wait3A_834, %dma_wait3A_835] : memref<100x128xf32, #tpu.memory_space<vmem>> -> memref<50x128xf32, #tpu.memory_space<vmem>>
          tpu.wait_dma2 semaphore(%arg24 : memref<!tpu.dma_semaphore, #tpu.memory_space<semaphore_mem>>) src(%dma_wait3A_836 : memref<50x128xf32, #tpu.memory_space<vmem>>) dst(%dma_wait3A_833 : memref<50x128xf32, #tpu.memory_space<hbm>>)
          %add3A_837 = arith.constant 1 : i32
          %add3A_838 = arith.addi %add3A_822, %add3A_837 : i32
          %dma_wait3A_839 = arith.constant 50 : i32
          %dma_wait3A_840 = arith.constant 0 : i32
          %dma_wait3A_841 = tpu.memref_slice %arg8[%dma_wait3A_839, %dma_wait3A_840] : memref<100x128xf32, #tpu.memory_space<vmem>> -> memref<50x128xf32, #tpu.memory_space<vmem>>
          %dma_wait3A_842 = arith.constant 0 : i32
          %dma_wait3A_843 = arith.constant 0 : i32
          %dma_wait3A_844 = tpu.memref_slice %arg4[%add3A_838, %dma_wait3A_842, %dma_wait3A_843] : memref<4096x50x128xf32, #tpu.memory_space<hbm>> -> memref<1x50x128xf32, #tpu.memory_space<hbm>>
          %dma_wait3A_845 = tpu.memref_squeeze %dma_wait3A_844 : memref<1x50x128xf32, #tpu.memory_space<hbm>> -> memref<50x128xf32, #tpu.memory_space<hbm>>
          %dma_wait3A_846 = arith.constant 0 : i32
          %dma_wait3A_847 = arith.constant 0 : i32
          %dma_wait3A_848 = tpu.memref_slice %arg4[%add3A_838, %dma_wait3A_846, %dma_wait3A_847] : memref<4096x50x128xf32, #tpu.memory_space<hbm>> -> memref<1x50x128xf32, #tpu.memory_space<hbm>>
          %dma_wait3A_849 = tpu.memref_squeeze %dma_wait3A_848 : memref<1x50x128xf32, #tpu.memory_space<hbm>> -> memref<50x128xf32, #tpu.memory_space<hbm>>
          %dma_wait3A_850 = arith.constant 50 : i32
          %dma_wait3A_851 = arith.constant 0 : i32
          %dma_wait3A_852 = tpu.memref_slice %arg8[%dma_wait3A_850, %dma_wait3A_851] : memref<100x128xf32, #tpu.memory_space<vmem>> -> memref<50x128xf32, #tpu.memory_space<vmem>>
          tpu.wait_dma2 semaphore(%arg24 : memref<!tpu.dma_semaphore, #tpu.memory_space<semaphore_mem>>) src(%dma_wait3A_852 : memref<50x128xf32, #tpu.memory_space<vmem>>) dst(%dma_wait3A_849 : memref<50x128xf32, #tpu.memory_space<hbm>>)
        } else {
        }
        %add3A_806 = arith.constant 8 : i32
        %add3A_807 = arith.addi %add3A_505, %add3A_806 : i32
        %sub3A_808 = arith.constant 1 : i32
        %sub3A_809 = arith.subi %add3A_807, %sub3A_808 : i32
        %dma_start3A_810 = arith.constant 0 : i32
        %dma_start3A_811 = tpu.memref_slice %arg5[%sub3A_809, %dma_start3A_810] : memref<64x100xi32, #tpu.memory_space<vmem>> -> memref<1x100xi32, #tpu.memory_space<vmem>>
        %dma_start3A_812 = tpu.memref_squeeze %dma_start3A_811 : memref<1x100xi32, #tpu.memory_space<vmem>> -> memref<100xi32, #tpu.memory_space<vmem>>
        %dma_start3A_813 = arith.constant 0 : i32
        %dma_start3A_814 = arith.constant 0 : i32
        %dma_start3A_815 = tpu.memref_slice %arg3[%dma_start3A_813, %dma_start3A_814] : memref<100000x128xf32, #tpu.memory_space<hbm>> -> memref<100000x128xf32, #tpu.memory_space<hbm>>
        tpu.enqueue_indirect_dma source(%dma_start3A_815 : memref<100000x128xf32, #tpu.memory_space<hbm>>) target(%arg8 : memref<100x128xf32, #tpu.memory_space<vmem>>) offsets(%dma_start3A_812 : memref<100xi32, #tpu.memory_space<vmem>>) semaphore(%arg16 : memref<!tpu.dma_semaphore, #tpu.memory_space<semaphore_mem>>)
      } else {
      }
      %mul3A_562 = arith.constant 8 : i32
      %mul3A_563 = arith.muli %mul3A_562, %scan3A_325 : i32
      %add3A_564 = arith.constant 4 : i32
      %add3A_565 = arith.addi %mul3A_563, %add3A_564 : i32
      %dma_wait3A_566 = arith.constant 0 : i32
      %dma_wait3A_567 = tpu.memref_slice %arg5[%add3A_565, %dma_wait3A_566] : memref<64x100xi32, #tpu.memory_space<vmem>> -> memref<1x100xi32, #tpu.memory_space<vmem>>
      %dma_wait3A_568 = tpu.memref_squeeze %dma_wait3A_567 : memref<1x100xi32, #tpu.memory_space<vmem>> -> memref<100xi32, #tpu.memory_space<vmem>>
      %dma_wait3A_569 = arith.constant 0 : i32
      %dma_wait3A_570 = arith.constant 0 : i32
      %dma_wait3A_571 = tpu.memref_slice %arg3[%dma_wait3A_569, %dma_wait3A_570] : memref<100000x128xf32, #tpu.memory_space<hbm>> -> memref<100000x128xf32, #tpu.memory_space<hbm>>
      tpu.wait_indirect_dma semaphore(%arg18 : memref<!tpu.dma_semaphore, #tpu.memory_space<semaphore_mem>>) src(%dma_wait3A_571 : memref<100000x128xf32, #tpu.memory_space<hbm>>) dst(%arg10 : memref<100x128xf32, #tpu.memory_space<vmem>>)
      %scan3A_572 = arith.constant 0 : i32
      %scan3A_573 = arith.constant 0 : i32
      %scan3A_574 = arith.constant 100 : i32
      %scan3A_575 = arith.addi %scan3A_573, %scan3A_574 : i32
      %scan3A_576 = arith.constant 1 : i32
      scf.for %scan3A_802 = %scan3A_573 to %scan3A_575 step %scan3A_576  : i32 {
        %get3A = arith.index_cast %scan3A_802 : i32 to index
        %get3A_803 = arith.constant 0 : index
        %get3A_804 = tpu.vector_load %arg10[%get3A, %get3A_803] {strides = array<i32>} : memref<100x128xf32, #tpu.memory_space<vmem>>, vector<1x16xf32>,
        %get3A_805 = vector.shape_cast %get3A_804 : vector<1x16xf32> to vector<16xf32>
        %mul3A_806 = arith.constant 11.3137083 : f32
        %mul3A_807 = vector.broadcast %mul3A_806 : f32 to vector<16xf32>
        %mul3A_808 = arith.mulf %get3A_805, %mul3A_807 : vector<16xf32>
        %swap3A = arith.index_cast %scan3A_802 : i32 to index
        %swap3A_809 = arith.constant 0 : index
        %swap3A_810 = tpu.vector_load %arg10[%swap3A, %swap3A_809] {strides = array<i32>} : memref<100x128xf32, #tpu.memory_space<vmem>>, vector<1x16xf32>,
        %swap3A_811 = vector.shape_cast %swap3A_810 : vector<1x16xf32> to vector<16xf32>
        %swap3A_812 = vector.shape_cast %mul3A_808 : vector<16xf32> to vector<1x16xf32>
        tpu.vector_store %arg10[%swap3A, %swap3A_809], %swap3A_812 {strides = array<i32>} : memref<100x128xf32, #tpu.memory_space<vmem>>, vector<1x16xf32>,
        %get3A_813 = arith.index_cast %scan3A_802 : i32 to index
        %get3A_814 = arith.constant 16 : index
        %get3A_815 = tpu.vector_load %arg10[%get3A_813, %get3A_814] {strides = array<i32>} : memref<100x128xf32, #tpu.memory_space<vmem>>, vector<1x16xf32>,
        %get3A_816 = vector.shape_cast %get3A_815 : vector<1x16xf32> to vector<16xf32>
        %mul3A_817 = arith.constant 11.3137083 : f32
        %mul3A_818 = vector.broadcast %mul3A_817 : f32 to vector<16xf32>
        %mul3A_819 = arith.mulf %get3A_816, %mul3A_818 : vector<16xf32>
        %swap3A_820 = arith.index_cast %scan3A_802 : i32 to index
        %swap3A_821 = arith.constant 16 : index
        %swap3A_822 = tpu.vector_load %arg10[%swap3A_820, %swap3A_821] {strides = array<i32>} : memref<100x128xf32, #tpu.memory_space<vmem>>, vector<1x16xf32>,
        %swap3A_823 = vector.shape_cast %swap3A_822 : vector<1x16xf32> to vector<16xf32>
        %swap3A_824 = vector.shape_cast %mul3A_819 : vector<16xf32> to vector<1x16xf32>
        tpu.vector_store %arg10[%swap3A_820, %swap3A_821], %swap3A_824 {strides = array<i32>} : memref<100x128xf32, #tpu.memory_space<vmem>>, vector<1x16xf32>,
        %get3A_825 = arith.index_cast %scan3A_802 : i32 to index
        %get3A_826 = arith.constant 32 : index
        %get3A_827 = tpu.vector_load %arg10[%get3A_825, %get3A_826] {strides = array<i32>} : memref<100x128xf32, #tpu.memory_space<vmem>>, vector<1x16xf32>,
        %get3A_828 = vector.shape_cast %get3A_827 : vector<1x16xf32> to vector<16xf32>
        %mul3A_829 = arith.constant 11.3137083 : f32
        %mul3A_830 = vector.broadcast %mul3A_829 : f32 to vector<16xf32>
        %mul3A_831 = arith.mulf %get3A_828, %mul3A_830 : vector<16xf32>
        %swap3A_832 = arith.index_cast %scan3A_802 : i32 to index
        %swap3A_833 = arith.constant 32 : index
        %swap3A_834 = tpu.vector_load %arg10[%swap3A_832, %swap3A_833] {strides = array<i32>} : memref<100x128xf32, #tpu.memory_space<vmem>>, vector<1x16xf32>,
        %swap3A_835 = vector.shape_cast %swap3A_834 : vector<1x16xf32> to vector<16xf32>
        %swap3A_836 = vector.shape_cast %mul3A_831 : vector<16xf32> to vector<1x16xf32>
        tpu.vector_store %arg10[%swap3A_832, %swap3A_833], %swap3A_836 {strides = array<i32>} : memref<100x128xf32, #tpu.memory_space<vmem>>, vector<1x16xf32>,
        %get3A_837 = arith.index_cast %scan3A_802 : i32 to index
        %get3A_838 = arith.constant 48 : index
        %get3A_839 = tpu.vector_load %arg10[%get3A_837, %get3A_838] {strides = array<i32>} : memref<100x128xf32, #tpu.memory_space<vmem>>, vector<1x16xf32>,
        %get3A_840 = vector.shape_cast %get3A_839 : vector<1x16xf32> to vector<16xf32>
        %mul3A_841 = arith.constant 11.3137083 : f32
        %mul3A_842 = vector.broadcast %mul3A_841 : f32 to vector<16xf32>
        %mul3A_843 = arith.mulf %get3A_840, %mul3A_842 : vector<16xf32>
        %swap3A_844 = arith.index_cast %scan3A_802 : i32 to index
        %swap3A_845 = arith.constant 48 : index
        %swap3A_846 = tpu.vector_load %arg10[%swap3A_844, %swap3A_845] {strides = array<i32>} : memref<100x128xf32, #tpu.memory_space<vmem>>, vector<1x16xf32>,
        %swap3A_847 = vector.shape_cast %swap3A_846 : vector<1x16xf32> to vector<16xf32>
        %swap3A_848 = vector.shape_cast %mul3A_843 : vector<16xf32> to vector<1x16xf32>
        tpu.vector_store %arg10[%swap3A_844, %swap3A_845], %swap3A_848 {strides = array<i32>} : memref<100x128xf32, #tpu.memory_space<vmem>>, vector<1x16xf32>,
        %get3A_849 = arith.index_cast %scan3A_802 : i32 to index
        %get3A_850 = arith.constant 64 : index
        %get3A_851 = tpu.vector_load %arg10[%get3A_849, %get3A_850] {strides = array<i32>} : memref<100x128xf32, #tpu.memory_space<vmem>>, vector<1x16xf32>,
        %get3A_852 = vector.shape_cast %get3A_851 : vector<1x16xf32> to vector<16xf32>
        %mul3A_853 = arith.constant 11.3137083 : f32
        %mul3A_854 = vector.broadcast %mul3A_853 : f32 to vector<16xf32>
        %mul3A_855 = arith.mulf %get3A_852, %mul3A_854 : vector<16xf32>
        %swap3A_856 = arith.index_cast %scan3A_802 : i32 to index
        %swap3A_857 = arith.constant 64 : index
        %swap3A_858 = tpu.vector_load %arg10[%swap3A_856, %swap3A_857] {strides = array<i32>} : memref<100x128xf32, #tpu.memory_space<vmem>>, vector<1x16xf32>,
        %swap3A_859 = vector.shape_cast %swap3A_858 : vector<1x16xf32> to vector<16xf32>
        %swap3A_860 = vector.shape_cast %mul3A_855 : vector<16xf32> to vector<1x16xf32>
        tpu.vector_store %arg10[%swap3A_856, %swap3A_857], %swap3A_860 {strides = array<i32>} : memref<100x128xf32, #tpu.memory_space<vmem>>, vector<1x16xf32>,
        %get3A_861 = arith.index_cast %scan3A_802 : i32 to index
        %get3A_862 = arith.constant 80 : index
        %get3A_863 = tpu.vector_load %arg10[%get3A_861, %get3A_862] {strides = array<i32>} : memref<100x128xf32, #tpu.memory_space<vmem>>, vector<1x16xf32>,
        %get3A_864 = vector.shape_cast %get3A_863 : vector<1x16xf32> to vector<16xf32>
        %mul3A_865 = arith.constant 11.3137083 : f32
        %mul3A_866 = vector.broadcast %mul3A_865 : f32 to vector<16xf32>
        %mul3A_867 = arith.mulf %get3A_864, %mul3A_866 : vector<16xf32>
        %swap3A_868 = arith.index_cast %scan3A_802 : i32 to index
        %swap3A_869 = arith.constant 80 : index
        %swap3A_870 = tpu.vector_load %arg10[%swap3A_868, %swap3A_869] {strides = array<i32>} : memref<100x128xf32, #tpu.memory_space<vmem>>, vector<1x16xf32>,
        %swap3A_871 = vector.shape_cast %swap3A_870 : vector<1x16xf32> to vector<16xf32>
        %swap3A_872 = vector.shape_cast %mul3A_867 : vector<16xf32> to vector<1x16xf32>
        tpu.vector_store %arg10[%swap3A_868, %swap3A_869], %swap3A_872 {strides = array<i32>} : memref<100x128xf32, #tpu.memory_space<vmem>>, vector<1x16xf32>,
        %get3A_873 = arith.index_cast %scan3A_802 : i32 to index
        %get3A_874 = arith.constant 96 : index
        %get3A_875 = tpu.vector_load %arg10[%get3A_873, %get3A_874] {strides = array<i32>} : memref<100x128xf32, #tpu.memory_space<vmem>>, vector<1x16xf32>,
        %get3A_876 = vector.shape_cast %get3A_875 : vector<1x16xf32> to vector<16xf32>
        %mul3A_877 = arith.constant 11.3137083 : f32
        %mul3A_878 = vector.broadcast %mul3A_877 : f32 to vector<16xf32>
        %mul3A_879 = arith.mulf %get3A_876, %mul3A_878 : vector<16xf32>
        %swap3A_880 = arith.index_cast %scan3A_802 : i32 to index
        %swap3A_881 = arith.constant 96 : index
        %swap3A_882 = tpu.vector_load %arg10[%swap3A_880, %swap3A_881] {strides = array<i32>} : memref<100x128xf32, #tpu.memory_space<vmem>>, vector<1x16xf32>,
        %swap3A_883 = vector.shape_cast %swap3A_882 : vector<1x16xf32> to vector<16xf32>
        %swap3A_884 = vector.shape_cast %mul3A_879 : vector<16xf32> to vector<1x16xf32>
        tpu.vector_store %arg10[%swap3A_880, %swap3A_881], %swap3A_884 {strides = array<i32>} : memref<100x128xf32, #tpu.memory_space<vmem>>, vector<1x16xf32>,
        %get3A_885 = arith.index_cast %scan3A_802 : i32 to index
        %get3A_886 = arith.constant 112 : index
        %get3A_887 = tpu.vector_load %arg10[%get3A_885, %get3A_886] {strides = array<i32>} : memref<100x128xf32, #tpu.memory_space<vmem>>, vector<1x16xf32>,
        %get3A_888 = vector.shape_cast %get3A_887 : vector<1x16xf32> to vector<16xf32>
        %mul3A_889 = arith.constant 11.3137083 : f32
        %mul3A_890 = vector.broadcast %mul3A_889 : f32 to vector<16xf32>
        %mul3A_891 = arith.mulf %get3A_888, %mul3A_890 : vector<16xf32>
        %swap3A_892 = arith.index_cast %scan3A_802 : i32 to index
        %swap3A_893 = arith.constant 112 : index
        %swap3A_894 = tpu.vector_load %arg10[%swap3A_892, %swap3A_893] {strides = array<i32>} : memref<100x128xf32, #tpu.memory_space<vmem>>, vector<1x16xf32>,
        %swap3A_895 = vector.shape_cast %swap3A_894 : vector<1x16xf32> to vector<16xf32>
        %swap3A_896 = vector.shape_cast %mul3A_891 : vector<16xf32> to vector<1x16xf32>
        tpu.vector_store %arg10[%swap3A_892, %swap3A_893], %swap3A_896 {strides = array<i32>} : memref<100x128xf32, #tpu.memory_space<vmem>>, vector<1x16xf32>,
      }
      %scan3A_577 = arith.constant 100 : i32
      %mul3A_578 = arith.constant 128 : i32
      %mul3A_579 = arith.muli %add3A, %mul3A_578 : i32
      %mul3A_580 = arith.constant 2 : i32
      %mul3A_581 = arith.muli %add3A_565, %mul3A_580 : i32
      %add3A_582 = arith.addi %mul3A_579, %mul3A_581 : i32
      %dma_start3A_583 = arith.constant 0 : i32
      %dma_start3A_584 = arith.constant 0 : i32
      %dma_start3A_585 = tpu.memref_slice %arg10[%dma_start3A_583, %dma_start3A_584] : memref<100x128xf32, #tpu.memory_space<vmem>> -> memref<50x128xf32, #tpu.memory_space<vmem>>
      %dma_start3A_586 = arith.constant 0 : i32
      %dma_start3A_587 = arith.constant 0 : i32
      %dma_start3A_588 = tpu.memref_slice %arg4[%add3A_582, %dma_start3A_586, %dma_start3A_587] : memref<4096x50x128xf32, #tpu.memory_space<hbm>> -> memref<1x50x128xf32, #tpu.memory_space<hbm>>
      %dma_start3A_589 = tpu.memref_squeeze %dma_start3A_588 : memref<1x50x128xf32, #tpu.memory_space<hbm>> -> memref<50x128xf32, #tpu.memory_space<hbm>>
      %dma_start3A_590 = arith.constant 0 : i32
      %dma_start3A_591 = arith.constant 0 : i32
      %dma_start3A_592 = tpu.memref_slice %arg4[%add3A_582, %dma_start3A_590, %dma_start3A_591] : memref<4096x50x128xf32, #tpu.memory_space<hbm>> -> memref<1x50x128xf32, #tpu.memory_space<hbm>>
      %dma_start3A_593 = tpu.memref_squeeze %dma_start3A_592 : memref<1x50x128xf32, #tpu.memory_space<hbm>> -> memref<50x128xf32, #tpu.memory_space<hbm>>
      %dma_start3A_594 = arith.constant 0 : i32
      %dma_start3A_595 = arith.constant 0 : i32
      %dma_start3A_596 = tpu.memref_slice %arg10[%dma_start3A_594, %dma_start3A_595] : memref<100x128xf32, #tpu.memory_space<vmem>> -> memref<50x128xf32, #tpu.memory_space<vmem>>
      tpu.enqueue_dma source(%dma_start3A_596 : memref<50x128xf32, #tpu.memory_space<vmem>>) target(%dma_start3A_593 : memref<50x128xf32, #tpu.memory_space<hbm>>) target_semaphore(%arg26 : memref<!tpu.dma_semaphore, #tpu.memory_space<semaphore_mem>>)
      %add3A_597 = arith.constant 1 : i32
      %add3A_598 = arith.addi %add3A_582, %add3A_597 : i32
      %dma_start3A_599 = arith.constant 50 : i32
      %dma_start3A_600 = arith.constant 0 : i32
      %dma_start3A_601 = tpu.memref_slice %arg10[%dma_start3A_599, %dma_start3A_600] : memref<100x128xf32, #tpu.memory_space<vmem>> -> memref<50x128xf32, #tpu.memory_space<vmem>>
      %dma_start3A_602 = arith.constant 0 : i32
      %dma_start3A_603 = arith.constant 0 : i32
      %dma_start3A_604 = tpu.memref_slice %arg4[%add3A_598, %dma_start3A_602, %dma_start3A_603] : memref<4096x50x128xf32, #tpu.memory_space<hbm>> -> memref<1x50x128xf32, #tpu.memory_space<hbm>>
      %dma_start3A_605 = tpu.memref_squeeze %dma_start3A_604 : memref<1x50x128xf32, #tpu.memory_space<hbm>> -> memref<50x128xf32, #tpu.memory_space<hbm>>
      %dma_start3A_606 = arith.constant 0 : i32
      %dma_start3A_607 = arith.constant 0 : i32
      %dma_start3A_608 = tpu.memref_slice %arg4[%add3A_598, %dma_start3A_606, %dma_start3A_607] : memref<4096x50x128xf32, #tpu.memory_space<hbm>> -> memref<1x50x128xf32, #tpu.memory_space<hbm>>
      %dma_start3A_609 = tpu.memref_squeeze %dma_start3A_608 : memref<1x50x128xf32, #tpu.memory_space<hbm>> -> memref<50x128xf32, #tpu.memory_space<hbm>>
      %dma_start3A_610 = arith.constant 50 : i32
      %dma_start3A_611 = arith.constant 0 : i32
      %dma_start3A_612 = tpu.memref_slice %arg10[%dma_start3A_610, %dma_start3A_611] : memref<100x128xf32, #tpu.memory_space<vmem>> -> memref<50x128xf32, #tpu.memory_space<vmem>>
      tpu.enqueue_dma source(%dma_start3A_612 : memref<50x128xf32, #tpu.memory_space<vmem>>) target(%dma_start3A_609 : memref<50x128xf32, #tpu.memory_space<hbm>>) target_semaphore(%arg26 : memref<!tpu.dma_semaphore, #tpu.memory_space<semaphore_mem>>)
      %add3A_613 = arith.constant 8 : i32
      %add3A_614 = arith.addi %add3A_565, %add3A_613 : i32
      %sub3A_615 = arith.constant 1 : i32
      %sub3A_616 = arith.subi %add3A_614, %sub3A_615 : i32
      %lt3A_617 = arith.constant 64 : i32
      %lt3A_618 = arith.cmpi slt, %sub3A_616, %lt3A_617 : i32
      %convert_element_type3A_619 = arith.extui %lt3A_618 : i1 to i32
      %cond3A_620 = arith.constant 0 : i32
      %cond3A_621 = arith.cmpi ne, %convert_element_type3A_619, %cond3A_620 : i32
      scf.if %cond3A_621 {
        %ge3A = arith.constant 1 : i32
        %ge3A_802 = arith.cmpi sge, %add3A_565, %ge3A : i32
        %convert_element_type3A_803 = arith.extui %ge3A_802 : i1 to i32
        %cond3A_804 = arith.constant 0 : i32
        %cond3A_805 = arith.cmpi ne, %convert_element_type3A_803, %cond3A_804 : i32
        scf.if %cond3A_805 {
          %sub3A_816 = arith.constant 1 : i32
          %sub3A_817 = arith.subi %add3A_565, %sub3A_816 : i32
          %mul3A_818 = arith.constant 128 : i32
          %mul3A_819 = arith.muli %add3A, %mul3A_818 : i32
          %mul3A_820 = arith.constant 2 : i32
          %mul3A_821 = arith.muli %sub3A_817, %mul3A_820 : i32
          %add3A_822 = arith.addi %mul3A_819, %mul3A_821 : i32
          %dma_wait3A_823 = arith.constant 0 : i32
          %dma_wait3A_824 = arith.constant 0 : i32
          %dma_wait3A_825 = tpu.memref_slice %arg9[%dma_wait3A_823, %dma_wait3A_824] : memref<100x128xf32, #tpu.memory_space<vmem>> -> memref<50x128xf32, #tpu.memory_space<vmem>>
          %dma_wait3A_826 = arith.constant 0 : i32
          %dma_wait3A_827 = arith.constant 0 : i32
          %dma_wait3A_828 = tpu.memref_slice %arg4[%add3A_822, %dma_wait3A_826, %dma_wait3A_827] : memref<4096x50x128xf32, #tpu.memory_space<hbm>> -> memref<1x50x128xf32, #tpu.memory_space<hbm>>
          %dma_wait3A_829 = tpu.memref_squeeze %dma_wait3A_828 : memref<1x50x128xf32, #tpu.memory_space<hbm>> -> memref<50x128xf32, #tpu.memory_space<hbm>>
          %dma_wait3A_830 = arith.constant 0 : i32
          %dma_wait3A_831 = arith.constant 0 : i32
          %dma_wait3A_832 = tpu.memref_slice %arg4[%add3A_822, %dma_wait3A_830, %dma_wait3A_831] : memref<4096x50x128xf32, #tpu.memory_space<hbm>> -> memref<1x50x128xf32, #tpu.memory_space<hbm>>
          %dma_wait3A_833 = tpu.memref_squeeze %dma_wait3A_832 : memref<1x50x128xf32, #tpu.memory_space<hbm>> -> memref<50x128xf32, #tpu.memory_space<hbm>>
          %dma_wait3A_834 = arith.constant 0 : i32
          %dma_wait3A_835 = arith.constant 0 : i32
          %dma_wait3A_836 = tpu.memref_slice %arg9[%dma_wait3A_834, %dma_wait3A_835] : memref<100x128xf32, #tpu.memory_space<vmem>> -> memref<50x128xf32, #tpu.memory_space<vmem>>
          tpu.wait_dma2 semaphore(%arg25 : memref<!tpu.dma_semaphore, #tpu.memory_space<semaphore_mem>>) src(%dma_wait3A_836 : memref<50x128xf32, #tpu.memory_space<vmem>>) dst(%dma_wait3A_833 : memref<50x128xf32, #tpu.memory_space<hbm>>)
          %add3A_837 = arith.constant 1 : i32
          %add3A_838 = arith.addi %add3A_822, %add3A_837 : i32
          %dma_wait3A_839 = arith.constant 50 : i32
          %dma_wait3A_840 = arith.constant 0 : i32
          %dma_wait3A_841 = tpu.memref_slice %arg9[%dma_wait3A_839, %dma_wait3A_840] : memref<100x128xf32, #tpu.memory_space<vmem>> -> memref<50x128xf32, #tpu.memory_space<vmem>>
          %dma_wait3A_842 = arith.constant 0 : i32
          %dma_wait3A_843 = arith.constant 0 : i32
          %dma_wait3A_844 = tpu.memref_slice %arg4[%add3A_838, %dma_wait3A_842, %dma_wait3A_843] : memref<4096x50x128xf32, #tpu.memory_space<hbm>> -> memref<1x50x128xf32, #tpu.memory_space<hbm>>
          %dma_wait3A_845 = tpu.memref_squeeze %dma_wait3A_844 : memref<1x50x128xf32, #tpu.memory_space<hbm>> -> memref<50x128xf32, #tpu.memory_space<hbm>>
          %dma_wait3A_846 = arith.constant 0 : i32
          %dma_wait3A_847 = arith.constant 0 : i32
          %dma_wait3A_848 = tpu.memref_slice %arg4[%add3A_838, %dma_wait3A_846, %dma_wait3A_847] : memref<4096x50x128xf32, #tpu.memory_space<hbm>> -> memref<1x50x128xf32, #tpu.memory_space<hbm>>
          %dma_wait3A_849 = tpu.memref_squeeze %dma_wait3A_848 : memref<1x50x128xf32, #tpu.memory_space<hbm>> -> memref<50x128xf32, #tpu.memory_space<hbm>>
          %dma_wait3A_850 = arith.constant 50 : i32
          %dma_wait3A_851 = arith.constant 0 : i32
          %dma_wait3A_852 = tpu.memref_slice %arg9[%dma_wait3A_850, %dma_wait3A_851] : memref<100x128xf32, #tpu.memory_space<vmem>> -> memref<50x128xf32, #tpu.memory_space<vmem>>
          tpu.wait_dma2 semaphore(%arg25 : memref<!tpu.dma_semaphore, #tpu.memory_space<semaphore_mem>>) src(%dma_wait3A_852 : memref<50x128xf32, #tpu.memory_space<vmem>>) dst(%dma_wait3A_849 : memref<50x128xf32, #tpu.memory_space<hbm>>)
        } else {
        }
        %add3A_806 = arith.constant 8 : i32
        %add3A_807 = arith.addi %add3A_565, %add3A_806 : i32
        %sub3A_808 = arith.constant 1 : i32
        %sub3A_809 = arith.subi %add3A_807, %sub3A_808 : i32
        %dma_start3A_810 = arith.constant 0 : i32
        %dma_start3A_811 = tpu.memref_slice %arg5[%sub3A_809, %dma_start3A_810] : memref<64x100xi32, #tpu.memory_space<vmem>> -> memref<1x100xi32, #tpu.memory_space<vmem>>
        %dma_start3A_812 = tpu.memref_squeeze %dma_start3A_811 : memref<1x100xi32, #tpu.memory_space<vmem>> -> memref<100xi32, #tpu.memory_space<vmem>>
        %dma_start3A_813 = arith.constant 0 : i32
        %dma_start3A_814 = arith.constant 0 : i32
        %dma_start3A_815 = tpu.memref_slice %arg3[%dma_start3A_813, %dma_start3A_814] : memref<100000x128xf32, #tpu.memory_space<hbm>> -> memref<100000x128xf32, #tpu.memory_space<hbm>>
        tpu.enqueue_indirect_dma source(%dma_start3A_815 : memref<100000x128xf32, #tpu.memory_space<hbm>>) target(%arg9 : memref<100x128xf32, #tpu.memory_space<vmem>>) offsets(%dma_start3A_812 : memref<100xi32, #tpu.memory_space<vmem>>) semaphore(%arg17 : memref<!tpu.dma_semaphore, #tpu.memory_space<semaphore_mem>>)
      } else {
      }
      %mul3A_622 = arith.constant 8 : i32
      %mul3A_623 = arith.muli %mul3A_622, %scan3A_325 : i32
      %add3A_624 = arith.constant 5 : i32
      %add3A_625 = arith.addi %mul3A_623, %add3A_624 : i32
      %dma_wait3A_626 = arith.constant 0 : i32
      %dma_wait3A_627 = tpu.memref_slice %arg5[%add3A_625, %dma_wait3A_626] : memref<64x100xi32, #tpu.memory_space<vmem>> -> memref<1x100xi32, #tpu.memory_space<vmem>>
      %dma_wait3A_628 = tpu.memref_squeeze %dma_wait3A_627 : memref<1x100xi32, #tpu.memory_space<vmem>> -> memref<100xi32, #tpu.memory_space<vmem>>
      %dma_wait3A_629 = arith.constant 0 : i32
      %dma_wait3A_630 = arith.constant 0 : i32
      %dma_wait3A_631 = tpu.memref_slice %arg3[%dma_wait3A_629, %dma_wait3A_630] : memref<100000x128xf32, #tpu.memory_space<hbm>> -> memref<100000x128xf32, #tpu.memory_space<hbm>>
      tpu.wait_indirect_dma semaphore(%arg19 : memref<!tpu.dma_semaphore, #tpu.memory_space<semaphore_mem>>) src(%dma_wait3A_631 : memref<100000x128xf32, #tpu.memory_space<hbm>>) dst(%arg11 : memref<100x128xf32, #tpu.memory_space<vmem>>)
      %scan3A_632 = arith.constant 0 : i32
      %scan3A_633 = arith.constant 0 : i32
      %scan3A_634 = arith.constant 100 : i32
      %scan3A_635 = arith.addi %scan3A_633, %scan3A_634 : i32
      %scan3A_636 = arith.constant 1 : i32
      scf.for %scan3A_802 = %scan3A_633 to %scan3A_635 step %scan3A_636  : i32 {
        %get3A = arith.index_cast %scan3A_802 : i32 to index
        %get3A_803 = arith.constant 0 : index
        %get3A_804 = tpu.vector_load %arg11[%get3A, %get3A_803] {strides = array<i32>} : memref<100x128xf32, #tpu.memory_space<vmem>>, vector<1x16xf32>,
        %get3A_805 = vector.shape_cast %get3A_804 : vector<1x16xf32> to vector<16xf32>
        %mul3A_806 = arith.constant 11.3137083 : f32
        %mul3A_807 = vector.broadcast %mul3A_806 : f32 to vector<16xf32>
        %mul3A_808 = arith.mulf %get3A_805, %mul3A_807 : vector<16xf32>
        %swap3A = arith.index_cast %scan3A_802 : i32 to index
        %swap3A_809 = arith.constant 0 : index
        %swap3A_810 = tpu.vector_load %arg11[%swap3A, %swap3A_809] {strides = array<i32>} : memref<100x128xf32, #tpu.memory_space<vmem>>, vector<1x16xf32>,
        %swap3A_811 = vector.shape_cast %swap3A_810 : vector<1x16xf32> to vector<16xf32>
        %swap3A_812 = vector.shape_cast %mul3A_808 : vector<16xf32> to vector<1x16xf32>
        tpu.vector_store %arg11[%swap3A, %swap3A_809], %swap3A_812 {strides = array<i32>} : memref<100x128xf32, #tpu.memory_space<vmem>>, vector<1x16xf32>,
        %get3A_813 = arith.index_cast %scan3A_802 : i32 to index
        %get3A_814 = arith.constant 16 : index
        %get3A_815 = tpu.vector_load %arg11[%get3A_813, %get3A_814] {strides = array<i32>} : memref<100x128xf32, #tpu.memory_space<vmem>>, vector<1x16xf32>,
        %get3A_816 = vector.shape_cast %get3A_815 : vector<1x16xf32> to vector<16xf32>
        %mul3A_817 = arith.constant 11.3137083 : f32
        %mul3A_818 = vector.broadcast %mul3A_817 : f32 to vector<16xf32>
        %mul3A_819 = arith.mulf %get3A_816, %mul3A_818 : vector<16xf32>
        %swap3A_820 = arith.index_cast %scan3A_802 : i32 to index
        %swap3A_821 = arith.constant 16 : index
        %swap3A_822 = tpu.vector_load %arg11[%swap3A_820, %swap3A_821] {strides = array<i32>} : memref<100x128xf32, #tpu.memory_space<vmem>>, vector<1x16xf32>,
        %swap3A_823 = vector.shape_cast %swap3A_822 : vector<1x16xf32> to vector<16xf32>
        %swap3A_824 = vector.shape_cast %mul3A_819 : vector<16xf32> to vector<1x16xf32>
        tpu.vector_store %arg11[%swap3A_820, %swap3A_821], %swap3A_824 {strides = array<i32>} : memref<100x128xf32, #tpu.memory_space<vmem>>, vector<1x16xf32>,
        %get3A_825 = arith.index_cast %scan3A_802 : i32 to index
        %get3A_826 = arith.constant 32 : index
        %get3A_827 = tpu.vector_load %arg11[%get3A_825, %get3A_826] {strides = array<i32>} : memref<100x128xf32, #tpu.memory_space<vmem>>, vector<1x16xf32>,
        %get3A_828 = vector.shape_cast %get3A_827 : vector<1x16xf32> to vector<16xf32>
        %mul3A_829 = arith.constant 11.3137083 : f32
        %mul3A_830 = vector.broadcast %mul3A_829 : f32 to vector<16xf32>
        %mul3A_831 = arith.mulf %get3A_828, %mul3A_830 : vector<16xf32>
        %swap3A_832 = arith.index_cast %scan3A_802 : i32 to index
        %swap3A_833 = arith.constant 32 : index
        %swap3A_834 = tpu.vector_load %arg11[%swap3A_832, %swap3A_833] {strides = array<i32>} : memref<100x128xf32, #tpu.memory_space<vmem>>, vector<1x16xf32>,
        %swap3A_835 = vector.shape_cast %swap3A_834 : vector<1x16xf32> to vector<16xf32>
        %swap3A_836 = vector.shape_cast %mul3A_831 : vector<16xf32> to vector<1x16xf32>
        tpu.vector_store %arg11[%swap3A_832, %swap3A_833], %swap3A_836 {strides = array<i32>} : memref<100x128xf32, #tpu.memory_space<vmem>>, vector<1x16xf32>,
        %get3A_837 = arith.index_cast %scan3A_802 : i32 to index
        %get3A_838 = arith.constant 48 : index
        %get3A_839 = tpu.vector_load %arg11[%get3A_837, %get3A_838] {strides = array<i32>} : memref<100x128xf32, #tpu.memory_space<vmem>>, vector<1x16xf32>,
        %get3A_840 = vector.shape_cast %get3A_839 : vector<1x16xf32> to vector<16xf32>
        %mul3A_841 = arith.constant 11.3137083 : f32
        %mul3A_842 = vector.broadcast %mul3A_841 : f32 to vector<16xf32>
        %mul3A_843 = arith.mulf %get3A_840, %mul3A_842 : vector<16xf32>
        %swap3A_844 = arith.index_cast %scan3A_802 : i32 to index
        %swap3A_845 = arith.constant 48 : index
        %swap3A_846 = tpu.vector_load %arg11[%swap3A_844, %swap3A_845] {strides = array<i32>} : memref<100x128xf32, #tpu.memory_space<vmem>>, vector<1x16xf32>,
        %swap3A_847 = vector.shape_cast %swap3A_846 : vector<1x16xf32> to vector<16xf32>
        %swap3A_848 = vector.shape_cast %mul3A_843 : vector<16xf32> to vector<1x16xf32>
        tpu.vector_store %arg11[%swap3A_844, %swap3A_845], %swap3A_848 {strides = array<i32>} : memref<100x128xf32, #tpu.memory_space<vmem>>, vector<1x16xf32>,
        %get3A_849 = arith.index_cast %scan3A_802 : i32 to index
        %get3A_850 = arith.constant 64 : index
        %get3A_851 = tpu.vector_load %arg11[%get3A_849, %get3A_850] {strides = array<i32>} : memref<100x128xf32, #tpu.memory_space<vmem>>, vector<1x16xf32>,
        %get3A_852 = vector.shape_cast %get3A_851 : vector<1x16xf32> to vector<16xf32>
        %mul3A_853 = arith.constant 11.3137083 : f32
        %mul3A_854 = vector.broadcast %mul3A_853 : f32 to vector<16xf32>
        %mul3A_855 = arith.mulf %get3A_852, %mul3A_854 : vector<16xf32>
        %swap3A_856 = arith.index_cast %scan3A_802 : i32 to index
        %swap3A_857 = arith.constant 64 : index
        %swap3A_858 = tpu.vector_load %arg11[%swap3A_856, %swap3A_857] {strides = array<i32>} : memref<100x128xf32, #tpu.memory_space<vmem>>, vector<1x16xf32>,
        %swap3A_859 = vector.shape_cast %swap3A_858 : vector<1x16xf32> to vector<16xf32>
        %swap3A_860 = vector.shape_cast %mul3A_855 : vector<16xf32> to vector<1x16xf32>
        tpu.vector_store %arg11[%swap3A_856, %swap3A_857], %swap3A_860 {strides = array<i32>} : memref<100x128xf32, #tpu.memory_space<vmem>>, vector<1x16xf32>,
        %get3A_861 = arith.index_cast %scan3A_802 : i32 to index
        %get3A_862 = arith.constant 80 : index
        %get3A_863 = tpu.vector_load %arg11[%get3A_861, %get3A_862] {strides = array<i32>} : memref<100x128xf32, #tpu.memory_space<vmem>>, vector<1x16xf32>,
        %get3A_864 = vector.shape_cast %get3A_863 : vector<1x16xf32> to vector<16xf32>
        %mul3A_865 = arith.constant 11.3137083 : f32
        %mul3A_866 = vector.broadcast %mul3A_865 : f32 to vector<16xf32>
        %mul3A_867 = arith.mulf %get3A_864, %mul3A_866 : vector<16xf32>
        %swap3A_868 = arith.index_cast %scan3A_802 : i32 to index
        %swap3A_869 = arith.constant 80 : index
        %swap3A_870 = tpu.vector_load %arg11[%swap3A_868, %swap3A_869] {strides = array<i32>} : memref<100x128xf32, #tpu.memory_space<vmem>>, vector<1x16xf32>,
        %swap3A_871 = vector.shape_cast %swap3A_870 : vector<1x16xf32> to vector<16xf32>
        %swap3A_872 = vector.shape_cast %mul3A_867 : vector<16xf32> to vector<1x16xf32>
        tpu.vector_store %arg11[%swap3A_868, %swap3A_869], %swap3A_872 {strides = array<i32>} : memref<100x128xf32, #tpu.memory_space<vmem>>, vector<1x16xf32>,
        %get3A_873 = arith.index_cast %scan3A_802 : i32 to index
        %get3A_874 = arith.constant 96 : index
        %get3A_875 = tpu.vector_load %arg11[%get3A_873, %get3A_874] {strides = array<i32>} : memref<100x128xf32, #tpu.memory_space<vmem>>, vector<1x16xf32>,
        %get3A_876 = vector.shape_cast %get3A_875 : vector<1x16xf32> to vector<16xf32>
        %mul3A_877 = arith.constant 11.3137083 : f32
        %mul3A_878 = vector.broadcast %mul3A_877 : f32 to vector<16xf32>
        %mul3A_879 = arith.mulf %get3A_876, %mul3A_878 : vector<16xf32>
        %swap3A_880 = arith.index_cast %scan3A_802 : i32 to index
        %swap3A_881 = arith.constant 96 : index
        %swap3A_882 = tpu.vector_load %arg11[%swap3A_880, %swap3A_881] {strides = array<i32>} : memref<100x128xf32, #tpu.memory_space<vmem>>, vector<1x16xf32>,
        %swap3A_883 = vector.shape_cast %swap3A_882 : vector<1x16xf32> to vector<16xf32>
        %swap3A_884 = vector.shape_cast %mul3A_879 : vector<16xf32> to vector<1x16xf32>
        tpu.vector_store %arg11[%swap3A_880, %swap3A_881], %swap3A_884 {strides = array<i32>} : memref<100x128xf32, #tpu.memory_space<vmem>>, vector<1x16xf32>,
        %get3A_885 = arith.index_cast %scan3A_802 : i32 to index
        %get3A_886 = arith.constant 112 : index
        %get3A_887 = tpu.vector_load %arg11[%get3A_885, %get3A_886] {strides = array<i32>} : memref<100x128xf32, #tpu.memory_space<vmem>>, vector<1x16xf32>,
        %get3A_888 = vector.shape_cast %get3A_887 : vector<1x16xf32> to vector<16xf32>
        %mul3A_889 = arith.constant 11.3137083 : f32
        %mul3A_890 = vector.broadcast %mul3A_889 : f32 to vector<16xf32>
        %mul3A_891 = arith.mulf %get3A_888, %mul3A_890 : vector<16xf32>
        %swap3A_892 = arith.index_cast %scan3A_802 : i32 to index
        %swap3A_893 = arith.constant 112 : index
        %swap3A_894 = tpu.vector_load %arg11[%swap3A_892, %swap3A_893] {strides = array<i32>} : memref<100x128xf32, #tpu.memory_space<vmem>>, vector<1x16xf32>,
        %swap3A_895 = vector.shape_cast %swap3A_894 : vector<1x16xf32> to vector<16xf32>
        %swap3A_896 = vector.shape_cast %mul3A_891 : vector<16xf32> to vector<1x16xf32>
        tpu.vector_store %arg11[%swap3A_892, %swap3A_893], %swap3A_896 {strides = array<i32>} : memref<100x128xf32, #tpu.memory_space<vmem>>, vector<1x16xf32>,
      }
      %scan3A_637 = arith.constant 100 : i32
      %mul3A_638 = arith.constant 128 : i32
      %mul3A_639 = arith.muli %add3A, %mul3A_638 : i32
      %mul3A_640 = arith.constant 2 : i32
      %mul3A_641 = arith.muli %add3A_625, %mul3A_640 : i32
      %add3A_642 = arith.addi %mul3A_639, %mul3A_641 : i32
      %dma_start3A_643 = arith.constant 0 : i32
      %dma_start3A_644 = arith.constant 0 : i32
      %dma_start3A_645 = tpu.memref_slice %arg11[%dma_start3A_643, %dma_start3A_644] : memref<100x128xf32, #tpu.memory_space<vmem>> -> memref<50x128xf32, #tpu.memory_space<vmem>>
      %dma_start3A_646 = arith.constant 0 : i32
      %dma_start3A_647 = arith.constant 0 : i32
      %dma_start3A_648 = tpu.memref_slice %arg4[%add3A_642, %dma_start3A_646, %dma_start3A_647] : memref<4096x50x128xf32, #tpu.memory_space<hbm>> -> memref<1x50x128xf32, #tpu.memory_space<hbm>>
      %dma_start3A_649 = tpu.memref_squeeze %dma_start3A_648 : memref<1x50x128xf32, #tpu.memory_space<hbm>> -> memref<50x128xf32, #tpu.memory_space<hbm>>
      %dma_start3A_650 = arith.constant 0 : i32
      %dma_start3A_651 = arith.constant 0 : i32
      %dma_start3A_652 = tpu.memref_slice %arg4[%add3A_642, %dma_start3A_650, %dma_start3A_651] : memref<4096x50x128xf32, #tpu.memory_space<hbm>> -> memref<1x50x128xf32, #tpu.memory_space<hbm>>
      %dma_start3A_653 = tpu.memref_squeeze %dma_start3A_652 : memref<1x50x128xf32, #tpu.memory_space<hbm>> -> memref<50x128xf32, #tpu.memory_space<hbm>>
      %dma_start3A_654 = arith.constant 0 : i32
      %dma_start3A_655 = arith.constant 0 : i32
      %dma_start3A_656 = tpu.memref_slice %arg11[%dma_start3A_654, %dma_start3A_655] : memref<100x128xf32, #tpu.memory_space<vmem>> -> memref<50x128xf32, #tpu.memory_space<vmem>>
      tpu.enqueue_dma source(%dma_start3A_656 : memref<50x128xf32, #tpu.memory_space<vmem>>) target(%dma_start3A_653 : memref<50x128xf32, #tpu.memory_space<hbm>>) target_semaphore(%arg27 : memref<!tpu.dma_semaphore, #tpu.memory_space<semaphore_mem>>)
      %add3A_657 = arith.constant 1 : i32
      %add3A_658 = arith.addi %add3A_642, %add3A_657 : i32
      %dma_start3A_659 = arith.constant 50 : i32
      %dma_start3A_660 = arith.constant 0 : i32
      %dma_start3A_661 = tpu.memref_slice %arg11[%dma_start3A_659, %dma_start3A_660] : memref<100x128xf32, #tpu.memory_space<vmem>> -> memref<50x128xf32, #tpu.memory_space<vmem>>
      %dma_start3A_662 = arith.constant 0 : i32
      %dma_start3A_663 = arith.constant 0 : i32
      %dma_start3A_664 = tpu.memref_slice %arg4[%add3A_658, %dma_start3A_662, %dma_start3A_663] : memref<4096x50x128xf32, #tpu.memory_space<hbm>> -> memref<1x50x128xf32, #tpu.memory_space<hbm>>
      %dma_start3A_665 = tpu.memref_squeeze %dma_start3A_664 : memref<1x50x128xf32, #tpu.memory_space<hbm>> -> memref<50x128xf32, #tpu.memory_space<hbm>>
      %dma_start3A_666 = arith.constant 0 : i32
      %dma_start3A_667 = arith.constant 0 : i32
      %dma_start3A_668 = tpu.memref_slice %arg4[%add3A_658, %dma_start3A_666, %dma_start3A_667] : memref<4096x50x128xf32, #tpu.memory_space<hbm>> -> memref<1x50x128xf32, #tpu.memory_space<hbm>>
      %dma_start3A_669 = tpu.memref_squeeze %dma_start3A_668 : memref<1x50x128xf32, #tpu.memory_space<hbm>> -> memref<50x128xf32, #tpu.memory_space<hbm>>
      %dma_start3A_670 = arith.constant 50 : i32
      %dma_start3A_671 = arith.constant 0 : i32
      %dma_start3A_672 = tpu.memref_slice %arg11[%dma_start3A_670, %dma_start3A_671] : memref<100x128xf32, #tpu.memory_space<vmem>> -> memref<50x128xf32, #tpu.memory_space<vmem>>
      tpu.enqueue_dma source(%dma_start3A_672 : memref<50x128xf32, #tpu.memory_space<vmem>>) target(%dma_start3A_669 : memref<50x128xf32, #tpu.memory_space<hbm>>) target_semaphore(%arg27 : memref<!tpu.dma_semaphore, #tpu.memory_space<semaphore_mem>>)
      %add3A_673 = arith.constant 8 : i32
      %add3A_674 = arith.addi %add3A_625, %add3A_673 : i32
      %sub3A_675 = arith.constant 1 : i32
      %sub3A_676 = arith.subi %add3A_674, %sub3A_675 : i32
      %lt3A_677 = arith.constant 64 : i32
      %lt3A_678 = arith.cmpi slt, %sub3A_676, %lt3A_677 : i32
      %convert_element_type3A_679 = arith.extui %lt3A_678 : i1 to i32
      %cond3A_680 = arith.constant 0 : i32
      %cond3A_681 = arith.cmpi ne, %convert_element_type3A_679, %cond3A_680 : i32
      scf.if %cond3A_681 {
        %ge3A = arith.constant 1 : i32
        %ge3A_802 = arith.cmpi sge, %add3A_625, %ge3A : i32
        %convert_element_type3A_803 = arith.extui %ge3A_802 : i1 to i32
        %cond3A_804 = arith.constant 0 : i32
        %cond3A_805 = arith.cmpi ne, %convert_element_type3A_803, %cond3A_804 : i32
        scf.if %cond3A_805 {
          %sub3A_816 = arith.constant 1 : i32
          %sub3A_817 = arith.subi %add3A_625, %sub3A_816 : i32
          %mul3A_818 = arith.constant 128 : i32
          %mul3A_819 = arith.muli %add3A, %mul3A_818 : i32
          %mul3A_820 = arith.constant 2 : i32
          %mul3A_821 = arith.muli %sub3A_817, %mul3A_820 : i32
          %add3A_822 = arith.addi %mul3A_819, %mul3A_821 : i32
          %dma_wait3A_823 = arith.constant 0 : i32
          %dma_wait3A_824 = arith.constant 0 : i32
          %dma_wait3A_825 = tpu.memref_slice %arg10[%dma_wait3A_823, %dma_wait3A_824] : memref<100x128xf32, #tpu.memory_space<vmem>> -> memref<50x128xf32, #tpu.memory_space<vmem>>
          %dma_wait3A_826 = arith.constant 0 : i32
          %dma_wait3A_827 = arith.constant 0 : i32
          %dma_wait3A_828 = tpu.memref_slice %arg4[%add3A_822, %dma_wait3A_826, %dma_wait3A_827] : memref<4096x50x128xf32, #tpu.memory_space<hbm>> -> memref<1x50x128xf32, #tpu.memory_space<hbm>>
          %dma_wait3A_829 = tpu.memref_squeeze %dma_wait3A_828 : memref<1x50x128xf32, #tpu.memory_space<hbm>> -> memref<50x128xf32, #tpu.memory_space<hbm>>
          %dma_wait3A_830 = arith.constant 0 : i32
          %dma_wait3A_831 = arith.constant 0 : i32
          %dma_wait3A_832 = tpu.memref_slice %arg4[%add3A_822, %dma_wait3A_830, %dma_wait3A_831] : memref<4096x50x128xf32, #tpu.memory_space<hbm>> -> memref<1x50x128xf32, #tpu.memory_space<hbm>>
          %dma_wait3A_833 = tpu.memref_squeeze %dma_wait3A_832 : memref<1x50x128xf32, #tpu.memory_space<hbm>> -> memref<50x128xf32, #tpu.memory_space<hbm>>
          %dma_wait3A_834 = arith.constant 0 : i32
          %dma_wait3A_835 = arith.constant 0 : i32
          %dma_wait3A_836 = tpu.memref_slice %arg10[%dma_wait3A_834, %dma_wait3A_835] : memref<100x128xf32, #tpu.memory_space<vmem>> -> memref<50x128xf32, #tpu.memory_space<vmem>>
          tpu.wait_dma2 semaphore(%arg26 : memref<!tpu.dma_semaphore, #tpu.memory_space<semaphore_mem>>) src(%dma_wait3A_836 : memref<50x128xf32, #tpu.memory_space<vmem>>) dst(%dma_wait3A_833 : memref<50x128xf32, #tpu.memory_space<hbm>>)
          %add3A_837 = arith.constant 1 : i32
          %add3A_838 = arith.addi %add3A_822, %add3A_837 : i32
          %dma_wait3A_839 = arith.constant 50 : i32
          %dma_wait3A_840 = arith.constant 0 : i32
          %dma_wait3A_841 = tpu.memref_slice %arg10[%dma_wait3A_839, %dma_wait3A_840] : memref<100x128xf32, #tpu.memory_space<vmem>> -> memref<50x128xf32, #tpu.memory_space<vmem>>
          %dma_wait3A_842 = arith.constant 0 : i32
          %dma_wait3A_843 = arith.constant 0 : i32
          %dma_wait3A_844 = tpu.memref_slice %arg4[%add3A_838, %dma_wait3A_842, %dma_wait3A_843] : memref<4096x50x128xf32, #tpu.memory_space<hbm>> -> memref<1x50x128xf32, #tpu.memory_space<hbm>>
          %dma_wait3A_845 = tpu.memref_squeeze %dma_wait3A_844 : memref<1x50x128xf32, #tpu.memory_space<hbm>> -> memref<50x128xf32, #tpu.memory_space<hbm>>
          %dma_wait3A_846 = arith.constant 0 : i32
          %dma_wait3A_847 = arith.constant 0 : i32
          %dma_wait3A_848 = tpu.memref_slice %arg4[%add3A_838, %dma_wait3A_846, %dma_wait3A_847] : memref<4096x50x128xf32, #tpu.memory_space<hbm>> -> memref<1x50x128xf32, #tpu.memory_space<hbm>>
          %dma_wait3A_849 = tpu.memref_squeeze %dma_wait3A_848 : memref<1x50x128xf32, #tpu.memory_space<hbm>> -> memref<50x128xf32, #tpu.memory_space<hbm>>
          %dma_wait3A_850 = arith.constant 50 : i32
          %dma_wait3A_851 = arith.constant 0 : i32
          %dma_wait3A_852 = tpu.memref_slice %arg10[%dma_wait3A_850, %dma_wait3A_851] : memref<100x128xf32, #tpu.memory_space<vmem>> -> memref<50x128xf32, #tpu.memory_space<vmem>>
          tpu.wait_dma2 semaphore(%arg26 : memref<!tpu.dma_semaphore, #tpu.memory_space<semaphore_mem>>) src(%dma_wait3A_852 : memref<50x128xf32, #tpu.memory_space<vmem>>) dst(%dma_wait3A_849 : memref<50x128xf32, #tpu.memory_space<hbm>>)
        } else {
        }
        %add3A_806 = arith.constant 8 : i32
        %add3A_807 = arith.addi %add3A_625, %add3A_806 : i32
        %sub3A_808 = arith.constant 1 : i32
        %sub3A_809 = arith.subi %add3A_807, %sub3A_808 : i32
        %dma_start3A_810 = arith.constant 0 : i32
        %dma_start3A_811 = tpu.memref_slice %arg5[%sub3A_809, %dma_start3A_810] : memref<64x100xi32, #tpu.memory_space<vmem>> -> memref<1x100xi32, #tpu.memory_space<vmem>>
        %dma_start3A_812 = tpu.memref_squeeze %dma_start3A_811 : memref<1x100xi32, #tpu.memory_space<vmem>> -> memref<100xi32, #tpu.memory_space<vmem>>
        %dma_start3A_813 = arith.constant 0 : i32
        %dma_start3A_814 = arith.constant 0 : i32
        %dma_start3A_815 = tpu.memref_slice %arg3[%dma_start3A_813, %dma_start3A_814] : memref<100000x128xf32, #tpu.memory_space<hbm>> -> memref<100000x128xf32, #tpu.memory_space<hbm>>
        tpu.enqueue_indirect_dma source(%dma_start3A_815 : memref<100000x128xf32, #tpu.memory_space<hbm>>) target(%arg10 : memref<100x128xf32, #tpu.memory_space<vmem>>) offsets(%dma_start3A_812 : memref<100xi32, #tpu.memory_space<vmem>>) semaphore(%arg18 : memref<!tpu.dma_semaphore, #tpu.memory_space<semaphore_mem>>)
      } else {
      }
      %mul3A_682 = arith.constant 8 : i32
      %mul3A_683 = arith.muli %mul3A_682, %scan3A_325 : i32
      %add3A_684 = arith.constant 6 : i32
      %add3A_685 = arith.addi %mul3A_683, %add3A_684 : i32
      %dma_wait3A_686 = arith.constant 0 : i32
      %dma_wait3A_687 = tpu.memref_slice %arg5[%add3A_685, %dma_wait3A_686] : memref<64x100xi32, #tpu.memory_space<vmem>> -> memref<1x100xi32, #tpu.memory_space<vmem>>
      %dma_wait3A_688 = tpu.memref_squeeze %dma_wait3A_687 : memref<1x100xi32, #tpu.memory_space<vmem>> -> memref<100xi32, #tpu.memory_space<vmem>>
      %dma_wait3A_689 = arith.constant 0 : i32
      %dma_wait3A_690 = arith.constant 0 : i32
      %dma_wait3A_691 = tpu.memref_slice %arg3[%dma_wait3A_689, %dma_wait3A_690] : memref<100000x128xf32, #tpu.memory_space<hbm>> -> memref<100000x128xf32, #tpu.memory_space<hbm>>
      tpu.wait_indirect_dma semaphore(%arg20 : memref<!tpu.dma_semaphore, #tpu.memory_space<semaphore_mem>>) src(%dma_wait3A_691 : memref<100000x128xf32, #tpu.memory_space<hbm>>) dst(%arg12 : memref<100x128xf32, #tpu.memory_space<vmem>>)
      %scan3A_692 = arith.constant 0 : i32
      %scan3A_693 = arith.constant 0 : i32
      %scan3A_694 = arith.constant 100 : i32
      %scan3A_695 = arith.addi %scan3A_693, %scan3A_694 : i32
      %scan3A_696 = arith.constant 1 : i32
      scf.for %scan3A_802 = %scan3A_693 to %scan3A_695 step %scan3A_696  : i32 {
        %get3A = arith.index_cast %scan3A_802 : i32 to index
        %get3A_803 = arith.constant 0 : index
        %get3A_804 = tpu.vector_load %arg12[%get3A, %get3A_803] {strides = array<i32>} : memref<100x128xf32, #tpu.memory_space<vmem>>, vector<1x16xf32>,
        %get3A_805 = vector.shape_cast %get3A_804 : vector<1x16xf32> to vector<16xf32>
        %mul3A_806 = arith.constant 11.3137083 : f32
        %mul3A_807 = vector.broadcast %mul3A_806 : f32 to vector<16xf32>
        %mul3A_808 = arith.mulf %get3A_805, %mul3A_807 : vector<16xf32>
        %swap3A = arith.index_cast %scan3A_802 : i32 to index
        %swap3A_809 = arith.constant 0 : index
        %swap3A_810 = tpu.vector_load %arg12[%swap3A, %swap3A_809] {strides = array<i32>} : memref<100x128xf32, #tpu.memory_space<vmem>>, vector<1x16xf32>,
        %swap3A_811 = vector.shape_cast %swap3A_810 : vector<1x16xf32> to vector<16xf32>
        %swap3A_812 = vector.shape_cast %mul3A_808 : vector<16xf32> to vector<1x16xf32>
        tpu.vector_store %arg12[%swap3A, %swap3A_809], %swap3A_812 {strides = array<i32>} : memref<100x128xf32, #tpu.memory_space<vmem>>, vector<1x16xf32>,
        %get3A_813 = arith.index_cast %scan3A_802 : i32 to index
        %get3A_814 = arith.constant 16 : index
        %get3A_815 = tpu.vector_load %arg12[%get3A_813, %get3A_814] {strides = array<i32>} : memref<100x128xf32, #tpu.memory_space<vmem>>, vector<1x16xf32>,
        %get3A_816 = vector.shape_cast %get3A_815 : vector<1x16xf32> to vector<16xf32>
        %mul3A_817 = arith.constant 11.3137083 : f32
        %mul3A_818 = vector.broadcast %mul3A_817 : f32 to vector<16xf32>
        %mul3A_819 = arith.mulf %get3A_816, %mul3A_818 : vector<16xf32>
        %swap3A_820 = arith.index_cast %scan3A_802 : i32 to index
        %swap3A_821 = arith.constant 16 : index
        %swap3A_822 = tpu.vector_load %arg12[%swap3A_820, %swap3A_821] {strides = array<i32>} : memref<100x128xf32, #tpu.memory_space<vmem>>, vector<1x16xf32>,
        %swap3A_823 = vector.shape_cast %swap3A_822 : vector<1x16xf32> to vector<16xf32>
        %swap3A_824 = vector.shape_cast %mul3A_819 : vector<16xf32> to vector<1x16xf32>
        tpu.vector_store %arg12[%swap3A_820, %swap3A_821], %swap3A_824 {strides = array<i32>} : memref<100x128xf32, #tpu.memory_space<vmem>>, vector<1x16xf32>,
        %get3A_825 = arith.index_cast %scan3A_802 : i32 to index
        %get3A_826 = arith.constant 32 : index
        %get3A_827 = tpu.vector_load %arg12[%get3A_825, %get3A_826] {strides = array<i32>} : memref<100x128xf32, #tpu.memory_space<vmem>>, vector<1x16xf32>,
        %get3A_828 = vector.shape_cast %get3A_827 : vector<1x16xf32> to vector<16xf32>
        %mul3A_829 = arith.constant 11.3137083 : f32
        %mul3A_830 = vector.broadcast %mul3A_829 : f32 to vector<16xf32>
        %mul3A_831 = arith.mulf %get3A_828, %mul3A_830 : vector<16xf32>
        %swap3A_832 = arith.index_cast %scan3A_802 : i32 to index
        %swap3A_833 = arith.constant 32 : index
        %swap3A_834 = tpu.vector_load %arg12[%swap3A_832, %swap3A_833] {strides = array<i32>} : memref<100x128xf32, #tpu.memory_space<vmem>>, vector<1x16xf32>,
        %swap3A_835 = vector.shape_cast %swap3A_834 : vector<1x16xf32> to vector<16xf32>
        %swap3A_836 = vector.shape_cast %mul3A_831 : vector<16xf32> to vector<1x16xf32>
        tpu.vector_store %arg12[%swap3A_832, %swap3A_833], %swap3A_836 {strides = array<i32>} : memref<100x128xf32, #tpu.memory_space<vmem>>, vector<1x16xf32>,
        %get3A_837 = arith.index_cast %scan3A_802 : i32 to index
        %get3A_838 = arith.constant 48 : index
        %get3A_839 = tpu.vector_load %arg12[%get3A_837, %get3A_838] {strides = array<i32>} : memref<100x128xf32, #tpu.memory_space<vmem>>, vector<1x16xf32>,
        %get3A_840 = vector.shape_cast %get3A_839 : vector<1x16xf32> to vector<16xf32>
        %mul3A_841 = arith.constant 11.3137083 : f32
        %mul3A_842 = vector.broadcast %mul3A_841 : f32 to vector<16xf32>
        %mul3A_843 = arith.mulf %get3A_840, %mul3A_842 : vector<16xf32>
        %swap3A_844 = arith.index_cast %scan3A_802 : i32 to index
        %swap3A_845 = arith.constant 48 : index
        %swap3A_846 = tpu.vector_load %arg12[%swap3A_844, %swap3A_845] {strides = array<i32>} : memref<100x128xf32, #tpu.memory_space<vmem>>, vector<1x16xf32>,
        %swap3A_847 = vector.shape_cast %swap3A_846 : vector<1x16xf32> to vector<16xf32>
        %swap3A_848 = vector.shape_cast %mul3A_843 : vector<16xf32> to vector<1x16xf32>
        tpu.vector_store %arg12[%swap3A_844, %swap3A_845], %swap3A_848 {strides = array<i32>} : memref<100x128xf32, #tpu.memory_space<vmem>>, vector<1x16xf32>,
        %get3A_849 = arith.index_cast %scan3A_802 : i32 to index
        %get3A_850 = arith.constant 64 : index
        %get3A_851 = tpu.vector_load %arg12[%get3A_849, %get3A_850] {strides = array<i32>} : memref<100x128xf32, #tpu.memory_space<vmem>>, vector<1x16xf32>,
        %get3A_852 = vector.shape_cast %get3A_851 : vector<1x16xf32> to vector<16xf32>
        %mul3A_853 = arith.constant 11.3137083 : f32
        %mul3A_854 = vector.broadcast %mul3A_853 : f32 to vector<16xf32>
        %mul3A_855 = arith.mulf %get3A_852, %mul3A_854 : vector<16xf32>
        %swap3A_856 = arith.index_cast %scan3A_802 : i32 to index
        %swap3A_857 = arith.constant 64 : index
        %swap3A_858 = tpu.vector_load %arg12[%swap3A_856, %swap3A_857] {strides = array<i32>} : memref<100x128xf32, #tpu.memory_space<vmem>>, vector<1x16xf32>,
        %swap3A_859 = vector.shape_cast %swap3A_858 : vector<1x16xf32> to vector<16xf32>
        %swap3A_860 = vector.shape_cast %mul3A_855 : vector<16xf32> to vector<1x16xf32>
        tpu.vector_store %arg12[%swap3A_856, %swap3A_857], %swap3A_860 {strides = array<i32>} : memref<100x128xf32, #tpu.memory_space<vmem>>, vector<1x16xf32>,
        %get3A_861 = arith.index_cast %scan3A_802 : i32 to index
        %get3A_862 = arith.constant 80 : index
        %get3A_863 = tpu.vector_load %arg12[%get3A_861, %get3A_862] {strides = array<i32>} : memref<100x128xf32, #tpu.memory_space<vmem>>, vector<1x16xf32>,
        %get3A_864 = vector.shape_cast %get3A_863 : vector<1x16xf32> to vector<16xf32>
        %mul3A_865 = arith.constant 11.3137083 : f32
        %mul3A_866 = vector.broadcast %mul3A_865 : f32 to vector<16xf32>
        %mul3A_867 = arith.mulf %get3A_864, %mul3A_866 : vector<16xf32>
        %swap3A_868 = arith.index_cast %scan3A_802 : i32 to index
        %swap3A_869 = arith.constant 80 : index
        %swap3A_870 = tpu.vector_load %arg12[%swap3A_868, %swap3A_869] {strides = array<i32>} : memref<100x128xf32, #tpu.memory_space<vmem>>, vector<1x16xf32>,
        %swap3A_871 = vector.shape_cast %swap3A_870 : vector<1x16xf32> to vector<16xf32>
        %swap3A_872 = vector.shape_cast %mul3A_867 : vector<16xf32> to vector<1x16xf32>
        tpu.vector_store %arg12[%swap3A_868, %swap3A_869], %swap3A_872 {strides = array<i32>} : memref<100x128xf32, #tpu.memory_space<vmem>>, vector<1x16xf32>,
        %get3A_873 = arith.index_cast %scan3A_802 : i32 to index
        %get3A_874 = arith.constant 96 : index
        %get3A_875 = tpu.vector_load %arg12[%get3A_873, %get3A_874] {strides = array<i32>} : memref<100x128xf32, #tpu.memory_space<vmem>>, vector<1x16xf32>,
        %get3A_876 = vector.shape_cast %get3A_875 : vector<1x16xf32> to vector<16xf32>
        %mul3A_877 = arith.constant 11.3137083 : f32
        %mul3A_878 = vector.broadcast %mul3A_877 : f32 to vector<16xf32>
        %mul3A_879 = arith.mulf %get3A_876, %mul3A_878 : vector<16xf32>
        %swap3A_880 = arith.index_cast %scan3A_802 : i32 to index
        %swap3A_881 = arith.constant 96 : index
        %swap3A_882 = tpu.vector_load %arg12[%swap3A_880, %swap3A_881] {strides = array<i32>} : memref<100x128xf32, #tpu.memory_space<vmem>>, vector<1x16xf32>,
        %swap3A_883 = vector.shape_cast %swap3A_882 : vector<1x16xf32> to vector<16xf32>
        %swap3A_884 = vector.shape_cast %mul3A_879 : vector<16xf32> to vector<1x16xf32>
        tpu.vector_store %arg12[%swap3A_880, %swap3A_881], %swap3A_884 {strides = array<i32>} : memref<100x128xf32, #tpu.memory_space<vmem>>, vector<1x16xf32>,
        %get3A_885 = arith.index_cast %scan3A_802 : i32 to index
        %get3A_886 = arith.constant 112 : index
        %get3A_887 = tpu.vector_load %arg12[%get3A_885, %get3A_886] {strides = array<i32>} : memref<100x128xf32, #tpu.memory_space<vmem>>, vector<1x16xf32>,
        %get3A_888 = vector.shape_cast %get3A_887 : vector<1x16xf32> to vector<16xf32>
        %mul3A_889 = arith.constant 11.3137083 : f32
        %mul3A_890 = vector.broadcast %mul3A_889 : f32 to vector<16xf32>
        %mul3A_891 = arith.mulf %get3A_888, %mul3A_890 : vector<16xf32>
        %swap3A_892 = arith.index_cast %scan3A_802 : i32 to index
        %swap3A_893 = arith.constant 112 : index
        %swap3A_894 = tpu.vector_load %arg12[%swap3A_892, %swap3A_893] {strides = array<i32>} : memref<100x128xf32, #tpu.memory_space<vmem>>, vector<1x16xf32>,
        %swap3A_895 = vector.shape_cast %swap3A_894 : vector<1x16xf32> to vector<16xf32>
        %swap3A_896 = vector.shape_cast %mul3A_891 : vector<16xf32> to vector<1x16xf32>
        tpu.vector_store %arg12[%swap3A_892, %swap3A_893], %swap3A_896 {strides = array<i32>} : memref<100x128xf32, #tpu.memory_space<vmem>>, vector<1x16xf32>,
      }
      %scan3A_697 = arith.constant 100 : i32
      %mul3A_698 = arith.constant 128 : i32
      %mul3A_699 = arith.muli %add3A, %mul3A_698 : i32
      %mul3A_700 = arith.constant 2 : i32
      %mul3A_701 = arith.muli %add3A_685, %mul3A_700 : i32
      %add3A_702 = arith.addi %mul3A_699, %mul3A_701 : i32
      %dma_start3A_703 = arith.constant 0 : i32
      %dma_start3A_704 = arith.constant 0 : i32
      %dma_start3A_705 = tpu.memref_slice %arg12[%dma_start3A_703, %dma_start3A_704] : memref<100x128xf32, #tpu.memory_space<vmem>> -> memref<50x128xf32, #tpu.memory_space<vmem>>
      %dma_start3A_706 = arith.constant 0 : i32
      %dma_start3A_707 = arith.constant 0 : i32
      %dma_start3A_708 = tpu.memref_slice %arg4[%add3A_702, %dma_start3A_706, %dma_start3A_707] : memref<4096x50x128xf32, #tpu.memory_space<hbm>> -> memref<1x50x128xf32, #tpu.memory_space<hbm>>
      %dma_start3A_709 = tpu.memref_squeeze %dma_start3A_708 : memref<1x50x128xf32, #tpu.memory_space<hbm>> -> memref<50x128xf32, #tpu.memory_space<hbm>>
      %dma_start3A_710 = arith.constant 0 : i32
      %dma_start3A_711 = arith.constant 0 : i32
      %dma_start3A_712 = tpu.memref_slice %arg4[%add3A_702, %dma_start3A_710, %dma_start3A_711] : memref<4096x50x128xf32, #tpu.memory_space<hbm>> -> memref<1x50x128xf32, #tpu.memory_space<hbm>>
      %dma_start3A_713 = tpu.memref_squeeze %dma_start3A_712 : memref<1x50x128xf32, #tpu.memory_space<hbm>> -> memref<50x128xf32, #tpu.memory_space<hbm>>
      %dma_start3A_714 = arith.constant 0 : i32
      %dma_start3A_715 = arith.constant 0 : i32
      %dma_start3A_716 = tpu.memref_slice %arg12[%dma_start3A_714, %dma_start3A_715] : memref<100x128xf32, #tpu.memory_space<vmem>> -> memref<50x128xf32, #tpu.memory_space<vmem>>
      tpu.enqueue_dma source(%dma_start3A_716 : memref<50x128xf32, #tpu.memory_space<vmem>>) target(%dma_start3A_713 : memref<50x128xf32, #tpu.memory_space<hbm>>) target_semaphore(%arg28 : memref<!tpu.dma_semaphore, #tpu.memory_space<semaphore_mem>>)
      %add3A_717 = arith.constant 1 : i32
      %add3A_718 = arith.addi %add3A_702, %add3A_717 : i32
      %dma_start3A_719 = arith.constant 50 : i32
      %dma_start3A_720 = arith.constant 0 : i32
      %dma_start3A_721 = tpu.memref_slice %arg12[%dma_start3A_719, %dma_start3A_720] : memref<100x128xf32, #tpu.memory_space<vmem>> -> memref<50x128xf32, #tpu.memory_space<vmem>>
      %dma_start3A_722 = arith.constant 0 : i32
      %dma_start3A_723 = arith.constant 0 : i32
      %dma_start3A_724 = tpu.memref_slice %arg4[%add3A_718, %dma_start3A_722, %dma_start3A_723] : memref<4096x50x128xf32, #tpu.memory_space<hbm>> -> memref<1x50x128xf32, #tpu.memory_space<hbm>>
      %dma_start3A_725 = tpu.memref_squeeze %dma_start3A_724 : memref<1x50x128xf32, #tpu.memory_space<hbm>> -> memref<50x128xf32, #tpu.memory_space<hbm>>
      %dma_start3A_726 = arith.constant 0 : i32
      %dma_start3A_727 = arith.constant 0 : i32
      %dma_start3A_728 = tpu.memref_slice %arg4[%add3A_718, %dma_start3A_726, %dma_start3A_727] : memref<4096x50x128xf32, #tpu.memory_space<hbm>> -> memref<1x50x128xf32, #tpu.memory_space<hbm>>
      %dma_start3A_729 = tpu.memref_squeeze %dma_start3A_728 : memref<1x50x128xf32, #tpu.memory_space<hbm>> -> memref<50x128xf32, #tpu.memory_space<hbm>>
      %dma_start3A_730 = arith.constant 50 : i32
      %dma_start3A_731 = arith.constant 0 : i32
      %dma_start3A_732 = tpu.memref_slice %arg12[%dma_start3A_730, %dma_start3A_731] : memref<100x128xf32, #tpu.memory_space<vmem>> -> memref<50x128xf32, #tpu.memory_space<vmem>>
      tpu.enqueue_dma source(%dma_start3A_732 : memref<50x128xf32, #tpu.memory_space<vmem>>) target(%dma_start3A_729 : memref<50x128xf32, #tpu.memory_space<hbm>>) target_semaphore(%arg28 : memref<!tpu.dma_semaphore, #tpu.memory_space<semaphore_mem>>)
      %add3A_733 = arith.constant 8 : i32
      %add3A_734 = arith.addi %add3A_685, %add3A_733 : i32
      %sub3A_735 = arith.constant 1 : i32
      %sub3A_736 = arith.subi %add3A_734, %sub3A_735 : i32
      %lt3A_737 = arith.constant 64 : i32
      %lt3A_738 = arith.cmpi slt, %sub3A_736, %lt3A_737 : i32
      %convert_element_type3A_739 = arith.extui %lt3A_738 : i1 to i32
      %cond3A_740 = arith.constant 0 : i32
      %cond3A_741 = arith.cmpi ne, %convert_element_type3A_739, %cond3A_740 : i32
      scf.if %cond3A_741 {
        %ge3A = arith.constant 1 : i32
        %ge3A_802 = arith.cmpi sge, %add3A_685, %ge3A : i32
        %convert_element_type3A_803 = arith.extui %ge3A_802 : i1 to i32
        %cond3A_804 = arith.constant 0 : i32
        %cond3A_805 = arith.cmpi ne, %convert_element_type3A_803, %cond3A_804 : i32
        scf.if %cond3A_805 {
          %sub3A_816 = arith.constant 1 : i32
          %sub3A_817 = arith.subi %add3A_685, %sub3A_816 : i32
          %mul3A_818 = arith.constant 128 : i32
          %mul3A_819 = arith.muli %add3A, %mul3A_818 : i32
          %mul3A_820 = arith.constant 2 : i32
          %mul3A_821 = arith.muli %sub3A_817, %mul3A_820 : i32
          %add3A_822 = arith.addi %mul3A_819, %mul3A_821 : i32
          %dma_wait3A_823 = arith.constant 0 : i32
          %dma_wait3A_824 = arith.constant 0 : i32
          %dma_wait3A_825 = tpu.memref_slice %arg11[%dma_wait3A_823, %dma_wait3A_824] : memref<100x128xf32, #tpu.memory_space<vmem>> -> memref<50x128xf32, #tpu.memory_space<vmem>>
          %dma_wait3A_826 = arith.constant 0 : i32
          %dma_wait3A_827 = arith.constant 0 : i32
          %dma_wait3A_828 = tpu.memref_slice %arg4[%add3A_822, %dma_wait3A_826, %dma_wait3A_827] : memref<4096x50x128xf32, #tpu.memory_space<hbm>> -> memref<1x50x128xf32, #tpu.memory_space<hbm>>
          %dma_wait3A_829 = tpu.memref_squeeze %dma_wait3A_828 : memref<1x50x128xf32, #tpu.memory_space<hbm>> -> memref<50x128xf32, #tpu.memory_space<hbm>>
          %dma_wait3A_830 = arith.constant 0 : i32
          %dma_wait3A_831 = arith.constant 0 : i32
          %dma_wait3A_832 = tpu.memref_slice %arg4[%add3A_822, %dma_wait3A_830, %dma_wait3A_831] : memref<4096x50x128xf32, #tpu.memory_space<hbm>> -> memref<1x50x128xf32, #tpu.memory_space<hbm>>
          %dma_wait3A_833 = tpu.memref_squeeze %dma_wait3A_832 : memref<1x50x128xf32, #tpu.memory_space<hbm>> -> memref<50x128xf32, #tpu.memory_space<hbm>>
          %dma_wait3A_834 = arith.constant 0 : i32
          %dma_wait3A_835 = arith.constant 0 : i32
          %dma_wait3A_836 = tpu.memref_slice %arg11[%dma_wait3A_834, %dma_wait3A_835] : memref<100x128xf32, #tpu.memory_space<vmem>> -> memref<50x128xf32, #tpu.memory_space<vmem>>
          tpu.wait_dma2 semaphore(%arg27 : memref<!tpu.dma_semaphore, #tpu.memory_space<semaphore_mem>>) src(%dma_wait3A_836 : memref<50x128xf32, #tpu.memory_space<vmem>>) dst(%dma_wait3A_833 : memref<50x128xf32, #tpu.memory_space<hbm>>)
          %add3A_837 = arith.constant 1 : i32
          %add3A_838 = arith.addi %add3A_822, %add3A_837 : i32
          %dma_wait3A_839 = arith.constant 50 : i32
          %dma_wait3A_840 = arith.constant 0 : i32
          %dma_wait3A_841 = tpu.memref_slice %arg11[%dma_wait3A_839, %dma_wait3A_840] : memref<100x128xf32, #tpu.memory_space<vmem>> -> memref<50x128xf32, #tpu.memory_space<vmem>>
          %dma_wait3A_842 = arith.constant 0 : i32
          %dma_wait3A_843 = arith.constant 0 : i32
          %dma_wait3A_844 = tpu.memref_slice %arg4[%add3A_838, %dma_wait3A_842, %dma_wait3A_843] : memref<4096x50x128xf32, #tpu.memory_space<hbm>> -> memref<1x50x128xf32, #tpu.memory_space<hbm>>
          %dma_wait3A_845 = tpu.memref_squeeze %dma_wait3A_844 : memref<1x50x128xf32, #tpu.memory_space<hbm>> -> memref<50x128xf32, #tpu.memory_space<hbm>>
          %dma_wait3A_846 = arith.constant 0 : i32
          %dma_wait3A_847 = arith.constant 0 : i32
          %dma_wait3A_848 = tpu.memref_slice %arg4[%add3A_838, %dma_wait3A_846, %dma_wait3A_847] : memref<4096x50x128xf32, #tpu.memory_space<hbm>> -> memref<1x50x128xf32, #tpu.memory_space<hbm>>
          %dma_wait3A_849 = tpu.memref_squeeze %dma_wait3A_848 : memref<1x50x128xf32, #tpu.memory_space<hbm>> -> memref<50x128xf32, #tpu.memory_space<hbm>>
          %dma_wait3A_850 = arith.constant 50 : i32
          %dma_wait3A_851 = arith.constant 0 : i32
          %dma_wait3A_852 = tpu.memref_slice %arg11[%dma_wait3A_850, %dma_wait3A_851] : memref<100x128xf32, #tpu.memory_space<vmem>> -> memref<50x128xf32, #tpu.memory_space<vmem>>
          tpu.wait_dma2 semaphore(%arg27 : memref<!tpu.dma_semaphore, #tpu.memory_space<semaphore_mem>>) src(%dma_wait3A_852 : memref<50x128xf32, #tpu.memory_space<vmem>>) dst(%dma_wait3A_849 : memref<50x128xf32, #tpu.memory_space<hbm>>)
        } else {
        }
        %add3A_806 = arith.constant 8 : i32
        %add3A_807 = arith.addi %add3A_685, %add3A_806 : i32
        %sub3A_808 = arith.constant 1 : i32
        %sub3A_809 = arith.subi %add3A_807, %sub3A_808 : i32
        %dma_start3A_810 = arith.constant 0 : i32
        %dma_start3A_811 = tpu.memref_slice %arg5[%sub3A_809, %dma_start3A_810] : memref<64x100xi32, #tpu.memory_space<vmem>> -> memref<1x100xi32, #tpu.memory_space<vmem>>
        %dma_start3A_812 = tpu.memref_squeeze %dma_start3A_811 : memref<1x100xi32, #tpu.memory_space<vmem>> -> memref<100xi32, #tpu.memory_space<vmem>>
        %dma_start3A_813 = arith.constant 0 : i32
        %dma_start3A_814 = arith.constant 0 : i32
        %dma_start3A_815 = tpu.memref_slice %arg3[%dma_start3A_813, %dma_start3A_814] : memref<100000x128xf32, #tpu.memory_space<hbm>> -> memref<100000x128xf32, #tpu.memory_space<hbm>>
        tpu.enqueue_indirect_dma source(%dma_start3A_815 : memref<100000x128xf32, #tpu.memory_space<hbm>>) target(%arg11 : memref<100x128xf32, #tpu.memory_space<vmem>>) offsets(%dma_start3A_812 : memref<100xi32, #tpu.memory_space<vmem>>) semaphore(%arg19 : memref<!tpu.dma_semaphore, #tpu.memory_space<semaphore_mem>>)
      } else {
      }
      %mul3A_742 = arith.constant 8 : i32
      %mul3A_743 = arith.muli %mul3A_742, %scan3A_325 : i32
      %add3A_744 = arith.constant 7 : i32
      %add3A_745 = arith.addi %mul3A_743, %add3A_744 : i32
      %dma_wait3A_746 = arith.constant 0 : i32
      %dma_wait3A_747 = tpu.memref_slice %arg5[%add3A_745, %dma_wait3A_746] : memref<64x100xi32, #tpu.memory_space<vmem>> -> memref<1x100xi32, #tpu.memory_space<vmem>>
      %dma_wait3A_748 = tpu.memref_squeeze %dma_wait3A_747 : memref<1x100xi32, #tpu.memory_space<vmem>> -> memref<100xi32, #tpu.memory_space<vmem>>
      %dma_wait3A_749 = arith.constant 0 : i32
      %dma_wait3A_750 = arith.constant 0 : i32
      %dma_wait3A_751 = tpu.memref_slice %arg3[%dma_wait3A_749, %dma_wait3A_750] : memref<100000x128xf32, #tpu.memory_space<hbm>> -> memref<100000x128xf32, #tpu.memory_space<hbm>>
      tpu.wait_indirect_dma semaphore(%arg21 : memref<!tpu.dma_semaphore, #tpu.memory_space<semaphore_mem>>) src(%dma_wait3A_751 : memref<100000x128xf32, #tpu.memory_space<hbm>>) dst(%arg13 : memref<100x128xf32, #tpu.memory_space<vmem>>)
      %scan3A_752 = arith.constant 0 : i32
      %scan3A_753 = arith.constant 0 : i32
      %scan3A_754 = arith.constant 100 : i32
      %scan3A_755 = arith.addi %scan3A_753, %scan3A_754 : i32
      %scan3A_756 = arith.constant 1 : i32
      scf.for %scan3A_802 = %scan3A_753 to %scan3A_755 step %scan3A_756  : i32 {
        %get3A = arith.index_cast %scan3A_802 : i32 to index
        %get3A_803 = arith.constant 0 : index
        %get3A_804 = tpu.vector_load %arg13[%get3A, %get3A_803] {strides = array<i32>} : memref<100x128xf32, #tpu.memory_space<vmem>>, vector<1x16xf32>,
        %get3A_805 = vector.shape_cast %get3A_804 : vector<1x16xf32> to vector<16xf32>
        %mul3A_806 = arith.constant 11.3137083 : f32
        %mul3A_807 = vector.broadcast %mul3A_806 : f32 to vector<16xf32>
        %mul3A_808 = arith.mulf %get3A_805, %mul3A_807 : vector<16xf32>
        %swap3A = arith.index_cast %scan3A_802 : i32 to index
        %swap3A_809 = arith.constant 0 : index
        %swap3A_810 = tpu.vector_load %arg13[%swap3A, %swap3A_809] {strides = array<i32>} : memref<100x128xf32, #tpu.memory_space<vmem>>, vector<1x16xf32>,
        %swap3A_811 = vector.shape_cast %swap3A_810 : vector<1x16xf32> to vector<16xf32>
        %swap3A_812 = vector.shape_cast %mul3A_808 : vector<16xf32> to vector<1x16xf32>
        tpu.vector_store %arg13[%swap3A, %swap3A_809], %swap3A_812 {strides = array<i32>} : memref<100x128xf32, #tpu.memory_space<vmem>>, vector<1x16xf32>,
        %get3A_813 = arith.index_cast %scan3A_802 : i32 to index
        %get3A_814 = arith.constant 16 : index
        %get3A_815 = tpu.vector_load %arg13[%get3A_813, %get3A_814] {strides = array<i32>} : memref<100x128xf32, #tpu.memory_space<vmem>>, vector<1x16xf32>,
        %get3A_816 = vector.shape_cast %get3A_815 : vector<1x16xf32> to vector<16xf32>
        %mul3A_817 = arith.constant 11.3137083 : f32
        %mul3A_818 = vector.broadcast %mul3A_817 : f32 to vector<16xf32>
        %mul3A_819 = arith.mulf %get3A_816, %mul3A_818 : vector<16xf32>
        %swap3A_820 = arith.index_cast %scan3A_802 : i32 to index
        %swap3A_821 = arith.constant 16 : index
        %swap3A_822 = tpu.vector_load %arg13[%swap3A_820, %swap3A_821] {strides = array<i32>} : memref<100x128xf32, #tpu.memory_space<vmem>>, vector<1x16xf32>,
        %swap3A_823 = vector.shape_cast %swap3A_822 : vector<1x16xf32> to vector<16xf32>
        %swap3A_824 = vector.shape_cast %mul3A_819 : vector<16xf32> to vector<1x16xf32>
        tpu.vector_store %arg13[%swap3A_820, %swap3A_821], %swap3A_824 {strides = array<i32>} : memref<100x128xf32, #tpu.memory_space<vmem>>, vector<1x16xf32>,
        %get3A_825 = arith.index_cast %scan3A_802 : i32 to index
        %get3A_826 = arith.constant 32 : index
        %get3A_827 = tpu.vector_load %arg13[%get3A_825, %get3A_826] {strides = array<i32>} : memref<100x128xf32, #tpu.memory_space<vmem>>, vector<1x16xf32>,
        %get3A_828 = vector.shape_cast %get3A_827 : vector<1x16xf32> to vector<16xf32>
        %mul3A_829 = arith.constant 11.3137083 : f32
        %mul3A_830 = vector.broadcast %mul3A_829 : f32 to vector<16xf32>
        %mul3A_831 = arith.mulf %get3A_828, %mul3A_830 : vector<16xf32>
        %swap3A_832 = arith.index_cast %scan3A_802 : i32 to index
        %swap3A_833 = arith.constant 32 : index
        %swap3A_834 = tpu.vector_load %arg13[%swap3A_832, %swap3A_833] {strides = array<i32>} : memref<100x128xf32, #tpu.memory_space<vmem>>, vector<1x16xf32>,
        %swap3A_835 = vector.shape_cast %swap3A_834 : vector<1x16xf32> to vector<16xf32>
        %swap3A_836 = vector.shape_cast %mul3A_831 : vector<16xf32> to vector<1x16xf32>
        tpu.vector_store %arg13[%swap3A_832, %swap3A_833], %swap3A_836 {strides = array<i32>} : memref<100x128xf32, #tpu.memory_space<vmem>>, vector<1x16xf32>,
        %get3A_837 = arith.index_cast %scan3A_802 : i32 to index
        %get3A_838 = arith.constant 48 : index
        %get3A_839 = tpu.vector_load %arg13[%get3A_837, %get3A_838] {strides = array<i32>} : memref<100x128xf32, #tpu.memory_space<vmem>>, vector<1x16xf32>,
        %get3A_840 = vector.shape_cast %get3A_839 : vector<1x16xf32> to vector<16xf32>
        %mul3A_841 = arith.constant 11.3137083 : f32
        %mul3A_842 = vector.broadcast %mul3A_841 : f32 to vector<16xf32>
        %mul3A_843 = arith.mulf %get3A_840, %mul3A_842 : vector<16xf32>
        %swap3A_844 = arith.index_cast %scan3A_802 : i32 to index
        %swap3A_845 = arith.constant 48 : index
        %swap3A_846 = tpu.vector_load %arg13[%swap3A_844, %swap3A_845] {strides = array<i32>} : memref<100x128xf32, #tpu.memory_space<vmem>>, vector<1x16xf32>,
        %swap3A_847 = vector.shape_cast %swap3A_846 : vector<1x16xf32> to vector<16xf32>
        %swap3A_848 = vector.shape_cast %mul3A_843 : vector<16xf32> to vector<1x16xf32>
        tpu.vector_store %arg13[%swap3A_844, %swap3A_845], %swap3A_848 {strides = array<i32>} : memref<100x128xf32, #tpu.memory_space<vmem>>, vector<1x16xf32>,
        %get3A_849 = arith.index_cast %scan3A_802 : i32 to index
        %get3A_850 = arith.constant 64 : index
        %get3A_851 = tpu.vector_load %arg13[%get3A_849, %get3A_850] {strides = array<i32>} : memref<100x128xf32, #tpu.memory_space<vmem>>, vector<1x16xf32>,
        %get3A_852 = vector.shape_cast %get3A_851 : vector<1x16xf32> to vector<16xf32>
        %mul3A_853 = arith.constant 11.3137083 : f32
        %mul3A_854 = vector.broadcast %mul3A_853 : f32 to vector<16xf32>
        %mul3A_855 = arith.mulf %get3A_852, %mul3A_854 : vector<16xf32>
        %swap3A_856 = arith.index_cast %scan3A_802 : i32 to index
        %swap3A_857 = arith.constant 64 : index
        %swap3A_858 = tpu.vector_load %arg13[%swap3A_856, %swap3A_857] {strides = array<i32>} : memref<100x128xf32, #tpu.memory_space<vmem>>, vector<1x16xf32>,
        %swap3A_859 = vector.shape_cast %swap3A_858 : vector<1x16xf32> to vector<16xf32>
        %swap3A_860 = vector.shape_cast %mul3A_855 : vector<16xf32> to vector<1x16xf32>
        tpu.vector_store %arg13[%swap3A_856, %swap3A_857], %swap3A_860 {strides = array<i32>} : memref<100x128xf32, #tpu.memory_space<vmem>>, vector<1x16xf32>,
        %get3A_861 = arith.index_cast %scan3A_802 : i32 to index
        %get3A_862 = arith.constant 80 : index
        %get3A_863 = tpu.vector_load %arg13[%get3A_861, %get3A_862] {strides = array<i32>} : memref<100x128xf32, #tpu.memory_space<vmem>>, vector<1x16xf32>,
        %get3A_864 = vector.shape_cast %get3A_863 : vector<1x16xf32> to vector<16xf32>
        %mul3A_865 = arith.constant 11.3137083 : f32
        %mul3A_866 = vector.broadcast %mul3A_865 : f32 to vector<16xf32>
        %mul3A_867 = arith.mulf %get3A_864, %mul3A_866 : vector<16xf32>
        %swap3A_868 = arith.index_cast %scan3A_802 : i32 to index
        %swap3A_869 = arith.constant 80 : index
        %swap3A_870 = tpu.vector_load %arg13[%swap3A_868, %swap3A_869] {strides = array<i32>} : memref<100x128xf32, #tpu.memory_space<vmem>>, vector<1x16xf32>,
        %swap3A_871 = vector.shape_cast %swap3A_870 : vector<1x16xf32> to vector<16xf32>
        %swap3A_872 = vector.shape_cast %mul3A_867 : vector<16xf32> to vector<1x16xf32>
        tpu.vector_store %arg13[%swap3A_868, %swap3A_869], %swap3A_872 {strides = array<i32>} : memref<100x128xf32, #tpu.memory_space<vmem>>, vector<1x16xf32>,
        %get3A_873 = arith.index_cast %scan3A_802 : i32 to index
        %get3A_874 = arith.constant 96 : index
        %get3A_875 = tpu.vector_load %arg13[%get3A_873, %get3A_874] {strides = array<i32>} : memref<100x128xf32, #tpu.memory_space<vmem>>, vector<1x16xf32>,
        %get3A_876 = vector.shape_cast %get3A_875 : vector<1x16xf32> to vector<16xf32>
        %mul3A_877 = arith.constant 11.3137083 : f32
        %mul3A_878 = vector.broadcast %mul3A_877 : f32 to vector<16xf32>
        %mul3A_879 = arith.mulf %get3A_876, %mul3A_878 : vector<16xf32>
        %swap3A_880 = arith.index_cast %scan3A_802 : i32 to index
        %swap3A_881 = arith.constant 96 : index
        %swap3A_882 = tpu.vector_load %arg13[%swap3A_880, %swap3A_881] {strides = array<i32>} : memref<100x128xf32, #tpu.memory_space<vmem>>, vector<1x16xf32>,
        %swap3A_883 = vector.shape_cast %swap3A_882 : vector<1x16xf32> to vector<16xf32>
        %swap3A_884 = vector.shape_cast %mul3A_879 : vector<16xf32> to vector<1x16xf32>
        tpu.vector_store %arg13[%swap3A_880, %swap3A_881], %swap3A_884 {strides = array<i32>} : memref<100x128xf32, #tpu.memory_space<vmem>>, vector<1x16xf32>,
        %get3A_885 = arith.index_cast %scan3A_802 : i32 to index
        %get3A_886 = arith.constant 112 : index
        %get3A_887 = tpu.vector_load %arg13[%get3A_885, %get3A_886] {strides = array<i32>} : memref<100x128xf32, #tpu.memory_space<vmem>>, vector<1x16xf32>,
        %get3A_888 = vector.shape_cast %get3A_887 : vector<1x16xf32> to vector<16xf32>
        %mul3A_889 = arith.constant 11.3137083 : f32
        %mul3A_890 = vector.broadcast %mul3A_889 : f32 to vector<16xf32>
        %mul3A_891 = arith.mulf %get3A_888, %mul3A_890 : vector<16xf32>
        %swap3A_892 = arith.index_cast %scan3A_802 : i32 to index
        %swap3A_893 = arith.constant 112 : index
        %swap3A_894 = tpu.vector_load %arg13[%swap3A_892, %swap3A_893] {strides = array<i32>} : memref<100x128xf32, #tpu.memory_space<vmem>>, vector<1x16xf32>,
        %swap3A_895 = vector.shape_cast %swap3A_894 : vector<1x16xf32> to vector<16xf32>
        %swap3A_896 = vector.shape_cast %mul3A_891 : vector<16xf32> to vector<1x16xf32>
        tpu.vector_store %arg13[%swap3A_892, %swap3A_893], %swap3A_896 {strides = array<i32>} : memref<100x128xf32, #tpu.memory_space<vmem>>, vector<1x16xf32>,
      }
      %scan3A_757 = arith.constant 100 : i32
      %mul3A_758 = arith.constant 128 : i32
      %mul3A_759 = arith.muli %add3A, %mul3A_758 : i32
      %mul3A_760 = arith.constant 2 : i32
      %mul3A_761 = arith.muli %add3A_745, %mul3A_760 : i32
      %add3A_762 = arith.addi %mul3A_759, %mul3A_761 : i32
      %dma_start3A_763 = arith.constant 0 : i32
      %dma_start3A_764 = arith.constant 0 : i32
      %dma_start3A_765 = tpu.memref_slice %arg13[%dma_start3A_763, %dma_start3A_764] : memref<100x128xf32, #tpu.memory_space<vmem>> -> memref<50x128xf32, #tpu.memory_space<vmem>>
      %dma_start3A_766 = arith.constant 0 : i32
      %dma_start3A_767 = arith.constant 0 : i32
      %dma_start3A_768 = tpu.memref_slice %arg4[%add3A_762, %dma_start3A_766, %dma_start3A_767] : memref<4096x50x128xf32, #tpu.memory_space<hbm>> -> memref<1x50x128xf32, #tpu.memory_space<hbm>>
      %dma_start3A_769 = tpu.memref_squeeze %dma_start3A_768 : memref<1x50x128xf32, #tpu.memory_space<hbm>> -> memref<50x128xf32, #tpu.memory_space<hbm>>
      %dma_start3A_770 = arith.constant 0 : i32
      %dma_start3A_771 = arith.constant 0 : i32
      %dma_start3A_772 = tpu.memref_slice %arg4[%add3A_762, %dma_start3A_770, %dma_start3A_771] : memref<4096x50x128xf32, #tpu.memory_space<hbm>> -> memref<1x50x128xf32, #tpu.memory_space<hbm>>
      %dma_start3A_773 = tpu.memref_squeeze %dma_start3A_772 : memref<1x50x128xf32, #tpu.memory_space<hbm>> -> memref<50x128xf32, #tpu.memory_space<hbm>>
      %dma_start3A_774 = arith.constant 0 : i32
      %dma_start3A_775 = arith.constant 0 : i32
      %dma_start3A_776 = tpu.memref_slice %arg13[%dma_start3A_774, %dma_start3A_775] : memref<100x128xf32, #tpu.memory_space<vmem>> -> memref<50x128xf32, #tpu.memory_space<vmem>>
      tpu.enqueue_dma source(%dma_start3A_776 : memref<50x128xf32, #tpu.memory_space<vmem>>) target(%dma_start3A_773 : memref<50x128xf32, #tpu.memory_space<hbm>>) target_semaphore(%arg29 : memref<!tpu.dma_semaphore, #tpu.memory_space<semaphore_mem>>)
      %add3A_777 = arith.constant 1 : i32
      %add3A_778 = arith.addi %add3A_762, %add3A_777 : i32
      %dma_start3A_779 = arith.constant 50 : i32
      %dma_start3A_780 = arith.constant 0 : i32
      %dma_start3A_781 = tpu.memref_slice %arg13[%dma_start3A_779, %dma_start3A_780] : memref<100x128xf32, #tpu.memory_space<vmem>> -> memref<50x128xf32, #tpu.memory_space<vmem>>
      %dma_start3A_782 = arith.constant 0 : i32
      %dma_start3A_783 = arith.constant 0 : i32
      %dma_start3A_784 = tpu.memref_slice %arg4[%add3A_778, %dma_start3A_782, %dma_start3A_783] : memref<4096x50x128xf32, #tpu.memory_space<hbm>> -> memref<1x50x128xf32, #tpu.memory_space<hbm>>
      %dma_start3A_785 = tpu.memref_squeeze %dma_start3A_784 : memref<1x50x128xf32, #tpu.memory_space<hbm>> -> memref<50x128xf32, #tpu.memory_space<hbm>>
      %dma_start3A_786 = arith.constant 0 : i32
      %dma_start3A_787 = arith.constant 0 : i32
      %dma_start3A_788 = tpu.memref_slice %arg4[%add3A_778, %dma_start3A_786, %dma_start3A_787] : memref<4096x50x128xf32, #tpu.memory_space<hbm>> -> memref<1x50x128xf32, #tpu.memory_space<hbm>>
      %dma_start3A_789 = tpu.memref_squeeze %dma_start3A_788 : memref<1x50x128xf32, #tpu.memory_space<hbm>> -> memref<50x128xf32, #tpu.memory_space<hbm>>
      %dma_start3A_790 = arith.constant 50 : i32
      %dma_start3A_791 = arith.constant 0 : i32
      %dma_start3A_792 = tpu.memref_slice %arg13[%dma_start3A_790, %dma_start3A_791] : memref<100x128xf32, #tpu.memory_space<vmem>> -> memref<50x128xf32, #tpu.memory_space<vmem>>
      tpu.enqueue_dma source(%dma_start3A_792 : memref<50x128xf32, #tpu.memory_space<vmem>>) target(%dma_start3A_789 : memref<50x128xf32, #tpu.memory_space<hbm>>) target_semaphore(%arg29 : memref<!tpu.dma_semaphore, #tpu.memory_space<semaphore_mem>>)
      %add3A_793 = arith.constant 8 : i32
      %add3A_794 = arith.addi %add3A_745, %add3A_793 : i32
      %sub3A_795 = arith.constant 1 : i32
      %sub3A_796 = arith.subi %add3A_794, %sub3A_795 : i32
      %lt3A_797 = arith.constant 64 : i32
      %lt3A_798 = arith.cmpi slt, %sub3A_796, %lt3A_797 : i32
      %convert_element_type3A_799 = arith.extui %lt3A_798 : i1 to i32
      %cond3A_800 = arith.constant 0 : i32
      %cond3A_801 = arith.cmpi ne, %convert_element_type3A_799, %cond3A_800 : i32
      scf.if %cond3A_801 {
        %ge3A = arith.constant 1 : i32
        %ge3A_802 = arith.cmpi sge, %add3A_745, %ge3A : i32
        %convert_element_type3A_803 = arith.extui %ge3A_802 : i1 to i32
        %cond3A_804 = arith.constant 0 : i32
        %cond3A_805 = arith.cmpi ne, %convert_element_type3A_803, %cond3A_804 : i32
        scf.if %cond3A_805 {
          %sub3A_816 = arith.constant 1 : i32
          %sub3A_817 = arith.subi %add3A_745, %sub3A_816 : i32
          %mul3A_818 = arith.constant 128 : i32
          %mul3A_819 = arith.muli %add3A, %mul3A_818 : i32
          %mul3A_820 = arith.constant 2 : i32
          %mul3A_821 = arith.muli %sub3A_817, %mul3A_820 : i32
          %add3A_822 = arith.addi %mul3A_819, %mul3A_821 : i32
          %dma_wait3A_823 = arith.constant 0 : i32
          %dma_wait3A_824 = arith.constant 0 : i32
          %dma_wait3A_825 = tpu.memref_slice %arg12[%dma_wait3A_823, %dma_wait3A_824] : memref<100x128xf32, #tpu.memory_space<vmem>> -> memref<50x128xf32, #tpu.memory_space<vmem>>
          %dma_wait3A_826 = arith.constant 0 : i32
          %dma_wait3A_827 = arith.constant 0 : i32
          %dma_wait3A_828 = tpu.memref_slice %arg4[%add3A_822, %dma_wait3A_826, %dma_wait3A_827] : memref<4096x50x128xf32, #tpu.memory_space<hbm>> -> memref<1x50x128xf32, #tpu.memory_space<hbm>>
          %dma_wait3A_829 = tpu.memref_squeeze %dma_wait3A_828 : memref<1x50x128xf32, #tpu.memory_space<hbm>> -> memref<50x128xf32, #tpu.memory_space<hbm>>
          %dma_wait3A_830 = arith.constant 0 : i32
          %dma_wait3A_831 = arith.constant 0 : i32
          %dma_wait3A_832 = tpu.memref_slice %arg4[%add3A_822, %dma_wait3A_830, %dma_wait3A_831] : memref<4096x50x128xf32, #tpu.memory_space<hbm>> -> memref<1x50x128xf32, #tpu.memory_space<hbm>>
          %dma_wait3A_833 = tpu.memref_squeeze %dma_wait3A_832 : memref<1x50x128xf32, #tpu.memory_space<hbm>> -> memref<50x128xf32, #tpu.memory_space<hbm>>
          %dma_wait3A_834 = arith.constant 0 : i32
          %dma_wait3A_835 = arith.constant 0 : i32
          %dma_wait3A_836 = tpu.memref_slice %arg12[%dma_wait3A_834, %dma_wait3A_835] : memref<100x128xf32, #tpu.memory_space<vmem>> -> memref<50x128xf32, #tpu.memory_space<vmem>>
          tpu.wait_dma2 semaphore(%arg28 : memref<!tpu.dma_semaphore, #tpu.memory_space<semaphore_mem>>) src(%dma_wait3A_836 : memref<50x128xf32, #tpu.memory_space<vmem>>) dst(%dma_wait3A_833 : memref<50x128xf32, #tpu.memory_space<hbm>>)
          %add3A_837 = arith.constant 1 : i32
          %add3A_838 = arith.addi %add3A_822, %add3A_837 : i32
          %dma_wait3A_839 = arith.constant 50 : i32
          %dma_wait3A_840 = arith.constant 0 : i32
          %dma_wait3A_841 = tpu.memref_slice %arg12[%dma_wait3A_839, %dma_wait3A_840] : memref<100x128xf32, #tpu.memory_space<vmem>> -> memref<50x128xf32, #tpu.memory_space<vmem>>
          %dma_wait3A_842 = arith.constant 0 : i32
          %dma_wait3A_843 = arith.constant 0 : i32
          %dma_wait3A_844 = tpu.memref_slice %arg4[%add3A_838, %dma_wait3A_842, %dma_wait3A_843] : memref<4096x50x128xf32, #tpu.memory_space<hbm>> -> memref<1x50x128xf32, #tpu.memory_space<hbm>>
          %dma_wait3A_845 = tpu.memref_squeeze %dma_wait3A_844 : memref<1x50x128xf32, #tpu.memory_space<hbm>> -> memref<50x128xf32, #tpu.memory_space<hbm>>
          %dma_wait3A_846 = arith.constant 0 : i32
          %dma_wait3A_847 = arith.constant 0 : i32
          %dma_wait3A_848 = tpu.memref_slice %arg4[%add3A_838, %dma_wait3A_846, %dma_wait3A_847] : memref<4096x50x128xf32, #tpu.memory_space<hbm>> -> memref<1x50x128xf32, #tpu.memory_space<hbm>>
          %dma_wait3A_849 = tpu.memref_squeeze %dma_wait3A_848 : memref<1x50x128xf32, #tpu.memory_space<hbm>> -> memref<50x128xf32, #tpu.memory_space<hbm>>
          %dma_wait3A_850 = arith.constant 50 : i32
          %dma_wait3A_851 = arith.constant 0 : i32
          %dma_wait3A_852 = tpu.memref_slice %arg12[%dma_wait3A_850, %dma_wait3A_851] : memref<100x128xf32, #tpu.memory_space<vmem>> -> memref<50x128xf32, #tpu.memory_space<vmem>>
          tpu.wait_dma2 semaphore(%arg28 : memref<!tpu.dma_semaphore, #tpu.memory_space<semaphore_mem>>) src(%dma_wait3A_852 : memref<50x128xf32, #tpu.memory_space<vmem>>) dst(%dma_wait3A_849 : memref<50x128xf32, #tpu.memory_space<hbm>>)
        } else {
        }
        %add3A_806 = arith.constant 8 : i32
        %add3A_807 = arith.addi %add3A_745, %add3A_806 : i32
        %sub3A_808 = arith.constant 1 : i32
        %sub3A_809 = arith.subi %add3A_807, %sub3A_808 : i32
        %dma_start3A_810 = arith.constant 0 : i32
        %dma_start3A_811 = tpu.memref_slice %arg5[%sub3A_809, %dma_start3A_810] : memref<64x100xi32, #tpu.memory_space<vmem>> -> memref<1x100xi32, #tpu.memory_space<vmem>>
        %dma_start3A_812 = tpu.memref_squeeze %dma_start3A_811 : memref<1x100xi32, #tpu.memory_space<vmem>> -> memref<100xi32, #tpu.memory_space<vmem>>
        %dma_start3A_813 = arith.constant 0 : i32
        %dma_start3A_814 = arith.constant 0 : i32
        %dma_start3A_815 = tpu.memref_slice %arg3[%dma_start3A_813, %dma_start3A_814] : memref<100000x128xf32, #tpu.memory_space<hbm>> -> memref<100000x128xf32, #tpu.memory_space<hbm>>
        tpu.enqueue_indirect_dma source(%dma_start3A_815 : memref<100000x128xf32, #tpu.memory_space<hbm>>) target(%arg12 : memref<100x128xf32, #tpu.memory_space<vmem>>) offsets(%dma_start3A_812 : memref<100xi32, #tpu.memory_space<vmem>>) semaphore(%arg20 : memref<!tpu.dma_semaphore, #tpu.memory_space<semaphore_mem>>)
      } else {
      }
    }
    %scan3A_53 = arith.constant 8 : i32
    %mul3A_54 = arith.constant 128 : i32
    %mul3A_55 = arith.muli %add3A, %mul3A_54 : i32
    %add3A_56 = arith.constant 112 : i32
    %add3A_57 = arith.addi %mul3A_55, %add3A_56 : i32
    %dma_wait3A = arith.constant 0 : i32
    %dma_wait3A_58 = arith.constant 0 : i32
    %dma_wait3A_59 = tpu.memref_slice %arg6[%dma_wait3A, %dma_wait3A_58] : memref<100x128xf32, #tpu.memory_space<vmem>> -> memref<50x128xf32, #tpu.memory_space<vmem>>
    %dma_wait3A_60 = arith.constant 0 : i32
    %dma_wait3A_61 = arith.constant 0 : i32
    %dma_wait3A_62 = tpu.memref_slice %arg4[%add3A_57, %dma_wait3A_60, %dma_wait3A_61] : memref<4096x50x128xf32, #tpu.memory_space<hbm>> -> memref<1x50x128xf32, #tpu.memory_space<hbm>>
    %dma_wait3A_63 = tpu.memref_squeeze %dma_wait3A_62 : memref<1x50x128xf32, #tpu.memory_space<hbm>> -> memref<50x128xf32, #tpu.memory_space<hbm>>
    %dma_wait3A_64 = arith.constant 0 : i32
    %dma_wait3A_65 = arith.constant 0 : i32
    %dma_wait3A_66 = tpu.memref_slice %arg4[%add3A_57, %dma_wait3A_64, %dma_wait3A_65] : memref<4096x50x128xf32, #tpu.memory_space<hbm>> -> memref<1x50x128xf32, #tpu.memory_space<hbm>>
    %dma_wait3A_67 = tpu.memref_squeeze %dma_wait3A_66 : memref<1x50x128xf32, #tpu.memory_space<hbm>> -> memref<50x128xf32, #tpu.memory_space<hbm>>
    %dma_wait3A_68 = arith.constant 0 : i32
    %dma_wait3A_69 = arith.constant 0 : i32
    %dma_wait3A_70 = tpu.memref_slice %arg6[%dma_wait3A_68, %dma_wait3A_69] : memref<100x128xf32, #tpu.memory_space<vmem>> -> memref<50x128xf32, #tpu.memory_space<vmem>>
    tpu.wait_dma2 semaphore(%arg22 : memref<!tpu.dma_semaphore, #tpu.memory_space<semaphore_mem>>) src(%dma_wait3A_70 : memref<50x128xf32, #tpu.memory_space<vmem>>) dst(%dma_wait3A_67 : memref<50x128xf32, #tpu.memory_space<hbm>>)
    %add3A_71 = arith.constant 1 : i32
    %add3A_72 = arith.addi %add3A_57, %add3A_71 : i32
    %dma_wait3A_73 = arith.constant 50 : i32
    %dma_wait3A_74 = arith.constant 0 : i32
    %dma_wait3A_75 = tpu.memref_slice %arg6[%dma_wait3A_73, %dma_wait3A_74] : memref<100x128xf32, #tpu.memory_space<vmem>> -> memref<50x128xf32, #tpu.memory_space<vmem>>
    %dma_wait3A_76 = arith.constant 0 : i32
    %dma_wait3A_77 = arith.constant 0 : i32
    %dma_wait3A_78 = tpu.memref_slice %arg4[%add3A_72, %dma_wait3A_76, %dma_wait3A_77] : memref<4096x50x128xf32, #tpu.memory_space<hbm>> -> memref<1x50x128xf32, #tpu.memory_space<hbm>>
    %dma_wait3A_79 = tpu.memref_squeeze %dma_wait3A_78 : memref<1x50x128xf32, #tpu.memory_space<hbm>> -> memref<50x128xf32, #tpu.memory_space<hbm>>
    %dma_wait3A_80 = arith.constant 0 : i32
    %dma_wait3A_81 = arith.constant 0 : i32
    %dma_wait3A_82 = tpu.memref_slice %arg4[%add3A_72, %dma_wait3A_80, %dma_wait3A_81] : memref<4096x50x128xf32, #tpu.memory_space<hbm>> -> memref<1x50x128xf32, #tpu.memory_space<hbm>>
    %dma_wait3A_83 = tpu.memref_squeeze %dma_wait3A_82 : memref<1x50x128xf32, #tpu.memory_space<hbm>> -> memref<50x128xf32, #tpu.memory_space<hbm>>
    %dma_wait3A_84 = arith.constant 50 : i32
    %dma_wait3A_85 = arith.constant 0 : i32
    %dma_wait3A_86 = tpu.memref_slice %arg6[%dma_wait3A_84, %dma_wait3A_85] : memref<100x128xf32, #tpu.memory_space<vmem>> -> memref<50x128xf32, #tpu.memory_space<vmem>>
    tpu.wait_dma2 semaphore(%arg22 : memref<!tpu.dma_semaphore, #tpu.memory_space<semaphore_mem>>) src(%dma_wait3A_86 : memref<50x128xf32, #tpu.memory_space<vmem>>) dst(%dma_wait3A_83 : memref<50x128xf32, #tpu.memory_space<hbm>>)
    %mul3A_87 = arith.constant 128 : i32
    %mul3A_88 = arith.muli %add3A, %mul3A_87 : i32
    %add3A_89 = arith.constant 114 : i32
    %add3A_90 = arith.addi %mul3A_88, %add3A_89 : i32
    %dma_wait3A_91 = arith.constant 0 : i32
    %dma_wait3A_92 = arith.constant 0 : i32
    %dma_wait3A_93 = tpu.memref_slice %arg7[%dma_wait3A_91, %dma_wait3A_92] : memref<100x128xf32, #tpu.memory_space<vmem>> -> memref<50x128xf32, #tpu.memory_space<vmem>>
    %dma_wait3A_94 = arith.constant 0 : i32
    %dma_wait3A_95 = arith.constant 0 : i32
    %dma_wait3A_96 = tpu.memref_slice %arg4[%add3A_90, %dma_wait3A_94, %dma_wait3A_95] : memref<4096x50x128xf32, #tpu.memory_space<hbm>> -> memref<1x50x128xf32, #tpu.memory_space<hbm>>
    %dma_wait3A_97 = tpu.memref_squeeze %dma_wait3A_96 : memref<1x50x128xf32, #tpu.memory_space<hbm>> -> memref<50x128xf32, #tpu.memory_space<hbm>>
    %dma_wait3A_98 = arith.constant 0 : i32
    %dma_wait3A_99 = arith.constant 0 : i32
    %dma_wait3A_100 = tpu.memref_slice %arg4[%add3A_90, %dma_wait3A_98, %dma_wait3A_99] : memref<4096x50x128xf32, #tpu.memory_space<hbm>> -> memref<1x50x128xf32, #tpu.memory_space<hbm>>
    %dma_wait3A_101 = tpu.memref_squeeze %dma_wait3A_100 : memref<1x50x128xf32, #tpu.memory_space<hbm>> -> memref<50x128xf32, #tpu.memory_space<hbm>>
    %dma_wait3A_102 = arith.constant 0 : i32
    %dma_wait3A_103 = arith.constant 0 : i32
    %dma_wait3A_104 = tpu.memref_slice %arg7[%dma_wait3A_102, %dma_wait3A_103] : memref<100x128xf32, #tpu.memory_space<vmem>> -> memref<50x128xf32, #tpu.memory_space<vmem>>
    tpu.wait_dma2 semaphore(%arg23 : memref<!tpu.dma_semaphore, #tpu.memory_space<semaphore_mem>>) src(%dma_wait3A_104 : memref<50x128xf32, #tpu.memory_space<vmem>>) dst(%dma_wait3A_101 : memref<50x128xf32, #tpu.memory_space<hbm>>)
    %add3A_105 = arith.constant 1 : i32
    %add3A_106 = arith.addi %add3A_90, %add3A_105 : i32
    %dma_wait3A_107 = arith.constant 50 : i32
    %dma_wait3A_108 = arith.constant 0 : i32
    %dma_wait3A_109 = tpu.memref_slice %arg7[%dma_wait3A_107, %dma_wait3A_108] : memref<100x128xf32, #tpu.memory_space<vmem>> -> memref<50x128xf32, #tpu.memory_space<vmem>>
    %dma_wait3A_110 = arith.constant 0 : i32
    %dma_wait3A_111 = arith.constant 0 : i32
    %dma_wait3A_112 = tpu.memref_slice %arg4[%add3A_106, %dma_wait3A_110, %dma_wait3A_111] : memref<4096x50x128xf32, #tpu.memory_space<hbm>> -> memref<1x50x128xf32, #tpu.memory_space<hbm>>
    %dma_wait3A_113 = tpu.memref_squeeze %dma_wait3A_112 : memref<1x50x128xf32, #tpu.memory_space<hbm>> -> memref<50x128xf32, #tpu.memory_space<hbm>>
    %dma_wait3A_114 = arith.constant 0 : i32
    %dma_wait3A_115 = arith.constant 0 : i32
    %dma_wait3A_116 = tpu.memref_slice %arg4[%add3A_106, %dma_wait3A_114, %dma_wait3A_115] : memref<4096x50x128xf32, #tpu.memory_space<hbm>> -> memref<1x50x128xf32, #tpu.memory_space<hbm>>
    %dma_wait3A_117 = tpu.memref_squeeze %dma_wait3A_116 : memref<1x50x128xf32, #tpu.memory_space<hbm>> -> memref<50x128xf32, #tpu.memory_space<hbm>>
    %dma_wait3A_118 = arith.constant 50 : i32
    %dma_wait3A_119 = arith.constant 0 : i32
    %dma_wait3A_120 = tpu.memref_slice %arg7[%dma_wait3A_118, %dma_wait3A_119] : memref<100x128xf32, #tpu.memory_space<vmem>> -> memref<50x128xf32, #tpu.memory_space<vmem>>
    tpu.wait_dma2 semaphore(%arg23 : memref<!tpu.dma_semaphore, #tpu.memory_space<semaphore_mem>>) src(%dma_wait3A_120 : memref<50x128xf32, #tpu.memory_space<vmem>>) dst(%dma_wait3A_117 : memref<50x128xf32, #tpu.memory_space<hbm>>)
    %mul3A_121 = arith.constant 128 : i32
    %mul3A_122 = arith.muli %add3A, %mul3A_121 : i32
    %add3A_123 = arith.constant 116 : i32
    %add3A_124 = arith.addi %mul3A_122, %add3A_123 : i32
    %dma_wait3A_125 = arith.constant 0 : i32
    %dma_wait3A_126 = arith.constant 0 : i32
    %dma_wait3A_127 = tpu.memref_slice %arg8[%dma_wait3A_125, %dma_wait3A_126] : memref<100x128xf32, #tpu.memory_space<vmem>> -> memref<50x128xf32, #tpu.memory_space<vmem>>
    %dma_wait3A_128 = arith.constant 0 : i32
    %dma_wait3A_129 = arith.constant 0 : i32
    %dma_wait3A_130 = tpu.memref_slice %arg4[%add3A_124, %dma_wait3A_128, %dma_wait3A_129] : memref<4096x50x128xf32, #tpu.memory_space<hbm>> -> memref<1x50x128xf32, #tpu.memory_space<hbm>>
    %dma_wait3A_131 = tpu.memref_squeeze %dma_wait3A_130 : memref<1x50x128xf32, #tpu.memory_space<hbm>> -> memref<50x128xf32, #tpu.memory_space<hbm>>
    %dma_wait3A_132 = arith.constant 0 : i32
    %dma_wait3A_133 = arith.constant 0 : i32
    %dma_wait3A_134 = tpu.memref_slice %arg4[%add3A_124, %dma_wait3A_132, %dma_wait3A_133] : memref<4096x50x128xf32, #tpu.memory_space<hbm>> -> memref<1x50x128xf32, #tpu.memory_space<hbm>>
    %dma_wait3A_135 = tpu.memref_squeeze %dma_wait3A_134 : memref<1x50x128xf32, #tpu.memory_space<hbm>> -> memref<50x128xf32, #tpu.memory_space<hbm>>
    %dma_wait3A_136 = arith.constant 0 : i32
    %dma_wait3A_137 = arith.constant 0 : i32
    %dma_wait3A_138 = tpu.memref_slice %arg8[%dma_wait3A_136, %dma_wait3A_137] : memref<100x128xf32, #tpu.memory_space<vmem>> -> memref<50x128xf32, #tpu.memory_space<vmem>>
    tpu.wait_dma2 semaphore(%arg24 : memref<!tpu.dma_semaphore, #tpu.memory_space<semaphore_mem>>) src(%dma_wait3A_138 : memref<50x128xf32, #tpu.memory_space<vmem>>) dst(%dma_wait3A_135 : memref<50x128xf32, #tpu.memory_space<hbm>>)
    %add3A_139 = arith.constant 1 : i32
    %add3A_140 = arith.addi %add3A_124, %add3A_139 : i32
    %dma_wait3A_141 = arith.constant 50 : i32
    %dma_wait3A_142 = arith.constant 0 : i32
    %dma_wait3A_143 = tpu.memref_slice %arg8[%dma_wait3A_141, %dma_wait3A_142] : memref<100x128xf32, #tpu.memory_space<vmem>> -> memref<50x128xf32, #tpu.memory_space<vmem>>
    %dma_wait3A_144 = arith.constant 0 : i32
    %dma_wait3A_145 = arith.constant 0 : i32
    %dma_wait3A_146 = tpu.memref_slice %arg4[%add3A_140, %dma_wait3A_144, %dma_wait3A_145] : memref<4096x50x128xf32, #tpu.memory_space<hbm>> -> memref<1x50x128xf32, #tpu.memory_space<hbm>>
    %dma_wait3A_147 = tpu.memref_squeeze %dma_wait3A_146 : memref<1x50x128xf32, #tpu.memory_space<hbm>> -> memref<50x128xf32, #tpu.memory_space<hbm>>
    %dma_wait3A_148 = arith.constant 0 : i32
    %dma_wait3A_149 = arith.constant 0 : i32
    %dma_wait3A_150 = tpu.memref_slice %arg4[%add3A_140, %dma_wait3A_148, %dma_wait3A_149] : memref<4096x50x128xf32, #tpu.memory_space<hbm>> -> memref<1x50x128xf32, #tpu.memory_space<hbm>>
    %dma_wait3A_151 = tpu.memref_squeeze %dma_wait3A_150 : memref<1x50x128xf32, #tpu.memory_space<hbm>> -> memref<50x128xf32, #tpu.memory_space<hbm>>
    %dma_wait3A_152 = arith.constant 50 : i32
    %dma_wait3A_153 = arith.constant 0 : i32
    %dma_wait3A_154 = tpu.memref_slice %arg8[%dma_wait3A_152, %dma_wait3A_153] : memref<100x128xf32, #tpu.memory_space<vmem>> -> memref<50x128xf32, #tpu.memory_space<vmem>>
    tpu.wait_dma2 semaphore(%arg24 : memref<!tpu.dma_semaphore, #tpu.memory_space<semaphore_mem>>) src(%dma_wait3A_154 : memref<50x128xf32, #tpu.memory_space<vmem>>) dst(%dma_wait3A_151 : memref<50x128xf32, #tpu.memory_space<hbm>>)
    %mul3A_155 = arith.constant 128 : i32
    %mul3A_156 = arith.muli %add3A, %mul3A_155 : i32
    %add3A_157 = arith.constant 118 : i32
    %add3A_158 = arith.addi %mul3A_156, %add3A_157 : i32
    %dma_wait3A_159 = arith.constant 0 : i32
    %dma_wait3A_160 = arith.constant 0 : i32
    %dma_wait3A_161 = tpu.memref_slice %arg9[%dma_wait3A_159, %dma_wait3A_160] : memref<100x128xf32, #tpu.memory_space<vmem>> -> memref<50x128xf32, #tpu.memory_space<vmem>>
    %dma_wait3A_162 = arith.constant 0 : i32
    %dma_wait3A_163 = arith.constant 0 : i32
    %dma_wait3A_164 = tpu.memref_slice %arg4[%add3A_158, %dma_wait3A_162, %dma_wait3A_163] : memref<4096x50x128xf32, #tpu.memory_space<hbm>> -> memref<1x50x128xf32, #tpu.memory_space<hbm>>
    %dma_wait3A_165 = tpu.memref_squeeze %dma_wait3A_164 : memref<1x50x128xf32, #tpu.memory_space<hbm>> -> memref<50x128xf32, #tpu.memory_space<hbm>>
    %dma_wait3A_166 = arith.constant 0 : i32
    %dma_wait3A_167 = arith.constant 0 : i32
    %dma_wait3A_168 = tpu.memref_slice %arg4[%add3A_158, %dma_wait3A_166, %dma_wait3A_167] : memref<4096x50x128xf32, #tpu.memory_space<hbm>> -> memref<1x50x128xf32, #tpu.memory_space<hbm>>
    %dma_wait3A_169 = tpu.memref_squeeze %dma_wait3A_168 : memref<1x50x128xf32, #tpu.memory_space<hbm>> -> memref<50x128xf32, #tpu.memory_space<hbm>>
    %dma_wait3A_170 = arith.constant 0 : i32
    %dma_wait3A_171 = arith.constant 0 : i32
    %dma_wait3A_172 = tpu.memref_slice %arg9[%dma_wait3A_170, %dma_wait3A_171] : memref<100x128xf32, #tpu.memory_space<vmem>> -> memref<50x128xf32, #tpu.memory_space<vmem>>
    tpu.wait_dma2 semaphore(%arg25 : memref<!tpu.dma_semaphore, #tpu.memory_space<semaphore_mem>>) src(%dma_wait3A_172 : memref<50x128xf32, #tpu.memory_space<vmem>>) dst(%dma_wait3A_169 : memref<50x128xf32, #tpu.memory_space<hbm>>)
    %add3A_173 = arith.constant 1 : i32
    %add3A_174 = arith.addi %add3A_158, %add3A_173 : i32
    %dma_wait3A_175 = arith.constant 50 : i32
    %dma_wait3A_176 = arith.constant 0 : i32
    %dma_wait3A_177 = tpu.memref_slice %arg9[%dma_wait3A_175, %dma_wait3A_176] : memref<100x128xf32, #tpu.memory_space<vmem>> -> memref<50x128xf32, #tpu.memory_space<vmem>>
    %dma_wait3A_178 = arith.constant 0 : i32
    %dma_wait3A_179 = arith.constant 0 : i32
    %dma_wait3A_180 = tpu.memref_slice %arg4[%add3A_174, %dma_wait3A_178, %dma_wait3A_179] : memref<4096x50x128xf32, #tpu.memory_space<hbm>> -> memref<1x50x128xf32, #tpu.memory_space<hbm>>
    %dma_wait3A_181 = tpu.memref_squeeze %dma_wait3A_180 : memref<1x50x128xf32, #tpu.memory_space<hbm>> -> memref<50x128xf32, #tpu.memory_space<hbm>>
    %dma_wait3A_182 = arith.constant 0 : i32
    %dma_wait3A_183 = arith.constant 0 : i32
    %dma_wait3A_184 = tpu.memref_slice %arg4[%add3A_174, %dma_wait3A_182, %dma_wait3A_183] : memref<4096x50x128xf32, #tpu.memory_space<hbm>> -> memref<1x50x128xf32, #tpu.memory_space<hbm>>
    %dma_wait3A_185 = tpu.memref_squeeze %dma_wait3A_184 : memref<1x50x128xf32, #tpu.memory_space<hbm>> -> memref<50x128xf32, #tpu.memory_space<hbm>>
    %dma_wait3A_186 = arith.constant 50 : i32
    %dma_wait3A_187 = arith.constant 0 : i32
    %dma_wait3A_188 = tpu.memref_slice %arg9[%dma_wait3A_186, %dma_wait3A_187] : memref<100x128xf32, #tpu.memory_space<vmem>> -> memref<50x128xf32, #tpu.memory_space<vmem>>
    tpu.wait_dma2 semaphore(%arg25 : memref<!tpu.dma_semaphore, #tpu.memory_space<semaphore_mem>>) src(%dma_wait3A_188 : memref<50x128xf32, #tpu.memory_space<vmem>>) dst(%dma_wait3A_185 : memref<50x128xf32, #tpu.memory_space<hbm>>)
    %mul3A_189 = arith.constant 128 : i32
    %mul3A_190 = arith.muli %add3A, %mul3A_189 : i32
    %add3A_191 = arith.constant 120 : i32
    %add3A_192 = arith.addi %mul3A_190, %add3A_191 : i32
    %dma_wait3A_193 = arith.constant 0 : i32
    %dma_wait3A_194 = arith.constant 0 : i32
    %dma_wait3A_195 = tpu.memref_slice %arg10[%dma_wait3A_193, %dma_wait3A_194] : memref<100x128xf32, #tpu.memory_space<vmem>> -> memref<50x128xf32, #tpu.memory_space<vmem>>
    %dma_wait3A_196 = arith.constant 0 : i32
    %dma_wait3A_197 = arith.constant 0 : i32
    %dma_wait3A_198 = tpu.memref_slice %arg4[%add3A_192, %dma_wait3A_196, %dma_wait3A_197] : memref<4096x50x128xf32, #tpu.memory_space<hbm>> -> memref<1x50x128xf32, #tpu.memory_space<hbm>>
    %dma_wait3A_199 = tpu.memref_squeeze %dma_wait3A_198 : memref<1x50x128xf32, #tpu.memory_space<hbm>> -> memref<50x128xf32, #tpu.memory_space<hbm>>
    %dma_wait3A_200 = arith.constant 0 : i32
    %dma_wait3A_201 = arith.constant 0 : i32
    %dma_wait3A_202 = tpu.memref_slice %arg4[%add3A_192, %dma_wait3A_200, %dma_wait3A_201] : memref<4096x50x128xf32, #tpu.memory_space<hbm>> -> memref<1x50x128xf32, #tpu.memory_space<hbm>>
    %dma_wait3A_203 = tpu.memref_squeeze %dma_wait3A_202 : memref<1x50x128xf32, #tpu.memory_space<hbm>> -> memref<50x128xf32, #tpu.memory_space<hbm>>
    %dma_wait3A_204 = arith.constant 0 : i32
    %dma_wait3A_205 = arith.constant 0 : i32
    %dma_wait3A_206 = tpu.memref_slice %arg10[%dma_wait3A_204, %dma_wait3A_205] : memref<100x128xf32, #tpu.memory_space<vmem>> -> memref<50x128xf32, #tpu.memory_space<vmem>>
    tpu.wait_dma2 semaphore(%arg26 : memref<!tpu.dma_semaphore, #tpu.memory_space<semaphore_mem>>) src(%dma_wait3A_206 : memref<50x128xf32, #tpu.memory_space<vmem>>) dst(%dma_wait3A_203 : memref<50x128xf32, #tpu.memory_space<hbm>>)
    %add3A_207 = arith.constant 1 : i32
    %add3A_208 = arith.addi %add3A_192, %add3A_207 : i32
    %dma_wait3A_209 = arith.constant 50 : i32
    %dma_wait3A_210 = arith.constant 0 : i32
    %dma_wait3A_211 = tpu.memref_slice %arg10[%dma_wait3A_209, %dma_wait3A_210] : memref<100x128xf32, #tpu.memory_space<vmem>> -> memref<50x128xf32, #tpu.memory_space<vmem>>
    %dma_wait3A_212 = arith.constant 0 : i32
    %dma_wait3A_213 = arith.constant 0 : i32
    %dma_wait3A_214 = tpu.memref_slice %arg4[%add3A_208, %dma_wait3A_212, %dma_wait3A_213] : memref<4096x50x128xf32, #tpu.memory_space<hbm>> -> memref<1x50x128xf32, #tpu.memory_space<hbm>>
    %dma_wait3A_215 = tpu.memref_squeeze %dma_wait3A_214 : memref<1x50x128xf32, #tpu.memory_space<hbm>> -> memref<50x128xf32, #tpu.memory_space<hbm>>
    %dma_wait3A_216 = arith.constant 0 : i32
    %dma_wait3A_217 = arith.constant 0 : i32
    %dma_wait3A_218 = tpu.memref_slice %arg4[%add3A_208, %dma_wait3A_216, %dma_wait3A_217] : memref<4096x50x128xf32, #tpu.memory_space<hbm>> -> memref<1x50x128xf32, #tpu.memory_space<hbm>>
    %dma_wait3A_219 = tpu.memref_squeeze %dma_wait3A_218 : memref<1x50x128xf32, #tpu.memory_space<hbm>> -> memref<50x128xf32, #tpu.memory_space<hbm>>
    %dma_wait3A_220 = arith.constant 50 : i32
    %dma_wait3A_221 = arith.constant 0 : i32
    %dma_wait3A_222 = tpu.memref_slice %arg10[%dma_wait3A_220, %dma_wait3A_221] : memref<100x128xf32, #tpu.memory_space<vmem>> -> memref<50x128xf32, #tpu.memory_space<vmem>>
    tpu.wait_dma2 semaphore(%arg26 : memref<!tpu.dma_semaphore, #tpu.memory_space<semaphore_mem>>) src(%dma_wait3A_222 : memref<50x128xf32, #tpu.memory_space<vmem>>) dst(%dma_wait3A_219 : memref<50x128xf32, #tpu.memory_space<hbm>>)
    %mul3A_223 = arith.constant 128 : i32
    %mul3A_224 = arith.muli %add3A, %mul3A_223 : i32
    %add3A_225 = arith.constant 122 : i32
    %add3A_226 = arith.addi %mul3A_224, %add3A_225 : i32
    %dma_wait3A_227 = arith.constant 0 : i32
    %dma_wait3A_228 = arith.constant 0 : i32
    %dma_wait3A_229 = tpu.memref_slice %arg11[%dma_wait3A_227, %dma_wait3A_228] : memref<100x128xf32, #tpu.memory_space<vmem>> -> memref<50x128xf32, #tpu.memory_space<vmem>>
    %dma_wait3A_230 = arith.constant 0 : i32
    %dma_wait3A_231 = arith.constant 0 : i32
    %dma_wait3A_232 = tpu.memref_slice %arg4[%add3A_226, %dma_wait3A_230, %dma_wait3A_231] : memref<4096x50x128xf32, #tpu.memory_space<hbm>> -> memref<1x50x128xf32, #tpu.memory_space<hbm>>
    %dma_wait3A_233 = tpu.memref_squeeze %dma_wait3A_232 : memref<1x50x128xf32, #tpu.memory_space<hbm>> -> memref<50x128xf32, #tpu.memory_space<hbm>>
    %dma_wait3A_234 = arith.constant 0 : i32
    %dma_wait3A_235 = arith.constant 0 : i32
    %dma_wait3A_236 = tpu.memref_slice %arg4[%add3A_226, %dma_wait3A_234, %dma_wait3A_235] : memref<4096x50x128xf32, #tpu.memory_space<hbm>> -> memref<1x50x128xf32, #tpu.memory_space<hbm>>
    %dma_wait3A_237 = tpu.memref_squeeze %dma_wait3A_236 : memref<1x50x128xf32, #tpu.memory_space<hbm>> -> memref<50x128xf32, #tpu.memory_space<hbm>>
    %dma_wait3A_238 = arith.constant 0 : i32
    %dma_wait3A_239 = arith.constant 0 : i32
    %dma_wait3A_240 = tpu.memref_slice %arg11[%dma_wait3A_238, %dma_wait3A_239] : memref<100x128xf32, #tpu.memory_space<vmem>> -> memref<50x128xf32, #tpu.memory_space<vmem>>
    tpu.wait_dma2 semaphore(%arg27 : memref<!tpu.dma_semaphore, #tpu.memory_space<semaphore_mem>>) src(%dma_wait3A_240 : memref<50x128xf32, #tpu.memory_space<vmem>>) dst(%dma_wait3A_237 : memref<50x128xf32, #tpu.memory_space<hbm>>)
    %add3A_241 = arith.constant 1 : i32
    %add3A_242 = arith.addi %add3A_226, %add3A_241 : i32
    %dma_wait3A_243 = arith.constant 50 : i32
    %dma_wait3A_244 = arith.constant 0 : i32
    %dma_wait3A_245 = tpu.memref_slice %arg11[%dma_wait3A_243, %dma_wait3A_244] : memref<100x128xf32, #tpu.memory_space<vmem>> -> memref<50x128xf32, #tpu.memory_space<vmem>>
    %dma_wait3A_246 = arith.constant 0 : i32
    %dma_wait3A_247 = arith.constant 0 : i32
    %dma_wait3A_248 = tpu.memref_slice %arg4[%add3A_242, %dma_wait3A_246, %dma_wait3A_247] : memref<4096x50x128xf32, #tpu.memory_space<hbm>> -> memref<1x50x128xf32, #tpu.memory_space<hbm>>
    %dma_wait3A_249 = tpu.memref_squeeze %dma_wait3A_248 : memref<1x50x128xf32, #tpu.memory_space<hbm>> -> memref<50x128xf32, #tpu.memory_space<hbm>>
    %dma_wait3A_250 = arith.constant 0 : i32
    %dma_wait3A_251 = arith.constant 0 : i32
    %dma_wait3A_252 = tpu.memref_slice %arg4[%add3A_242, %dma_wait3A_250, %dma_wait3A_251] : memref<4096x50x128xf32, #tpu.memory_space<hbm>> -> memref<1x50x128xf32, #tpu.memory_space<hbm>>
    %dma_wait3A_253 = tpu.memref_squeeze %dma_wait3A_252 : memref<1x50x128xf32, #tpu.memory_space<hbm>> -> memref<50x128xf32, #tpu.memory_space<hbm>>
    %dma_wait3A_254 = arith.constant 50 : i32
    %dma_wait3A_255 = arith.constant 0 : i32
    %dma_wait3A_256 = tpu.memref_slice %arg11[%dma_wait3A_254, %dma_wait3A_255] : memref<100x128xf32, #tpu.memory_space<vmem>> -> memref<50x128xf32, #tpu.memory_space<vmem>>
    tpu.wait_dma2 semaphore(%arg27 : memref<!tpu.dma_semaphore, #tpu.memory_space<semaphore_mem>>) src(%dma_wait3A_256 : memref<50x128xf32, #tpu.memory_space<vmem>>) dst(%dma_wait3A_253 : memref<50x128xf32, #tpu.memory_space<hbm>>)
    %mul3A_257 = arith.constant 128 : i32
    %mul3A_258 = arith.muli %add3A, %mul3A_257 : i32
    %add3A_259 = arith.constant 124 : i32
    %add3A_260 = arith.addi %mul3A_258, %add3A_259 : i32
    %dma_wait3A_261 = arith.constant 0 : i32
    %dma_wait3A_262 = arith.constant 0 : i32
    %dma_wait3A_263 = tpu.memref_slice %arg12[%dma_wait3A_261, %dma_wait3A_262] : memref<100x128xf32, #tpu.memory_space<vmem>> -> memref<50x128xf32, #tpu.memory_space<vmem>>
    %dma_wait3A_264 = arith.constant 0 : i32
    %dma_wait3A_265 = arith.constant 0 : i32
    %dma_wait3A_266 = tpu.memref_slice %arg4[%add3A_260, %dma_wait3A_264, %dma_wait3A_265] : memref<4096x50x128xf32, #tpu.memory_space<hbm>> -> memref<1x50x128xf32, #tpu.memory_space<hbm>>
    %dma_wait3A_267 = tpu.memref_squeeze %dma_wait3A_266 : memref<1x50x128xf32, #tpu.memory_space<hbm>> -> memref<50x128xf32, #tpu.memory_space<hbm>>
    %dma_wait3A_268 = arith.constant 0 : i32
    %dma_wait3A_269 = arith.constant 0 : i32
    %dma_wait3A_270 = tpu.memref_slice %arg4[%add3A_260, %dma_wait3A_268, %dma_wait3A_269] : memref<4096x50x128xf32, #tpu.memory_space<hbm>> -> memref<1x50x128xf32, #tpu.memory_space<hbm>>
    %dma_wait3A_271 = tpu.memref_squeeze %dma_wait3A_270 : memref<1x50x128xf32, #tpu.memory_space<hbm>> -> memref<50x128xf32, #tpu.memory_space<hbm>>
    %dma_wait3A_272 = arith.constant 0 : i32
    %dma_wait3A_273 = arith.constant 0 : i32
    %dma_wait3A_274 = tpu.memref_slice %arg12[%dma_wait3A_272, %dma_wait3A_273] : memref<100x128xf32, #tpu.memory_space<vmem>> -> memref<50x128xf32, #tpu.memory_space<vmem>>
    tpu.wait_dma2 semaphore(%arg28 : memref<!tpu.dma_semaphore, #tpu.memory_space<semaphore_mem>>) src(%dma_wait3A_274 : memref<50x128xf32, #tpu.memory_space<vmem>>) dst(%dma_wait3A_271 : memref<50x128xf32, #tpu.memory_space<hbm>>)
    %add3A_275 = arith.constant 1 : i32
    %add3A_276 = arith.addi %add3A_260, %add3A_275 : i32
    %dma_wait3A_277 = arith.constant 50 : i32
    %dma_wait3A_278 = arith.constant 0 : i32
    %dma_wait3A_279 = tpu.memref_slice %arg12[%dma_wait3A_277, %dma_wait3A_278] : memref<100x128xf32, #tpu.memory_space<vmem>> -> memref<50x128xf32, #tpu.memory_space<vmem>>
    %dma_wait3A_280 = arith.constant 0 : i32
    %dma_wait3A_281 = arith.constant 0 : i32
    %dma_wait3A_282 = tpu.memref_slice %arg4[%add3A_276, %dma_wait3A_280, %dma_wait3A_281] : memref<4096x50x128xf32, #tpu.memory_space<hbm>> -> memref<1x50x128xf32, #tpu.memory_space<hbm>>
    %dma_wait3A_283 = tpu.memref_squeeze %dma_wait3A_282 : memref<1x50x128xf32, #tpu.memory_space<hbm>> -> memref<50x128xf32, #tpu.memory_space<hbm>>
    %dma_wait3A_284 = arith.constant 0 : i32
    %dma_wait3A_285 = arith.constant 0 : i32
    %dma_wait3A_286 = tpu.memref_slice %arg4[%add3A_276, %dma_wait3A_284, %dma_wait3A_285] : memref<4096x50x128xf32, #tpu.memory_space<hbm>> -> memref<1x50x128xf32, #tpu.memory_space<hbm>>
    %dma_wait3A_287 = tpu.memref_squeeze %dma_wait3A_286 : memref<1x50x128xf32, #tpu.memory_space<hbm>> -> memref<50x128xf32, #tpu.memory_space<hbm>>
    %dma_wait3A_288 = arith.constant 50 : i32
    %dma_wait3A_289 = arith.constant 0 : i32
    %dma_wait3A_290 = tpu.memref_slice %arg12[%dma_wait3A_288, %dma_wait3A_289] : memref<100x128xf32, #tpu.memory_space<vmem>> -> memref<50x128xf32, #tpu.memory_space<vmem>>
    tpu.wait_dma2 semaphore(%arg28 : memref<!tpu.dma_semaphore, #tpu.memory_space<semaphore_mem>>) src(%dma_wait3A_290 : memref<50x128xf32, #tpu.memory_space<vmem>>) dst(%dma_wait3A_287 : memref<50x128xf32, #tpu.memory_space<hbm>>)
    %mul3A_291 = arith.constant 128 : i32
    %mul3A_292 = arith.muli %add3A, %mul3A_291 : i32
    %add3A_293 = arith.constant 126 : i32
    %add3A_294 = arith.addi %mul3A_292, %add3A_293 : i32
    %dma_wait3A_295 = arith.constant 0 : i32
    %dma_wait3A_296 = arith.constant 0 : i32
    %dma_wait3A_297 = tpu.memref_slice %arg13[%dma_wait3A_295, %dma_wait3A_296] : memref<100x128xf32, #tpu.memory_space<vmem>> -> memref<50x128xf32, #tpu.memory_space<vmem>>
    %dma_wait3A_298 = arith.constant 0 : i32
    %dma_wait3A_299 = arith.constant 0 : i32
    %dma_wait3A_300 = tpu.memref_slice %arg4[%add3A_294, %dma_wait3A_298, %dma_wait3A_299] : memref<4096x50x128xf32, #tpu.memory_space<hbm>> -> memref<1x50x128xf32, #tpu.memory_space<hbm>>
    %dma_wait3A_301 = tpu.memref_squeeze %dma_wait3A_300 : memref<1x50x128xf32, #tpu.memory_space<hbm>> -> memref<50x128xf32, #tpu.memory_space<hbm>>
    %dma_wait3A_302 = arith.constant 0 : i32
    %dma_wait3A_303 = arith.constant 0 : i32
    %dma_wait3A_304 = tpu.memref_slice %arg4[%add3A_294, %dma_wait3A_302, %dma_wait3A_303] : memref<4096x50x128xf32, #tpu.memory_space<hbm>> -> memref<1x50x128xf32, #tpu.memory_space<hbm>>
    %dma_wait3A_305 = tpu.memref_squeeze %dma_wait3A_304 : memref<1x50x128xf32, #tpu.memory_space<hbm>> -> memref<50x128xf32, #tpu.memory_space<hbm>>
    %dma_wait3A_306 = arith.constant 0 : i32
    %dma_wait3A_307 = arith.constant 0 : i32
    %dma_wait3A_308 = tpu.memref_slice %arg13[%dma_wait3A_306, %dma_wait3A_307] : memref<100x128xf32, #tpu.memory_space<vmem>> -> memref<50x128xf32, #tpu.memory_space<vmem>>
    tpu.wait_dma2 semaphore(%arg29 : memref<!tpu.dma_semaphore, #tpu.memory_space<semaphore_mem>>) src(%dma_wait3A_308 : memref<50x128xf32, #tpu.memory_space<vmem>>) dst(%dma_wait3A_305 : memref<50x128xf32, #tpu.memory_space<hbm>>)
    %add3A_309 = arith.constant 1 : i32
    %add3A_310 = arith.addi %add3A_294, %add3A_309 : i32
    %dma_wait3A_311 = arith.constant 50 : i32
    %dma_wait3A_312 = arith.constant 0 : i32
    %dma_wait3A_313 = tpu.memref_slice %arg13[%dma_wait3A_311, %dma_wait3A_312] : memref<100x128xf32, #tpu.memory_space<vmem>> -> memref<50x128xf32, #tpu.memory_space<vmem>>
    %dma_wait3A_314 = arith.constant 0 : i32
    %dma_wait3A_315 = arith.constant 0 : i32
    %dma_wait3A_316 = tpu.memref_slice %arg4[%add3A_310, %dma_wait3A_314, %dma_wait3A_315] : memref<4096x50x128xf32, #tpu.memory_space<hbm>> -> memref<1x50x128xf32, #tpu.memory_space<hbm>>
    %dma_wait3A_317 = tpu.memref_squeeze %dma_wait3A_316 : memref<1x50x128xf32, #tpu.memory_space<hbm>> -> memref<50x128xf32, #tpu.memory_space<hbm>>
    %dma_wait3A_318 = arith.constant 0 : i32
    %dma_wait3A_319 = arith.constant 0 : i32
    %dma_wait3A_320 = tpu.memref_slice %arg4[%add3A_310, %dma_wait3A_318, %dma_wait3A_319] : memref<4096x50x128xf32, #tpu.memory_space<hbm>> -> memref<1x50x128xf32, #tpu.memory_space<hbm>>
    %dma_wait3A_321 = tpu.memref_squeeze %dma_wait3A_320 : memref<1x50x128xf32, #tpu.memory_space<hbm>> -> memref<50x128xf32, #tpu.memory_space<hbm>>
    %dma_wait3A_322 = arith.constant 50 : i32
    %dma_wait3A_323 = arith.constant 0 : i32
    %dma_wait3A_324 = tpu.memref_slice %arg13[%dma_wait3A_322, %dma_wait3A_323] : memref<100x128xf32, #tpu.memory_space<vmem>> -> memref<50x128xf32, #tpu.memory_space<vmem>>
    tpu.wait_dma2 semaphore(%arg29 : memref<!tpu.dma_semaphore, #tpu.memory_space<semaphore_mem>>) src(%dma_wait3A_324 : memref<50x128xf32, #tpu.memory_space<vmem>>) dst(%dma_wait3A_321 : memref<50x128xf32, #tpu.memory_space<hbm>>)
    return
  }
}

</mosaic_0001>

<sc_bundles>
// kernel: kernel.3.cloned.1.call-start
scs
__scs_entry_jumppad:
0x0: {  	(pc) =	sbr.rel $0x88, $3  }
0x1: {  	(tag) =	ssettag $0x0;
	lr =	simm.s32 $0x1  }
0x2: {  	[smem:$0x3F9F] =	sst lr;
	_ =	strace $0xD0000000  }
0x3: {  	_ = 	snop  }
0x4: {  	_ = 	snop  }
0x5: {  	_ = 	snop  }
0x6: {  	_ = 	snop  }
0x7: {  	_ = 	snop  }
__scs_overlays_trampoline_lowered:
0x8: {  	[smem:$0x3FAE] =	sst s0  }
0x9: {  	[smem:$0x3FAF] =	sst s1  }
0xa: {  	[smem:$0x3FB0] =	sst s2  }
0xb: {  	[smem:$0x3FB1] =	sst s3  }
0xc: {  	[smem:$0x3FB2] =	sst s4  }
0xd: {  	[smem:$0x3FB3] =	sst s5  }
0xe: {  	[smem:$0x3FB4] =	sst s6  }
0xf: {  	[smem:$0x3FB5] =	sst s7  }
0x10: {  	[smem:$0x3FB6] =	sst s8  }
0x11: {  	[smem:$0x3FB7] =	sst s9;
	s0 =	simm.s32 @!p0 $0x0  }
0x12: {  	s1 =	sld [smem:$0x3F9D];
	s0 =	simm.s32 @p0 $0x1  }
0x13: {  	[smem:$0x3FB8] =	sst s0;
	s0 =	simm.s32 @!p1 $0x0  }
0x14: {  	s2 =	sld [smem:$0x3F9C];
	s0 =	simm.s32 @p1 $0x1  }
0x15: {  	[smem:$0x3FB9] =	sst s0;
	s0 =	simm.s32 @!p2 $0x0  }
0x16: {  	s3 =	sld [smem:$0x3FDB];
	s0 =	simm.s32 @p2 $0x1  }
0x17: {  	s4 =	simm.s32 $0x1BF5;
	[smem:$0x3FBB] =	sst s0  }
0x18: {  	s0 =	sld [smem:$0x3F9E];
	_ =	swait.ge [sflag:s4], $0x0  }
0x19: {  	s7 =	sld [smem:$0x3F9F]  }
0x1a: {  	s8 =	sadd.s32 $0xFFFFE003, lr  }
0x1b: {  	s9 =	sadd.s32 $0xFFFFFEF7, lr;
	s5 =	simm.s32 $0xFFFFFFFF;
	p2 =	slt.u32 s8, $0xFFFFF086  }
0x1c: {  	p1 =	slt.u32 s9, $0xF7A;
	s5 =	simm.s32 @!p2 $0x0  }
0x1d: {  	s5 =	simm.s32 @p1 $0x1;
	p0 =	seq.s32 s7, s2  }
0x1e: {  	s7 =	smul.u32 @!p0 $0xF7A, s2;
	p2 =	seq.s32 @!p0 s5, $0x0  }
0x1f: {  	s9 =	smul.u32 $0xF7A, s1;
	s8 =	simm.s32 @!p0 $0x1BF5;
	p2 =	por !p2, p0  }
0x20: {  	[sflag:s8] =	ssyncset.s32 @!p0 $0xFFFFF086;
	s6 =	sadd.s32 @!p0 s3, s7;
	s7 =	simm.s32 @!p0 $0x108  }
0x21: {  	s3 =	sadd.s32 s3, s9;
	s6 =	sadd.s32 @!p0 $0x88, s6;
	s7 =	simm.s32 @p2 $0x1082  }
0x22: {  	[simem:s7], [sflag:s8] =	dma.local @!p0 [hbm:s6], $0xF7A  }
0x23: {  	s9 =	sor.u32 $0xD0000000, s2;
	s6 =	simm.s32 $0x108;
	_ =	swait.ge @!p0 [sflag:s8], $0x0  }
0x24: {  	s3 =	sadd.s32 $0x88, s3;
	s6 =	simm.s32 @!p1 $0x1082;
	[sflag:s4] =	ssyncset.s32 $0xFFFFF086  }
0x25: {  	[simem:s6], [sflag:s4] =	dma.local [hbm:s3], $0xF7A  }
0x26: {  	[smem:$0x3F9F] =	sst s1;
	(tag) =	ssettag s2;
	_ =	strace s9  }
0x27: {  	s1 =	sld [smem:$0x3FAF]  }
0x28: {  	s2 =	sld [smem:$0x3FB0]  }
0x29: {  	s4 =	sld [smem:$0x3FB2]  }
0x2a: {  	p0 =	seq.s32 s5, $0x0;
	s5 =	sld [smem:$0x3FB3]  }
0x2b: {  	s6 =	sld [smem:$0x3FB4]  }
0x2c: {  	s7 =	sld [smem:$0x3FB5]  }
0x2d: {  	s3 =	simm.s32 $0x108;
	s8 =	sld [smem:$0x3FB6]  }
0x2e: {  	s3 =	simm.s32 @!p0 $0x1082;
	s9 =	sld [smem:$0x3FB7]  }
0x2f: {  	lr =	sadd.s32 s0, s3;
	s0 =	sld [smem:$0x3FAE]  }
0x30: {  	s3 =	sld [smem:$0x3FB1]  }
0x31: {  	[smem:$0x3FBA] =	sst s10  }
0x32: {  	s10 =	sld [smem:$0x3FB8];
	_ =	sdelay $0x3  }
0x33: {  	p0 =	seq.s32 s10, $0x1;
	s10 =	sld [smem:$0x3FBA];
	_ =	sdelay $0x3  }
0x34: {  	[smem:$0x3FBA] =	sst s10  }
0x35: {  	s10 =	sld [smem:$0x3FB9];
	_ =	sdelay $0x3  }
0x36: {  	p1 =	seq.s32 s10, $0x1;
	s10 =	sld [smem:$0x3FBA];
	_ =	sdelay $0x3  }
0x37: {  	[smem:$0x3FBA] =	sst s10  }
0x38: {  	s10 =	sld [smem:$0x3FBB]  }
0x39: {  	_ = 	snop;
	(pc) =	sbr.ind lr, $3  }
0x3a: {  	_ = 	snop  }
0x3b: {  	_ = 	snop  }
0x3c: {  	p2 =	seq.s32 s10, $0x1;
	s10 =	sld [smem:$0x3FBA]  }
0x3d: {  	_ =	shalt  }
0x3e: {  	_ =	shalt  }
0x3f: {  	_ =	shalt  }
0x40: {  	_ =	shalt  }
0x41: {  	_ =	shalt  }
0x42: {  	_ =	shalt  }
0x43: {  	_ =	shalt  }
0x44: {  	_ =	shalt  }
0x45: {  	_ =	shalt  }
0x46: {  	_ =	shalt  }
0x47: {  	_ =	shalt  }
0x48: {  	_ =	shalt  }
0x49: {  	_ =	shalt  }
0x4a: {  	_ =	shalt  }
0x4b: {  	_ =	shalt  }
0x4c: {  	_ =	shalt  }
0x4d: {  	_ =	shalt  }
0x4e: {  	_ =	shalt  }
0x4f: {  	_ =	shalt  }
0x50: {  	_ =	shalt  }
0x51: {  	_ =	shalt  }
0x52: {  	_ =	shalt  }
0x53: {  	_ =	shalt  }
0x54: {  	_ =	shalt  }
0x55: {  	_ =	shalt  }
0x56: {  	_ =	shalt  }
0x57: {  	_ =	shalt  }
0x58: {  	_ =	shalt  }
0x59: {  	_ =	shalt  }
0x5a: {  	_ =	shalt  }
0x5b: {  	_ =	shalt  }
0x5c: {  	_ =	shalt  }
0x5d: {  	_ =	shalt  }
0x5e: {  	_ =	shalt  }
0x5f: {  	_ =	shalt  }
0x60: {  	_ =	shalt  }
0x61: {  	_ =	shalt  }
0x62: {  	_ =	shalt  }
0x63: {  	_ =	shalt  }
0x64: {  	_ =	shalt  }
0x65: {  	_ =	shalt  }
0x66: {  	_ =	shalt  }
0x67: {  	_ =	shalt  }
0x68: {  	_ =	shalt  }
0x69: {  	_ =	shalt  }
0x6a: {  	_ =	shalt  }
0x6b: {  	_ =	shalt  }
0x6c: {  	_ =	shalt  }
0x6d: {  	_ =	shalt  }
0x6e: {  	_ =	shalt  }
0x6f: {  	_ =	shalt  }
0x70: {  	_ =	shalt  }
0x71: {  	_ =	shalt  }
0x72: {  	_ =	shalt  }
0x73: {  	_ =	shalt  }
0x74: {  	_ =	shalt  }
0x75: {  	_ =	shalt  }
0x76: {  	_ =	shalt  }
0x77: {  	_ =	shalt  }
0x78: {  	_ =	shalt  }
0x79: {  	_ =	shalt  }
0x7a: {  	_ =	shalt  }
0x7b: {  	_ =	shalt  }
0x7c: {  	_ =	shalt  }
0x7d: {  	_ =	shalt  }
0x7e: {  	_ =	shalt  }
0x7f: {  	_ =	shalt  }
0x80: {  	_ =	shalt  }
0x81: {  	_ =	shalt  }
0x82: {  	_ =	shalt  }
0x83: {  	_ =	shalt  }
0x84: {  	_ =	shalt  }
0x85: {  	_ =	shalt  }
0x86: {  	_ =	shalt  }
0x87: {  	_ =	shalt  }
.Lfunc_end0:
.L_simem_size_0:
called_computation_lowered:
.L_overlay_start_0:
0x88: {  	s2 =	sld [smem:$0x3FD9]  }
0x89: {  	s3 =	sld [smem:$0x3FFE];
	_ =	sdelay $0x1  }
0x8a: {  	s1 =	srdreg.scid  }
0x8b: {  	s0 =	sand.u32 $0x1, s1  }
0x8c: {  	s17 =	sshll.u32 s0, $0xA;
	s2 =	sadd.s32 s3, s2  }
0x8d: {  	s2 =	sadd.s32 s2, s17  }
0x8e: {  	[smem:$0x3FC6] =	sst s2  }
0x8f: {  	_ = 	snop  }
0x90: {  	s2 =	sld [smem:$0x3FC8]  }
0x91: {  	s18 =	sld [smem:$0x3FD0];
	(tm) =	ssettm $0x1  }
0x92: {  	s4 =	sld [smem:$0x3FFB];
	_ =	sdelay $0x3  }
0x93: {  	_ =	strace s4  }
0x94: {  	s4 =	sld [smem:$0x3FFC];
	_ =	sdelay $0x3  }
0x95: {  	_ =	strace s4  }
0x96: {  	s4 =	sld [smem:$0x3FFD];
	_ =	sdelay $0x3  }
0x97: {  	_ =	strace s4  }
0x98: {  	_ =	strace $0x8FFFFFFF  }
0x99: {  	s19 =	sld [smem:$0x3FDB];
	_ =	sdelay $0x1  }
0x9a: {  	s5 =	simm.s32 $_scs_section_size  }
0x9b: {  	s6 =	simm.s32 $_size__tile_overlayer_lowered;
	s7 =	simm.s32 $_tile_overlayer_lowered  }
0x9c: {  	s22 =	simm.s32 $0x1BFF;
	s21 =	sshll.u32 s7, $0x1;
	s4 =	sadd.s32 s5, s19  }
0x9d: {  	s8 =	simm.s32 $0x0;
	s20 =	sshll.u32 s6, $0x1;
	s6 =	sadd.s32 s21, s4  }
0x9e: {  	[timem:s8], [sflag:s22] =	dma.local [hbm:s6], s20  }
0x9f: {  	_ =	swait.ge [sflag:s22], s20  }
0xa0: {  	s5 =	ssub.s32 $0x0, s20;
	[sflag:s22] =	ssyncset.done $0x0  }
0xa1: {  	[sflag:s22] =	ssyncadd.s32 s5;
	_ =	sdelay $0x1  }
0xa2: {  	s23 =	simm.s32 $0x1B8B  }
0xa3: {  	_ =	swait.ge [sflag:s23], $0x1  }
0xa4: {  	[sflag:s23] =	ssyncset.done $0x0  }
0xa5: {  	s25 =	simm.s32 $0x1B8E;
	s24 =	sld [smem:$0x3FFE];
	[sflag:s23] =	ssyncadd.s32 $0xFFFFFFFF  }
0xa6: {  	s26 =	simm.s32 $execute0_lowered;
	[smem:$0x3FD2] =	sst s25  }
0xa7: {  	s6 =	sshll.u32 s26, $0x1;
	_ =	strace $0x80000046;
	[dreg:$0x1] =	wrdreg $0xFFFFFFFF  }
0xa8: {  	s28 =	simm.s32 $_size_execute0_lowered;
	s4 =	sadd.s32 s4, s6;
	[dreg:$0x0] =	wrdreg $0x0  }
0xa9: {  	s6 =	sshll.u32 s28, $0x1;
	[dreg:$0x2] =	wrdreg s4  }
0xaa: {  	[dreg:$0x3] =	wrdreg s6  }
0xab: {  	[dreg:$0x4] =	wrdreg $0xC0  }
0xac: {  	_ =	task [dreg:s8], $0x5FFFF  }
0xad: {  	[dreg:$0x1] =	wrdreg $0xFFFFFFFF  }
0xae: {  	[dreg:$0x0] =	wrdreg $0x60  }
0xaf: {  	[dreg:$0x2] =	wrdreg s18  }
0xb0: {  	[dreg:$0x3] =	wrdreg s2  }
0xb1: {  	[dreg:$0x4] =	wrdreg s24  }
0xb2: {  	[dreg:$0x5] =	wrdreg $0x9  }
0xb3: {  	_ =	task.clear_ibuf [dreg:s8], $0x6FFFF;
	_ =	strace $0x90000046  }
0xb4: {  	s29 =	simm.s32 $0x9;
	_ =	strace $0x80000048  }
0xb5: {  	_ =	swait.ge [sflag:s29], $0x1  }
0xb6: {  	[sflag:s29] =	ssyncadd.s32 $0xFFFFFFFF  }
0xb7: {  	_ =	strace $0x90000048  }
0xb8: {  	_ =	sfence  }
0xb9: {  	s30 =	sld [smem:$0x0];
	_ =	sdelay $0x2  }
0xba: {  	s31 =	sshll.u32 s1, $0xD;
	s1 =	sshrl.u32 s1, $0x2  }
0xbb: {  	s3 =	sand.u32 $0x4000, s31;
	s1 =	sadd.s32 s1, s30  }
0xbc: {  	s0 =	sor.u32 s3, s0;
	s1 =	sshll.u32 s1, $0x11  }
0xbd: {  	s0 =	sor.u32 s1, s0  }
0xbe: {  	s0 =	sadd.s32 $0x8F2B, s0  }
0xbf: {  	[sflag:s0] =	ssyncadd.remote.s32 $0x1  }
0xc0: {  	_ =	sfence.sel $0xFFFF  }
0xc1: {  	[dreg:$0x0] =	wrdreg $0xFFFFFFFF;
	(pc) =	sbr.abs _section_cstart, $3  }
0xc2: {  	[dreg:$0x1] =	wrdreg $0xFFFFFFFF  }
0xc3: {  	_ =	task.clear_ibuf [dreg:s8], $0x2FFFF;
	_ =	strace $0x9FFFFFFF  }
0xc4: {  	(tm) =	ssettm $0x7FFFFFFF  }
0xc5: {  	_ =	shalt  }
tec
execute0_lowered:
.L_overlay_start_1:
0x0: {  	(tag) =	ssettag $0x1  }
0x1: {  	s0 =	rddreg [dreg:$0x0]  }
0x2: {  	s1 =	rddreg [dreg:$0x1]  }
0x3: {  	s2 =	rddreg [dreg:$0x2];
	s4 =	srdreg.scid  }
0x4: {  	s3 =	simm.s32 $0x0;
	s6 =	stileid.u32;
	s16 =	simm.s32 $0x64  }
0x5: {  	s28 =	simm.s32 $0x12400;
	s30 =	simm.s32 $0x15800;
	s31 =	simm.s32 $0x1  }
0x6: {  	s18 =	simm.s32 $0x2;
	s22 =	simm.s32 $0x3;
	s15 =	simm.s32 $0x6  }
0x7: {  	s20 =	simm.s32 $0x7;
	s29 =	simm.s32 $0x8;
	s19 =	simm.s32 $0x0  }
0x8: {  	s4 =	sand.u32 $0x1, s4;
	[smem:$0x7FF] =	sst s3;
	s6 =	sshll.u32 s6, $0x1  }
0x9: {  	s5 =	ssub.s32 $0x2, s4;
	_ =	strace $0x80000047;
	s6 =	sor.u32 s4, s6  }
0xa: {  	s4 =	sadd.s32 $0x400, s2;
	s7 =	sshrl.u32 s5, $0x1;
	s25 =	sshll.u32 s6, $0xA  }
0xb: {  	s6 =	sshll.u32 s6, $0x7;
	s5 =	ssub.s32 s5, s7;
	s0 =	sadd.s32 s0, s25  }
.Ltmp0:
0xc: {  	s7 =	sadd.s32 $0x780, s2;
	s8 =	sor.u32 $0x2, s6;
	(pc) =	sbr.rel .LBB2_1-.Ltmp0, $4  }
0xd: {  	s9 =	sor.u32 $0x4, s6;
	s10 =	sor.u32 $0x6, s6;
	s11 =	sor.u32 $0x8, s6  }
0xe: {  	s12 =	sor.u32 $0xA, s6;
	s13 =	sor.u32 $0xC, s6;
	s2 =	simm.s32 $0x18C00  }
0xf: {  	[dreg:$0x4] =	wrdreg s0;
	s26 =	smax.u32 s5, $0x1;
	s5 =	simm.s32 $0x5  }
0x10: {  	s0 =	simm.s32 $0xF;
	[dreg:$0x5] =	wrdreg s26;
	s26 =	simm.s32 $0x4  }
.LBB2_20:
0x11: {  	s14 =	simm.s32 $0x9  }
0x12: {  	_ =	swait.ge [sflag:s14], $0x1900  }
0x13: {  	[sflag:s14] =	ssyncset.done $0x0  }
0x14: {  	[sflag:s14] =	ssyncadd.s32 $0xFFFFE700  }
0x15: {  	_ =	swait.ge [sflag:s14], $0x1900  }
0x16: {  	[sflag:s14] =	ssyncset.done $0x0  }
0x17: {  	s17 =	simm.s32 $0xA;
	[sflag:s14] =	ssyncadd.s32 $0xFFFFE700  }
0x18: {  	_ =	swait.ge [sflag:s17], $0x1900  }
0x19: {  	[sflag:s17] =	ssyncset.done $0x0  }
0x1a: {  	[sflag:s17] =	ssyncadd.s32 $0xFFFFE700  }
0x1b: {  	_ =	swait.ge [sflag:s17], $0x1900  }
0x1c: {  	[sflag:s17] =	ssyncset.done $0x0  }
0x1d: {  	s19 =	simm.s32 $0xB;
	[sflag:s17] =	ssyncadd.s32 $0xFFFFE700  }
0x1e: {  	_ =	swait.ge [sflag:s19], $0x1900  }
0x1f: {  	[sflag:s19] =	ssyncset.done $0x0  }
0x20: {  	[sflag:s19] =	ssyncadd.s32 $0xFFFFE700  }
0x21: {  	_ =	swait.ge [sflag:s19], $0x1900  }
0x22: {  	[sflag:s19] =	ssyncset.done $0x0  }
0x23: {  	s21 =	simm.s32 $0xC;
	[sflag:s19] =	ssyncadd.s32 $0xFFFFE700  }
0x24: {  	_ =	swait.ge [sflag:s21], $0x1900  }
0x25: {  	[sflag:s21] =	ssyncset.done $0x0  }
0x26: {  	[sflag:s21] =	ssyncadd.s32 $0xFFFFE700  }
0x27: {  	_ =	swait.ge [sflag:s21], $0x1900  }
0x28: {  	[sflag:s21] =	ssyncset.done $0x0  }
0x29: {  	s23 =	simm.s32 $0xD;
	[sflag:s21] =	ssyncadd.s32 $0xFFFFE700  }
0x2a: {  	_ =	swait.ge [sflag:s23], $0x1900  }
0x2b: {  	[sflag:s23] =	ssyncset.done $0x0  }
0x2c: {  	[sflag:s23] =	ssyncadd.s32 $0xFFFFE700  }
0x2d: {  	_ =	swait.ge [sflag:s23], $0x1900  }
0x2e: {  	[sflag:s23] =	ssyncset.done $0x0  }
0x2f: {  	s24 =	simm.s32 $0xE;
	[sflag:s23] =	ssyncadd.s32 $0xFFFFE700  }
0x30: {  	_ =	swait.ge [sflag:s24], $0x1900  }
0x31: {  	[sflag:s24] =	ssyncset.done $0x0  }
0x32: {  	[sflag:s24] =	ssyncadd.s32 $0xFFFFE700  }
0x33: {  	_ =	swait.ge [sflag:s24], $0x1900  }
0x34: {  	[sflag:s24] =	ssyncset.done $0x0  }
0x35: {  	[sflag:s24] =	ssyncadd.s32 $0xFFFFE700  }
0x36: {  	_ =	swait.ge [sflag:s0], $0x1900  }
0x37: {  	[sflag:s0] =	ssyncset.done $0x0  }
0x38: {  	[sflag:s0] =	ssyncadd.s32 $0xFFFFE700  }
0x39: {  	_ =	swait.ge [sflag:s0], $0x1900  }
0x3a: {  	[sflag:s0] =	ssyncset.done $0x0  }
0x3b: {  	s17 =	simm.s32 $0x10;
	[sflag:s0] =	ssyncadd.s32 $0xFFFFE700  }
0x3c: {  	_ =	swait.ge [sflag:s17], $0x1900  }
0x3d: {  	[sflag:s17] =	ssyncset.done $0x0  }
0x3e: {  	[sflag:s17] =	ssyncadd.s32 $0xFFFFE700  }
0x3f: {  	_ =	swait.ge [sflag:s17], $0x1900  }
0x40: {  	s19 =	rddreg [dreg:$0x6]  }
0x41: {  	s25 =	rddreg [dreg:$0x5];
	s19 =	sadd.s32 $0x1, s19  }
0x42: {  	p0 =	sne.s32 s19, s25  }
.Ltmp1:
0x43: {  	_ = 	snop;
	(pc) =	sbr.rel @!p0 .LBB2_21-.Ltmp1, $3  }
0x44: {  	_ =	sdelay $0x1  }
0x45: {  	[sflag:s17] =	ssyncset.done $0x0  }
0x46: {  	[sflag:s17] =	ssyncadd.s32 $0xFFFFE700  }
.LBB2_1:
0x47: {  	[dreg:$0x6] =	wrdreg s19  }
0x48: {  	s14 =	rddreg [dreg:$0x4];
	s19 =	simm.s32 $0x11  }
0x49: {  	[tilespmem:s3], [sflag:$0x11] =	stream.linear.gather [hbm4b:s14+s3], $0x2000, $0x38;
	[tilespmem:$0x1C000] =	vst v63  }
0x4a: {  	_ =	swait.ge [sflag:s19], $0x2000  }
0x4b: {  	[sflag:s19] =	ssyncset.done $0x0  }
0x4c: {  	s21 =	simm.s32 $0x2000;
	[sflag:s19] =	ssyncadd.s32 $0xFFFFE000  }
0x4d: {  	[tilespmem:s21], [sflag:$0x1] =	stream.indirect.gather [hbm4b:s1+s16], $0x80, s3, s16, $0xb8;
	[tilespmem:$0x1C000] =	vst v63  }
0x4e: {  	s23 =	simm.s32 $0x80;
	s17 =	simm.s32 $0x5400  }
0x4f: {  	[tilespmem:s17], [sflag:$0x2] =	stream.indirect.gather [hbm4b:s1+s16], $0x80, s23, s16, $0xb8;
	[tilespmem:$0x1C000] =	vst v63  }
0x50: {  	s24 =	simm.s32 $0x100;
	s25 =	simm.s32 $0x8800  }
0x51: {  	[tilespmem:s25], [sflag:$0x3] =	stream.indirect.gather [hbm4b:s1+s16], $0x80, s24, s16, $0xb8;
	[tilespmem:$0x1C000] =	vst v63  }
0x52: {  	s19 =	simm.s32 $0xBC00;
	s17 =	simm.s32 $0x180  }
0x53: {  	[tilespmem:s19], [sflag:$0x4] =	stream.indirect.gather [hbm4b:s1+s16], $0x80, s17, s16, $0xb8;
	[tilespmem:$0x1C000] =	vst v63  }
0x54: {  	s21 =	simm.s32 $0x200;
	s23 =	simm.s32 $0xF000  }
0x55: {  	[tilespmem:s23], [sflag:$0x5] =	stream.indirect.gather [hbm4b:s1+s16], $0x80, s21, s16, $0xb8;
	[tilespmem:$0x1C000] =	vst v63  }
0x56: {  	s24 =	simm.s32 $0x280  }
0x57: {  	[tilespmem:s28], [sflag:$0x6] =	stream.indirect.gather [hbm4b:s1+s16], $0x80, s24, s16, $0xb8;
	[tilespmem:$0x1C000] =	vst v63  }
0x58: {  	s25 =	simm.s32 $0x300;
	s17 =	simm.s32 $0x0  }
0x59: {  	[tilespmem:s30], [sflag:$0x7] =	stream.indirect.gather [hbm4b:s1+s16], $0x80, s25, s16, $0xb8;
	[tilespmem:$0x1C000] =	vst v63  }
.LBB2_2:
0x5a: {  	_ =	swait.ge [sflag:s31], $0x3200  }
0x5b: {  	[sflag:s31] =	ssyncset.done $0x0  }
0x5c: {  	s14 =	simm.s32 $0x0;
	[sflag:s31] =	ssyncadd.s32 $0xFFFFCE00  }
0x5d: {  	v2 =	vld [tilespmem:s14+$0x2000]  }
0x5e: {  	v5 =	vld [tilespmem:s14+$0x2010]  }
0x5f: {  	v4 =	vld [tilespmem:s14+$0x2020]  }
0x60: {  	v3 =	vld [tilespmem:s14+$0x2030]  }
0x61: {  	v0 =	vld [tilespmem:s14+$0x2040]  }
0x62: {  	v1 =	vld [tilespmem:s14+$0x2050];
	v6 =	vmul.f32 $1.131370830e+01, v2  }
0x63: {  	s19 =	simm.s32 $0x200;
	v5 =	vmul.f32 $1.131370830e+01, v5;
	v2 =	vld [tilespmem:s14+$0x2060]  }
.LBB2_3:
0x64: {  	s21 =	sshra.s32 s19, $0x2;
	p0 =	sne.s32 s19, $0xC600;
	[tilespmem:s14+$0x2000] =	vst v6;
	v4 =	vmul.f32 $1.131370830e+01, v4;
	v6 =	vld [tilespmem:s14+$0x2070]  }
0x65: {  	v7 =	vld [tilespmem:s21+$0x2000];
	[tilespmem:s14+$0x2010] =	vst v5;
	v3 =	vmul.f32 $1.131370830e+01, v3  }
0x66: {  	v5 =	vld [tilespmem:s21+$0x2010];
	[tilespmem:s14+$0x2020] =	vst v4;
	v0 =	vmul.f32 $1.131370830e+01, v0  }
.Ltmp2:
0x67: {  	v4 =	vld [tilespmem:s21+$0x2020];
	[tilespmem:s14+$0x2030] =	vst v3;
	v1 =	vmul.f32 $1.131370830e+01, v1;
	(pc) =	sbr.rel @p0 .LBB2_3-.Ltmp2, $4  }
0x68: {  	v3 =	vld [tilespmem:s21+$0x2030];
	[tilespmem:s14+$0x2040] =	vst v0;
	v2 =	vmul.f32 $1.131370830e+01, v2  }
0x69: {  	v0 =	vld [tilespmem:s21+$0x2040];
	[tilespmem:s14+$0x2050] =	vst v1;
	v8 =	vmul.f32 $1.131370830e+01, v6  }
0x6a: {  	v6 =	vmul.f32 $1.131370830e+01, v7;
	v1 =	vld [tilespmem:s21+$0x2050];
	[tilespmem:s14+$0x2060] =	vst v2  }
0x6b: {  	s19 =	sadd.s32 $0x200, s19;
	v5 =	vmul.f32 $1.131370830e+01, v5;
	v2 =	vld [tilespmem:s21+$0x2060];
	[tilespmem:s14+$0x2070] =	vst v8;
	s14 =	smov.u32 s21  }
0x6c: {  	[tilespmem:s14+$0x2000] =	vst v6;
	v4 =	vmul.f32 $1.131370830e+01, v4;
	v6 =	vld [tilespmem:s14+$0x2070]  }
0x6d: {  	[tilespmem:s14+$0x2010] =	vst v5;
	v3 =	vmul.f32 $1.131370830e+01, v3  }
0x6e: {  	[tilespmem:s14+$0x2020] =	vst v4;
	v0 =	vmul.f32 $1.131370830e+01, v0  }
0x6f: {  	s19 =	sshll.u32 s17, $0x4;
	[tilespmem:s14+$0x2030] =	vst v3;
	v1 =	vmul.f32 $1.131370830e+01, v1  }
0x70: {  	s21 =	sor.u32 s6, s19;
	[tilespmem:s14+$0x2040] =	vst v0;
	v0 =	vmul.f32 $1.131370830e+01, v2  }
0x71: {  	s21 =	smul.u32 $0x380, s21;
	[tilespmem:s14+$0x2050] =	vst v1;
	v1 =	vmul.f32 $1.131370830e+01, v6  }
0x72: {  	[tilespmem:s14+$0x2060] =	vst v0  }
0x73: {  	s23 =	simm.s32 $0x2000;
	p0 =	seq.s32 s17, $0x0;
	s25 =	sadd.s32 s4, s21;
	[tilespmem:s14+$0x2070] =	vst v1  }
0x74: {  	[hbm4b:s25+s3] =	stream.linear.scatter [tilespmem:s23], [sflag:$0x9], $0x1900, $0x38;
	[tilespmem:$0x1C000] =	vst v63  }
0x75: {  	s24 =	sadd.s32 s21, s7;
	s14 =	simm.s32 @!p0 $0x10;
	s25 =	simm.s32 $0x3900  }
0x76: {  	[hbm4b:s24+s3] =	stream.linear.scatter [tilespmem:s25], [sflag:$0x9], $0x1900, $0x38;
	[tilespmem:$0x1C000] =	vst v63  }
0x77: {  	_ =	swait.ge @!p0 [sflag:s14], $0x1900  }
0x78: {  	[sflag:s14] =	ssyncset.done @!p0 $0x0  }
0x79: {  	[sflag:s14] =	ssyncadd.s32 @!p0 $0xFFFFE700  }
0x7a: {  	s24 =	sshllo.u32 s17, $0x3;
	_ =	swait.ge @!p0 [sflag:s14], $0x1900  }
0x7b: {  	s23 =	sshll.u32 s24, $0x7;
	[sflag:s14] =	ssyncset.done @!p0 $0x0  }
0x7c: {  	s25 =	sand.u32 $0x3FFFFF80, s23;
	[sflag:s14] =	ssyncadd.s32 @!p0 $0xFFFFE700  }
0x7d: {  	[tilespmem:s2], [sflag:$0x8] =	stream.indirect.gather [hbm4b:s1+s16], $0x80, s25, s16, $0xb8;
	[tilespmem:$0x1C000] =	vst v63  }
0x7e: {  	_ =	swait.ge [sflag:s18], $0x3200  }
0x7f: {  	[sflag:s18] =	ssyncset.done $0x0  }
0x80: {  	s14 =	simm.s32 $0x0;
	[sflag:s18] =	ssyncadd.s32 $0xFFFFCE00  }
0x81: {  	v3 =	vld [tilespmem:s14+$0x5400]  }
0x82: {  	v5 =	vld [tilespmem:s14+$0x5410]  }
0x83: {  	v4 =	vld [tilespmem:s14+$0x5420]  }
0x84: {  	v2 =	vld [tilespmem:s14+$0x5430]  }
0x85: {  	v0 =	vld [tilespmem:s14+$0x5440]  }
0x86: {  	v1 =	vld [tilespmem:s14+$0x5450];
	v6 =	vmul.f32 $1.131370830e+01, v3  }
0x87: {  	s21 =	simm.s32 $0x200;
	v5 =	vmul.f32 $1.131370830e+01, v5;
	v3 =	vld [tilespmem:s14+$0x5460]  }
.LBB2_5:
0x88: {  	s23 =	sshra.s32 s21, $0x2;
	p0 =	sne.s32 s21, $0xC600;
	[tilespmem:s14+$0x5400] =	vst v6;
	v4 =	vmul.f32 $1.131370830e+01, v4;
	v6 =	vld [tilespmem:s14+$0x5470]  }
0x89: {  	v7 =	vld [tilespmem:s23+$0x5400];
	[tilespmem:s14+$0x5410] =	vst v5;
	v2 =	vmul.f32 $1.131370830e+01, v2  }
0x8a: {  	v5 =	vld [tilespmem:s23+$0x5410];
	[tilespmem:s14+$0x5420] =	vst v4;
	v0 =	vmul.f32 $1.131370830e+01, v0  }
.Ltmp3:
0x8b: {  	v4 =	vld [tilespmem:s23+$0x5420];
	[tilespmem:s14+$0x5430] =	vst v2;
	v1 =	vmul.f32 $1.131370830e+01, v1;
	(pc) =	sbr.rel @p0 .LBB2_5-.Ltmp3, $4  }
0x8c: {  	v2 =	vld [tilespmem:s23+$0x5430];
	[tilespmem:s14+$0x5440] =	vst v0;
	v3 =	vmul.f32 $1.131370830e+01, v3  }
0x8d: {  	v0 =	vld [tilespmem:s23+$0x5440];
	[tilespmem:s14+$0x5450] =	vst v1;
	v8 =	vmul.f32 $1.131370830e+01, v6  }
0x8e: {  	v6 =	vmul.f32 $1.131370830e+01, v7;
	v1 =	vld [tilespmem:s23+$0x5450];
	[tilespmem:s14+$0x5460] =	vst v3  }
0x8f: {  	s21 =	sadd.s32 $0x200, s21;
	v5 =	vmul.f32 $1.131370830e+01, v5;
	v3 =	vld [tilespmem:s23+$0x5460];
	[tilespmem:s14+$0x5470] =	vst v8;
	s14 =	smov.u32 s23  }
0x90: {  	[tilespmem:s14+$0x5400] =	vst v6;
	v4 =	vmul.f32 $1.131370830e+01, v4;
	v6 =	vld [tilespmem:s14+$0x5470]  }
0x91: {  	[tilespmem:s14+$0x5410] =	vst v5;
	v2 =	vmul.f32 $1.131370830e+01, v2  }
0x92: {  	[tilespmem:s14+$0x5420] =	vst v4;
	v0 =	vmul.f32 $1.131370830e+01, v0  }
0x93: {  	[tilespmem:s14+$0x5430] =	vst v2;
	v1 =	vmul.f32 $1.131370830e+01, v1  }
0x94: {  	s21 =	sor.u32 s8, s19;
	[tilespmem:s14+$0x5440] =	vst v0;
	v0 =	vmul.f32 $1.131370830e+01, v3  }
0x95: {  	s23 =	smul.u32 $0x380, s21;
	[tilespmem:s14+$0x5450] =	vst v1;
	v1 =	vmul.f32 $1.131370830e+01, v6  }
0x96: {  	[tilespmem:s14+$0x5460] =	vst v0  }
0x97: {  	s25 =	simm.s32 $0x5400;
	s21 =	smul.u32 $0x1C00, s21;
	s23 =	sadd.s32 s4, s23;
	[tilespmem:s14+$0x5470] =	vst v1  }
0x98: {  	[hbm4b:s23+s3] =	stream.linear.scatter [tilespmem:s25], [sflag:$0xA], $0x1900, $0x38;
	[tilespmem:$0x1C000] =	vst v63  }
0x99: {  	s23 =	sshrl.u32 s21, $0x3  }
0x9a: {  	s14 =	sadd.s32 s4, s23  }
0x9b: {  	p0 =	seq.s32 s17, $0x7;
	s25 =	simm.s32 $0x6D00;
	s14 =	sadd.s32 $0x380, s14  }
0x9c: {  	[hbm4b:s14+s3] =	stream.linear.scatter [tilespmem:s25], [sflag:$0xA], $0x1900, $0x38;
	[tilespmem:$0x1C000] =	vst v63  }
0x9d: {  	s14 =	simm.s32 @!p0 $0x9  }
0x9e: {  	_ =	swait.ge @!p0 [sflag:s14], $0x1900  }
0x9f: {  	[sflag:s14] =	ssyncset.done @!p0 $0x0  }
0xa0: {  	[sflag:s14] =	ssyncadd.s32 @!p0 $0xFFFFE700  }
0xa1: {  	_ =	swait.ge @!p0 [sflag:s14], $0x1900  }
0xa2: {  	s21 =	sshll.u32 @!p0 s17, $0xA;
	[sflag:s14] =	ssyncset.done @!p0 $0x0  }
0xa3: {  	[sflag:s14] =	ssyncadd.s32 @!p0 $0xFFFFE700;
	s14 =	sand.u32 @!p0 $0x3FFFFC00, s21  }
0xa4: {  	s23 =	simm.s32 @!p0 $0x64;
	s25 =	simm.s32 @!p0 $0x2000;
	s21 =	sadd.s32 @!p0 $0x400, s14  }
0xa5: {  	[tilespmem:s25], [sflag:$0x1] =	stream.indirect.gather @!p0 [hbm4b:s1+s23], $0x80, s21, s23, $0xb8;
	[tilespmem:$0x1C000] =	vst v63  }
0xa6: {  	_ =	swait.ge [sflag:s22], $0x3200  }
0xa7: {  	[sflag:s22] =	ssyncset.done $0x0  }
0xa8: {  	s21 =	simm.s32 $0x0;
	[sflag:s22] =	ssyncadd.s32 $0xFFFFCE00  }
0xa9: {  	v3 =	vld [tilespmem:s21+$0x8800]  }
0xaa: {  	v5 =	vld [tilespmem:s21+$0x8810]  }
0xab: {  	v4 =	vld [tilespmem:s21+$0x8820]  }
0xac: {  	v2 =	vld [tilespmem:s21+$0x8830]  }
0xad: {  	v0 =	vld [tilespmem:s21+$0x8840]  }
0xae: {  	v1 =	vld [tilespmem:s21+$0x8850];
	v6 =	vmul.f32 $1.131370830e+01, v3  }
0xaf: {  	s23 =	simm.s32 $0x200;
	v5 =	vmul.f32 $1.131370830e+01, v5;
	v3 =	vld [tilespmem:s21+$0x8860]  }
.LBB2_7:
0xb0: {  	s25 =	sshra.s32 s23, $0x2;
	p1 =	sne.s32 s23, $0xC600;
	[tilespmem:s21+$0x8800] =	vst v6;
	v4 =	vmul.f32 $1.131370830e+01, v4;
	v6 =	vld [tilespmem:s21+$0x8870]  }
0xb1: {  	v7 =	vld [tilespmem:s25+$0x8800];
	[tilespmem:s21+$0x8810] =	vst v5;
	v2 =	vmul.f32 $1.131370830e+01, v2  }
0xb2: {  	v5 =	vld [tilespmem:s25+$0x8810];
	[tilespmem:s21+$0x8820] =	vst v4;
	v0 =	vmul.f32 $1.131370830e+01, v0  }
.Ltmp4:
0xb3: {  	v4 =	vld [tilespmem:s25+$0x8820];
	[tilespmem:s21+$0x8830] =	vst v2;
	v1 =	vmul.f32 $1.131370830e+01, v1;
	(pc) =	sbr.rel @p1 .LBB2_7-.Ltmp4, $4  }
0xb4: {  	v2 =	vld [tilespmem:s25+$0x8830];
	[tilespmem:s21+$0x8840] =	vst v0;
	v3 =	vmul.f32 $1.131370830e+01, v3  }
0xb5: {  	v0 =	vld [tilespmem:s25+$0x8840];
	[tilespmem:s21+$0x8850] =	vst v1;
	v8 =	vmul.f32 $1.131370830e+01, v6  }
0xb6: {  	v6 =	vmul.f32 $1.131370830e+01, v7;
	v1 =	vld [tilespmem:s25+$0x8850];
	[tilespmem:s21+$0x8860] =	vst v3  }
0xb7: {  	s23 =	sadd.s32 $0x200, s23;
	v5 =	vmul.f32 $1.131370830e+01, v5;
	v3 =	vld [tilespmem:s25+$0x8860];
	[tilespmem:s21+$0x8870] =	vst v8;
	s21 =	smov.u32 s25  }
0xb8: {  	[tilespmem:s21+$0x8800] =	vst v6;
	v4 =	vmul.f32 $1.131370830e+01, v4;
	v6 =	vld [tilespmem:s21+$0x8870]  }
0xb9: {  	[tilespmem:s21+$0x8810] =	vst v5;
	v2 =	vmul.f32 $1.131370830e+01, v2  }
0xba: {  	[tilespmem:s21+$0x8820] =	vst v4;
	v0 =	vmul.f32 $1.131370830e+01, v0  }
0xbb: {  	s23 =	sor.u32 s9, s19;
	[tilespmem:s21+$0x8830] =	vst v2;
	v1 =	vmul.f32 $1.131370830e+01, v1  }
0xbc: {  	s25 =	smul.u32 $0x380, s23;
	[tilespmem:s21+$0x8840] =	vst v0;
	v0 =	vmul.f32 $1.131370830e+01, v3  }
0xbd: {  	s23 =	smul.u32 $0x1C00, s23;
	[tilespmem:s21+$0x8850] =	vst v1;
	v1 =	vmul.f32 $1.131370830e+01, v6  }
0xbe: {  	[tilespmem:s21+$0x8860] =	vst v0  }
0xbf: {  	s23 =	sshrl.u32 s23, $0x3;
	[tilespmem:s21+$0x8870] =	vst v1;
	s21 =	sadd.s32 s4, s25;
	s25 =	simm.s32 $0x8800  }
0xc0: {  	[hbm4b:s21+s3] =	stream.linear.scatter [tilespmem:s25], [sflag:$0xB], $0x1900, $0x38;
	[tilespmem:$0x1C000] =	vst v63  }
0xc1: {  	s21 =	sadd.s32 s4, s23  }
0xc2: {  	s25 =	simm.s32 $0xA100;
	s21 =	sadd.s32 $0x380, s21  }
0xc3: {  	[hbm4b:s21+s3] =	stream.linear.scatter [tilespmem:s25], [sflag:$0xB], $0x1900, $0x38;
	[tilespmem:$0x1C000] =	vst v63  }
0xc4: {  	s21 =	simm.s32 @!p0 $0xA  }
0xc5: {  	_ =	swait.ge @!p0 [sflag:s21], $0x1900  }
0xc6: {  	[sflag:s21] =	ssyncset.done @!p0 $0x0  }
0xc7: {  	[sflag:s21] =	ssyncadd.s32 @!p0 $0xFFFFE700  }
0xc8: {  	_ =	swait.ge @!p0 [sflag:s21], $0x1900  }
0xc9: {  	s23 =	simm.s32 @!p0 $0x64;
	[sflag:s21] =	ssyncset.done @!p0 $0x0  }
0xca: {  	s25 =	simm.s32 @!p0 $0x5400;
	[sflag:s21] =	ssyncadd.s32 @!p0 $0xFFFFE700;
	s21 =	sadd.s32 @!p0 $0x480, s14  }
0xcb: {  	[tilespmem:s25], [sflag:$0x2] =	stream.indirect.gather @!p0 [hbm4b:s1+s23], $0x80, s21, s23, $0xb8;
	[tilespmem:$0x1C000] =	vst v63  }
0xcc: {  	_ =	swait.ge [sflag:s26], $0x3200  }
0xcd: {  	[sflag:s26] =	ssyncset.done $0x0  }
0xce: {  	s21 =	simm.s32 $0x0;
	[sflag:s26] =	ssyncadd.s32 $0xFFFFCE00  }
0xcf: {  	v3 =	vld [tilespmem:s21+$0xBC00]  }
0xd0: {  	v5 =	vld [tilespmem:s21+$0xBC10]  }
0xd1: {  	v4 =	vld [tilespmem:s21+$0xBC20]  }
0xd2: {  	v2 =	vld [tilespmem:s21+$0xBC30]  }
0xd3: {  	v0 =	vld [tilespmem:s21+$0xBC40]  }
0xd4: {  	v1 =	vld [tilespmem:s21+$0xBC50];
	v6 =	vmul.f32 $1.131370830e+01, v3  }
0xd5: {  	s23 =	simm.s32 $0x200;
	v5 =	vmul.f32 $1.131370830e+01, v5;
	v3 =	vld [tilespmem:s21+$0xBC60]  }
.LBB2_9:
0xd6: {  	s25 =	sshra.s32 s23, $0x2;
	p1 =	sne.s32 s23, $0xC600;
	[tilespmem:s21+$0xBC00] =	vst v6;
	v4 =	vmul.f32 $1.131370830e+01, v4;
	v6 =	vld [tilespmem:s21+$0xBC70]  }
0xd7: {  	v7 =	vld [tilespmem:s25+$0xBC00];
	[tilespmem:s21+$0xBC10] =	vst v5;
	v2 =	vmul.f32 $1.131370830e+01, v2  }
0xd8: {  	v5 =	vld [tilespmem:s25+$0xBC10];
	[tilespmem:s21+$0xBC20] =	vst v4;
	v0 =	vmul.f32 $1.131370830e+01, v0  }
.Ltmp5:
0xd9: {  	v4 =	vld [tilespmem:s25+$0xBC20];
	[tilespmem:s21+$0xBC30] =	vst v2;
	v1 =	vmul.f32 $1.131370830e+01, v1;
	(pc) =	sbr.rel @p1 .LBB2_9-.Ltmp5, $4  }
0xda: {  	v2 =	vld [tilespmem:s25+$0xBC30];
	[tilespmem:s21+$0xBC40] =	vst v0;
	v3 =	vmul.f32 $1.131370830e+01, v3  }
0xdb: {  	v0 =	vld [tilespmem:s25+$0xBC40];
	[tilespmem:s21+$0xBC50] =	vst v1;
	v8 =	vmul.f32 $1.131370830e+01, v6  }
0xdc: {  	v6 =	vmul.f32 $1.131370830e+01, v7;
	v1 =	vld [tilespmem:s25+$0xBC50];
	[tilespmem:s21+$0xBC60] =	vst v3  }
0xdd: {  	s23 =	sadd.s32 $0x200, s23;
	v5 =	vmul.f32 $1.131370830e+01, v5;
	v3 =	vld [tilespmem:s25+$0xBC60];
	[tilespmem:s21+$0xBC70] =	vst v8;
	s21 =	smov.u32 s25  }
0xde: {  	[tilespmem:s21+$0xBC00] =	vst v6;
	v4 =	vmul.f32 $1.131370830e+01, v4;
	v6 =	vld [tilespmem:s21+$0xBC70]  }
0xdf: {  	[tilespmem:s21+$0xBC10] =	vst v5;
	v2 =	vmul.f32 $1.131370830e+01, v2  }
0xe0: {  	[tilespmem:s21+$0xBC20] =	vst v4;
	v0 =	vmul.f32 $1.131370830e+01, v0  }
0xe1: {  	s23 =	sor.u32 s10, s19;
	[tilespmem:s21+$0xBC30] =	vst v2;
	v1 =	vmul.f32 $1.131370830e+01, v1  }
0xe2: {  	s25 =	smul.u32 $0x380, s23;
	[tilespmem:s21+$0xBC40] =	vst v0;
	v0 =	vmul.f32 $1.131370830e+01, v3  }
0xe3: {  	s23 =	smul.u32 $0x1C00, s23;
	[tilespmem:s21+$0xBC50] =	vst v1;
	v1 =	vmul.f32 $1.131370830e+01, v6  }
0xe4: {  	[tilespmem:s21+$0xBC60] =	vst v0  }
0xe5: {  	s23 =	sshrl.u32 s23, $0x3;
	[tilespmem:s21+$0xBC70] =	vst v1;
	s21 =	sadd.s32 s4, s25;
	s25 =	simm.s32 $0xBC00  }
0xe6: {  	[hbm4b:s21+s3] =	stream.linear.scatter [tilespmem:s25], [sflag:$0xC], $0x1900, $0x38;
	[tilespmem:$0x1C000] =	vst v63  }
0xe7: {  	s21 =	sadd.s32 s4, s23  }
0xe8: {  	s25 =	simm.s32 $0xD500;
	s21 =	sadd.s32 $0x380, s21  }
0xe9: {  	[hbm4b:s21+s3] =	stream.linear.scatter [tilespmem:s25], [sflag:$0xC], $0x1900, $0x38;
	[tilespmem:$0x1C000] =	vst v63  }
0xea: {  	s21 =	simm.s32 @!p0 $0xB  }
0xeb: {  	_ =	swait.ge @!p0 [sflag:s21], $0x1900  }
0xec: {  	[sflag:s21] =	ssyncset.done @!p0 $0x0  }
0xed: {  	[sflag:s21] =	ssyncadd.s32 @!p0 $0xFFFFE700  }
0xee: {  	_ =	swait.ge @!p0 [sflag:s21], $0x1900  }
0xef: {  	s23 =	simm.s32 @!p0 $0x64;
	[sflag:s21] =	ssyncset.done @!p0 $0x0  }
0xf0: {  	s25 =	simm.s32 @!p0 $0x8800;
	[sflag:s21] =	ssyncadd.s32 @!p0 $0xFFFFE700;
	s21 =	sadd.s32 @!p0 $0x500, s14  }
0xf1: {  	[tilespmem:s25], [sflag:$0x3] =	stream.indirect.gather @!p0 [hbm4b:s1+s23], $0x80, s21, s23, $0xb8;
	[tilespmem:$0x1C000] =	vst v63  }
0xf2: {  	_ =	swait.ge [sflag:s5], $0x3200  }
0xf3: {  	[sflag:s5] =	ssyncset.done $0x0  }
0xf4: {  	s21 =	simm.s32 $0x0;
	[sflag:s5] =	ssyncadd.s32 $0xFFFFCE00  }
0xf5: {  	v3 =	vld [tilespmem:s21+$0xF000]  }
0xf6: {  	v5 =	vld [tilespmem:s21+$0xF010]  }
0xf7: {  	v4 =	vld [tilespmem:s21+$0xF020]  }
0xf8: {  	v2 =	vld [tilespmem:s21+$0xF030]  }
0xf9: {  	v0 =	vld [tilespmem:s21+$0xF040]  }
0xfa: {  	v1 =	vld [tilespmem:s21+$0xF050];
	v6 =	vmul.f32 $1.131370830e+01, v3  }
0xfb: {  	s23 =	simm.s32 $0x200;
	v5 =	vmul.f32 $1.131370830e+01, v5;
	v3 =	vld [tilespmem:s21+$0xF060]  }
.LBB2_11:
0xfc: {  	s25 =	sshra.s32 s23, $0x2;
	p1 =	sne.s32 s23, $0xC600;
	[tilespmem:s21+$0xF000] =	vst v6;
	v4 =	vmul.f32 $1.131370830e+01, v4;
	v6 =	vld [tilespmem:s21+$0xF070]  }
0xfd: {  	v7 =	vld [tilespmem:s25+$0xF000];
	[tilespmem:s21+$0xF010] =	vst v5;
	v2 =	vmul.f32 $1.131370830e+01, v2  }
0xfe: {  	v5 =	vld [tilespmem:s25+$0xF010];
	[tilespmem:s21+$0xF020] =	vst v4;
	v0 =	vmul.f32 $1.131370830e+01, v0  }
.Ltmp6:
0xff: {  	v4 =	vld [tilespmem:s25+$0xF020];
	[tilespmem:s21+$0xF030] =	vst v2;
	v1 =	vmul.f32 $1.131370830e+01, v1;
	(pc) =	sbr.rel @p1 .LBB2_11-.Ltmp6, $4  }
0x100: {  	v2 =	vld [tilespmem:s25+$0xF030];
	[tilespmem:s21+$0xF040] =	vst v0;
	v3 =	vmul.f32 $1.131370830e+01, v3  }
0x101: {  	v0 =	vld [tilespmem:s25+$0xF040];
	[tilespmem:s21+$0xF050] =	vst v1;
	v8 =	vmul.f32 $1.131370830e+01, v6  }
0x102: {  	v6 =	vmul.f32 $1.131370830e+01, v7;
	v1 =	vld [tilespmem:s25+$0xF050];
	[tilespmem:s21+$0xF060] =	vst v3  }
0x103: {  	s23 =	sadd.s32 $0x200, s23;
	v5 =	vmul.f32 $1.131370830e+01, v5;
	v3 =	vld [tilespmem:s25+$0xF060];
	[tilespmem:s21+$0xF070] =	vst v8;
	s21 =	smov.u32 s25  }
0x104: {  	[tilespmem:s21+$0xF000] =	vst v6;
	v4 =	vmul.f32 $1.131370830e+01, v4;
	v6 =	vld [tilespmem:s21+$0xF070]  }
0x105: {  	[tilespmem:s21+$0xF010] =	vst v5;
	v2 =	vmul.f32 $1.131370830e+01, v2  }
0x106: {  	[tilespmem:s21+$0xF020] =	vst v4;
	v0 =	vmul.f32 $1.131370830e+01, v0  }
0x107: {  	[tilespmem:s21+$0xF030] =	vst v2;
	v1 =	vmul.f32 $1.131370830e+01, v1  }
0x108: {  	s23 =	sor.u32 s11, s19;
	[tilespmem:s21+$0xF040] =	vst v0;
	v0 =	vmul.f32 $1.131370830e+01, v3  }
0x109: {  	s23 =	smul.u32 $0x380, s23;
	[tilespmem:s21+$0xF050] =	vst v1;
	v1 =	vmul.f32 $1.131370830e+01, v6  }
0x10a: {  	[tilespmem:s21+$0xF060] =	vst v0  }
0x10b: {  	s25 =	simm.s32 $0xF000;
	[tilespmem:s21+$0xF070] =	vst v1;
	s21 =	sadd.s32 s4, s23  }
0x10c: {  	[hbm4b:s21+s3] =	stream.linear.scatter [tilespmem:s25], [sflag:$0xD], $0x1900, $0x38;
	[tilespmem:$0x1C000] =	vst v63  }
0x10d: {  	s23 =	sadd.s32 s23, s7;
	s25 =	simm.s32 $0x10900;
	s21 =	simm.s32 @!p0 $0xC  }
0x10e: {  	[hbm4b:s23+s3] =	stream.linear.scatter [tilespmem:s25], [sflag:$0xD], $0x1900, $0x38;
	[tilespmem:$0x1C000] =	vst v63  }
0x10f: {  	_ =	swait.ge @!p0 [sflag:s21], $0x1900  }
0x110: {  	[sflag:s21] =	ssyncset.done @!p0 $0x0  }
0x111: {  	[sflag:s21] =	ssyncadd.s32 @!p0 $0xFFFFE700  }
0x112: {  	_ =	swait.ge @!p0 [sflag:s21], $0x1900  }
0x113: {  	s23 =	simm.s32 @!p0 $0x64;
	[sflag:s21] =	ssyncset.done @!p0 $0x0  }
0x114: {  	s25 =	simm.s32 @!p0 $0xBC00;
	[sflag:s21] =	ssyncadd.s32 @!p0 $0xFFFFE700;
	s21 =	sadd.s32 @!p0 $0x580, s14  }
0x115: {  	[tilespmem:s25], [sflag:$0x4] =	stream.indirect.gather @!p0 [hbm4b:s1+s23], $0x80, s21, s23, $0xb8;
	[tilespmem:$0x1C000] =	vst v63  }
0x116: {  	_ =	swait.ge [sflag:s15], $0x3200  }
0x117: {  	[sflag:s15] =	ssyncset.done $0x0  }
0x118: {  	s21 =	simm.s32 $0x0;
	[sflag:s15] =	ssyncadd.s32 $0xFFFFCE00  }
0x119: {  	v3 =	vld [tilespmem:s21+$0x12400]  }
0x11a: {  	v5 =	vld [tilespmem:s21+$0x12410]  }
0x11b: {  	v4 =	vld [tilespmem:s21+$0x12420]  }
0x11c: {  	v2 =	vld [tilespmem:s21+$0x12430]  }
0x11d: {  	v0 =	vld [tilespmem:s21+$0x12440]  }
0x11e: {  	v1 =	vld [tilespmem:s21+$0x12450];
	v6 =	vmul.f32 $1.131370830e+01, v3  }
0x11f: {  	s23 =	simm.s32 $0x200;
	v5 =	vmul.f32 $1.131370830e+01, v5;
	v3 =	vld [tilespmem:s21+$0x12460]  }
.LBB2_13:
0x120: {  	s25 =	sshra.s32 s23, $0x2;
	p1 =	sne.s32 s23, $0xC600;
	[tilespmem:s21+$0x12400] =	vst v6;
	v4 =	vmul.f32 $1.131370830e+01, v4;
	v6 =	vld [tilespmem:s21+$0x12470]  }
0x121: {  	v7 =	vld [tilespmem:s25+$0x12400];
	[tilespmem:s21+$0x12410] =	vst v5;
	v2 =	vmul.f32 $1.131370830e+01, v2  }
0x122: {  	v5 =	vld [tilespmem:s25+$0x12410];
	[tilespmem:s21+$0x12420] =	vst v4;
	v0 =	vmul.f32 $1.131370830e+01, v0  }
.Ltmp7:
0x123: {  	v4 =	vld [tilespmem:s25+$0x12420];
	[tilespmem:s21+$0x12430] =	vst v2;
	v1 =	vmul.f32 $1.131370830e+01, v1;
	(pc) =	sbr.rel @p1 .LBB2_13-.Ltmp7, $4  }
0x124: {  	v2 =	vld [tilespmem:s25+$0x12430];
	[tilespmem:s21+$0x12440] =	vst v0;
	v3 =	vmul.f32 $1.131370830e+01, v3  }
0x125: {  	v0 =	vld [tilespmem:s25+$0x12440];
	[tilespmem:s21+$0x12450] =	vst v1;
	v8 =	vmul.f32 $1.131370830e+01, v6  }
0x126: {  	v6 =	vmul.f32 $1.131370830e+01, v7;
	v1 =	vld [tilespmem:s25+$0x12450];
	[tilespmem:s21+$0x12460] =	vst v3  }
0x127: {  	s23 =	sadd.s32 $0x200, s23;
	v5 =	vmul.f32 $1.131370830e+01, v5;
	v3 =	vld [tilespmem:s25+$0x12460];
	[tilespmem:s21+$0x12470] =	vst v8;
	s21 =	smov.u32 s25  }
0x128: {  	[tilespmem:s21+$0x12400] =	vst v6;
	v4 =	vmul.f32 $1.131370830e+01, v4;
	v6 =	vld [tilespmem:s21+$0x12470]  }
0x129: {  	[tilespmem:s21+$0x12410] =	vst v5;
	v2 =	vmul.f32 $1.131370830e+01, v2  }
0x12a: {  	s23 =	sor.u32 s12, s19;
	[tilespmem:s21+$0x12420] =	vst v4;
	v0 =	vmul.f32 $1.131370830e+01, v0  }
0x12b: {  	s25 =	smul.u32 $0x380, s23;
	[tilespmem:s21+$0x12430] =	vst v2;
	v1 =	vmul.f32 $1.131370830e+01, v1  }
0x12c: {  	s23 =	smul.u32 $0x1C00, s23;
	[tilespmem:s21+$0x12440] =	vst v0;
	v0 =	vmul.f32 $1.131370830e+01, v3  }
0x12d: {  	[tilespmem:s21+$0x12450] =	vst v1;
	v1 =	vmul.f32 $1.131370830e+01, v6  }
0x12e: {  	s23 =	sshrl.u32 s23, $0x3;
	[tilespmem:s21+$0x12460] =	vst v0  }
0x12f: {  	s25 =	sadd.s32 s4, s25;
	[tilespmem:s21+$0x12470] =	vst v1;
	s21 =	sadd.s32 s4, s23  }
0x130: {  	[hbm4b:s25+s3] =	stream.linear.scatter [tilespmem:s28], [sflag:$0xE], $0x1900, $0x38;
	[tilespmem:$0x1C000] =	vst v63  }
0x131: {  	s21 =	sadd.s32 $0x380, s21;
	s25 =	simm.s32 $0x13D00  }
0x132: {  	[hbm4b:s21+s3] =	stream.linear.scatter [tilespmem:s25], [sflag:$0xE], $0x1900, $0x38;
	[tilespmem:$0x1C000] =	vst v63  }
0x133: {  	s21 =	simm.s32 @!p0 $0xD  }
0x134: {  	_ =	swait.ge @!p0 [sflag:s21], $0x1900  }
0x135: {  	[sflag:s21] =	ssyncset.done @!p0 $0x0  }
0x136: {  	[sflag:s21] =	ssyncadd.s32 @!p0 $0xFFFFE700  }
0x137: {  	_ =	swait.ge @!p0 [sflag:s21], $0x1900  }
0x138: {  	s23 =	simm.s32 @!p0 $0x64;
	[sflag:s21] =	ssyncset.done @!p0 $0x0  }
0x139: {  	s25 =	simm.s32 @!p0 $0xF000;
	[sflag:s21] =	ssyncadd.s32 @!p0 $0xFFFFE700;
	s21 =	sadd.s32 @!p0 $0x600, s14  }
0x13a: {  	[tilespmem:s25], [sflag:$0x5] =	stream.indirect.gather @!p0 [hbm4b:s1+s23], $0x80, s21, s23, $0xb8;
	[tilespmem:$0x1C000] =	vst v63  }
0x13b: {  	_ =	swait.ge [sflag:s20], $0x3200  }
0x13c: {  	[sflag:s20] =	ssyncset.done $0x0  }
0x13d: {  	s21 =	simm.s32 $0x0;
	[sflag:s20] =	ssyncadd.s32 $0xFFFFCE00  }
0x13e: {  	v3 =	vld [tilespmem:s21+$0x15800]  }
0x13f: {  	v5 =	vld [tilespmem:s21+$0x15810]  }
0x140: {  	v4 =	vld [tilespmem:s21+$0x15820]  }
0x141: {  	v2 =	vld [tilespmem:s21+$0x15830]  }
0x142: {  	v0 =	vld [tilespmem:s21+$0x15840]  }
0x143: {  	v1 =	vld [tilespmem:s21+$0x15850];
	v6 =	vmul.f32 $1.131370830e+01, v3  }
0x144: {  	s23 =	simm.s32 $0x200;
	v5 =	vmul.f32 $1.131370830e+01, v5;
	v3 =	vld [tilespmem:s21+$0x15860]  }
.LBB2_15:
0x145: {  	s25 =	sshra.s32 s23, $0x2;
	p1 =	sne.s32 s23, $0xC600;
	[tilespmem:s21+$0x15800] =	vst v6;
	v4 =	vmul.f32 $1.131370830e+01, v4;
	v6 =	vld [tilespmem:s21+$0x15870]  }
0x146: {  	v7 =	vld [tilespmem:s25+$0x15800];
	[tilespmem:s21+$0x15810] =	vst v5;
	v2 =	vmul.f32 $1.131370830e+01, v2  }
0x147: {  	v5 =	vld [tilespmem:s25+$0x15810];
	[tilespmem:s21+$0x15820] =	vst v4;
	v0 =	vmul.f32 $1.131370830e+01, v0  }
.Ltmp8:
0x148: {  	v4 =	vld [tilespmem:s25+$0x15820];
	[tilespmem:s21+$0x15830] =	vst v2;
	v1 =	vmul.f32 $1.131370830e+01, v1;
	(pc) =	sbr.rel @p1 .LBB2_15-.Ltmp8, $4  }
0x149: {  	v2 =	vld [tilespmem:s25+$0x15830];
	[tilespmem:s21+$0x15840] =	vst v0;
	v3 =	vmul.f32 $1.131370830e+01, v3  }
0x14a: {  	v0 =	vld [tilespmem:s25+$0x15840];
	[tilespmem:s21+$0x15850] =	vst v1;
	v8 =	vmul.f32 $1.131370830e+01, v6  }
0x14b: {  	v6 =	vmul.f32 $1.131370830e+01, v7;
	v1 =	vld [tilespmem:s25+$0x15850];
	[tilespmem:s21+$0x15860] =	vst v3  }
0x14c: {  	s23 =	sadd.s32 $0x200, s23;
	v5 =	vmul.f32 $1.131370830e+01, v5;
	v3 =	vld [tilespmem:s25+$0x15860];
	[tilespmem:s21+$0x15870] =	vst v8;
	s21 =	smov.u32 s25  }
0x14d: {  	[tilespmem:s21+$0x15800] =	vst v6;
	v4 =	vmul.f32 $1.131370830e+01, v4;
	v6 =	vld [tilespmem:s21+$0x15870]  }
0x14e: {  	[tilespmem:s21+$0x15810] =	vst v5;
	v2 =	vmul.f32 $1.131370830e+01, v2  }
0x14f: {  	s19 =	sor.u32 s13, s19;
	[tilespmem:s21+$0x15820] =	vst v4;
	v0 =	vmul.f32 $1.131370830e+01, v0  }
0x150: {  	s23 =	smul.u32 $0x380, s19;
	[tilespmem:s21+$0x15830] =	vst v2;
	v1 =	vmul.f32 $1.131370830e+01, v1  }
0x151: {  	s19 =	smul.u32 $0x1C00, s19;
	[tilespmem:s21+$0x15840] =	vst v0;
	v0 =	vmul.f32 $1.131370830e+01, v3  }
0x152: {  	[tilespmem:s21+$0x15850] =	vst v1;
	v1 =	vmul.f32 $1.131370830e+01, v6  }
0x153: {  	s19 =	sshrl.u32 s19, $0x3;
	[tilespmem:s21+$0x15860] =	vst v0  }
0x154: {  	s23 =	sadd.s32 s4, s23;
	s19 =	sadd.s32 s4, s19;
	[tilespmem:s21+$0x15870] =	vst v1  }
0x155: {  	[hbm4b:s23+s3] =	stream.linear.scatter [tilespmem:s30], [sflag:$0xF], $0x1900, $0x38;
	[tilespmem:$0x1C000] =	vst v63  }
0x156: {  	s25 =	simm.s32 $0x17100;
	s19 =	sadd.s32 $0x380, s19  }
0x157: {  	[hbm4b:s19+s3] =	stream.linear.scatter [tilespmem:s25], [sflag:$0xF], $0x1900, $0x38;
	[tilespmem:$0x1C000] =	vst v63  }
0x158: {  	s19 =	simm.s32 @!p0 $0xE  }
0x159: {  	_ =	swait.ge @!p0 [sflag:s19], $0x1900  }
0x15a: {  	[sflag:s19] =	ssyncset.done @!p0 $0x0  }
0x15b: {  	[sflag:s19] =	ssyncadd.s32 @!p0 $0xFFFFE700  }
0x15c: {  	_ =	swait.ge @!p0 [sflag:s19], $0x1900  }
0x15d: {  	s14 =	sadd.s32 @!p0 $0x680, s14;
	[sflag:s19] =	ssyncset.done @!p0 $0x0  }
0x15e: {  	s21 =	simm.s32 @!p0 $0x12400;
	[sflag:s19] =	ssyncadd.s32 @!p0 $0xFFFFE700;
	s19 =	simm.s32 @!p0 $0x64  }
0x15f: {  	[tilespmem:s21], [sflag:$0x6] =	stream.indirect.gather @!p0 [hbm4b:s1+s19], $0x80, s14, s19, $0xb8;
	[tilespmem:$0x1C000] =	vst v63  }
0x160: {  	_ =	swait.ge [sflag:s29], $0x3200  }
0x161: {  	[sflag:s29] =	ssyncset.done $0x0  }
0x162: {  	s14 =	simm.s32 $0x0;
	[sflag:s29] =	ssyncadd.s32 $0xFFFFCE00  }
0x163: {  	v2 =	vld [tilespmem:s14+$0x18C00]  }
0x164: {  	v5 =	vld [tilespmem:s14+$0x18C10]  }
0x165: {  	v4 =	vld [tilespmem:s14+$0x18C20]  }
0x166: {  	v3 =	vld [tilespmem:s14+$0x18C30]  }
0x167: {  	v0 =	vld [tilespmem:s14+$0x18C40]  }
0x168: {  	v1 =	vld [tilespmem:s14+$0x18C50];
	v6 =	vmul.f32 $1.131370830e+01, v2  }
0x169: {  	s19 =	simm.s32 $0x200;
	v5 =	vmul.f32 $1.131370830e+01, v5;
	v2 =	vld [tilespmem:s14+$0x18C60]  }
.LBB2_17:
0x16a: {  	s21 =	sshra.s32 s19, $0x2;
	p1 =	sne.s32 s19, $0xC600;
	[tilespmem:s14+$0x18C00] =	vst v6;
	v4 =	vmul.f32 $1.131370830e+01, v4;
	v6 =	vld [tilespmem:s14+$0x18C70]  }
0x16b: {  	v7 =	vld [tilespmem:s21+$0x18C00];
	[tilespmem:s14+$0x18C10] =	vst v5;
	v3 =	vmul.f32 $1.131370830e+01, v3  }
0x16c: {  	v5 =	vld [tilespmem:s21+$0x18C10];
	[tilespmem:s14+$0x18C20] =	vst v4;
	v0 =	vmul.f32 $1.131370830e+01, v0  }
.Ltmp9:
0x16d: {  	v4 =	vld [tilespmem:s21+$0x18C20];
	[tilespmem:s14+$0x18C30] =	vst v3;
	v1 =	vmul.f32 $1.131370830e+01, v1;
	(pc) =	sbr.rel @p1 .LBB2_17-.Ltmp9, $4  }
0x16e: {  	v3 =	vld [tilespmem:s21+$0x18C30];
	[tilespmem:s14+$0x18C40] =	vst v0;
	v2 =	vmul.f32 $1.131370830e+01, v2  }
0x16f: {  	v0 =	vld [tilespmem:s21+$0x18C40];
	[tilespmem:s14+$0x18C50] =	vst v1;
	v8 =	vmul.f32 $1.131370830e+01, v6  }
0x170: {  	v6 =	vmul.f32 $1.131370830e+01, v7;
	v1 =	vld [tilespmem:s21+$0x18C50];
	[tilespmem:s14+$0x18C60] =	vst v2  }
0x171: {  	s19 =	sadd.s32 $0x200, s19;
	v5 =	vmul.f32 $1.131370830e+01, v5;
	v2 =	vld [tilespmem:s21+$0x18C60];
	[tilespmem:s14+$0x18C70] =	vst v8;
	s14 =	smov.u32 s21  }
0x172: {  	[tilespmem:s14+$0x18C00] =	vst v6;
	v4 =	vmul.f32 $1.131370830e+01, v4;
	v61 =	vld [tilespmem:s14+$0x18C70]  }
0x173: {  	s19 =	sshll.u32 s24, $0x1;
	[tilespmem:s14+$0x18C10] =	vst v5;
	v3 =	vmul.f32 $1.131370830e+01, v3  }
0x174: {  	s19 =	sadd.s32 s6, s19;
	[tilespmem:s14+$0x18C20] =	vst v4;
	v0 =	vmul.f32 $1.131370830e+01, v0  }
0x175: {  	s21 =	smul.u32 $0x380, s19;
	[tilespmem:s14+$0x18C30] =	vst v3;
	v1 =	vmul.f32 $1.131370830e+01, v1  }
0x176: {  	s19 =	smul.u32 $0x1C00, s19;
	[tilespmem:s14+$0x18C40] =	vst v0;
	v62 =	vmul.f32 $1.131370830e+01, v2  }
0x177: {  	[tilespmem:s14+$0x18C50] =	vst v1;
	v63 =	vmul.f32 $1.131370830e+01, v61  }
.Ltmp10:
0x178: {  	s24 =	sshrl.u32 s19, $0x3;
	[tilespmem:s14+$0x18C60] =	vst v62;
	(pc) =	sbr.rel @p0 .LBB2_20-.Ltmp10, $4  }
0x179: {  	s23 =	sadd.s32 s4, s21;
	[tilespmem:s14+$0x18C70] =	vst v63;
	s14 =	sadd.s32 s4, s24  }
0x17a: {  	[hbm4b:s23+s3] =	stream.linear.scatter [tilespmem:s2], [sflag:$0x10], $0x1900, $0x38;
	[tilespmem:$0x1C000] =	vst v63  }
0x17b: {  	s25 =	simm.s32 $0x1A500;
	s14 =	sadd.s32 $0x380, s14  }
0x17c: {  	[hbm4b:s14+s3] =	stream.linear.scatter [tilespmem:s25], [sflag:$0x10], $0x1900, $0x38;
	[tilespmem:$0x1C000] =	vst v63  }
0x17d: {  	_ =	swait.ge [sflag:s0], $0x1900  }
0x17e: {  	[sflag:s0] =	ssyncset.done $0x0  }
.Ltmp11:
0x17f: {  	[sflag:s0] =	ssyncadd.s32 $0xFFFFE700;
	(pc) =	sbr.rel .LBB2_2-.Ltmp11, $4  }
0x180: {  	s14 =	sshll.u32 s17, $0xA;
	_ =	swait.ge [sflag:s0], $0x1900  }
0x181: {  	s14 =	sand.u32 $0x3FFFFC00, s14;
	[sflag:s0] =	ssyncset.done $0x0  }
0x182: {  	s17 =	sadd.s32 $0x1, s17;
	s14 =	sadd.s32 $0x700, s14;
	[sflag:s0] =	ssyncadd.s32 $0xFFFFE700  }
0x183: {  	[tilespmem:s30], [sflag:$0x7] =	stream.indirect.gather [hbm4b:s1+s16], $0x80, s14, s16, $0xb8;
	[tilespmem:$0x1C000] =	vst v63  }
.LBB2_21:
0x184: {  	_ =	sfence.sel $0x180000  }
0x185: {  	[bflag:$0x0] =	sbarrier.arrive $0xFFFF  }
0x186: {  	_ =	strace $0x90000047  }
0x187: {  	s0 =	stileid.u32;
	[bflag:$0x2] =	sbarrier.arrive $0xFFFF  }
0x188: {  	p0 =	sne.s32 s0, $0x0;
	s0 =	rddreg [dreg:$0x3]  }
0x189: {  	s0 =	sadd.s32 @!p0 $0x100000, s0  }
0x18a: {  	[sflag:s0] =	ssyncadd.tile.s32 @!p0 $0x1;
	_ =	shalt  }
.Lfunc_end2:
_tile_overlayer_lowered:
.L_overlay_start_2:
0x18b: {  	(tag) =	ssettag $0x2  }
0x18c: {  	s0 =	rddreg [dreg:$0x0];
	s2 =	stileid.u32  }
0x18d: {  	s1 =	rddreg [dreg:$0x1];
	p0 =	sne.s32 s2, $0x0  }
0x18e: {  	s3 =	rddreg [dreg:$0x2];
	[bflag:$0x3] =	sbarrier.arrive $0xFFFF;
	s2 =	simm.s32 @!p0 $0x1C11  }
0x18f: {  	[timem:s3], [sflag:s2] =	dma.local @!p0 [hbm:s0], s1  }
0x190: {  	s0 =	simm.s32 @!p0 $0x11  }
0x191: {  	_ =	swait.ge @!p0 [sflag:s0], s1  }
0x192: {  	s1 =	ssub.s32 @!p0 $0x0, s1;
	[sflag:s0] =	ssyncset.done @!p0 $0x0  }
0x193: {  	[sflag:s0] =	ssyncadd.s32 @!p0 s1  }
0x194: {  	[bflag:$0x3] =	sbarrier.arrive $0xFFFF  }
0x195: {  	_ =	shalt  }

</sc_bundles>
